<compile_context>
chip_gen: v7x
topology: tpu7x:2x2x1
jax: 0.10.2.dev20260603
libtpu: 0.0.44.dev20260713+nightly
codegen_flags: <defaults>
</compile_context>

<pallas_src>
import functools

import jax
import jax.numpy as jnp
from jax import lax
from jax.experimental import pallas as pl
from jax.experimental.pallas import tpu as pltpu
from jax.experimental.pallas import tpu_sc as plsc

N = 10000
D = 128
NC = 2
NS = 16
NW = NC * NS
CHUNK = 128
BLK = 112
SB = 24
NBUF = 3
BPT = 96
TBLK = NW * BPT
EPAD = TBLK * BLK
CPW = EPAD // NW // CHUNK
NPAD = 10112
TRASH = N
RPT = NPAD // NS
OPT = 624
OTAIL = N - NS * OPT

_MESH = plsc.VectorSubcoreMesh(core_axis_name="c", subcore_axis_name="s")


@functools.partial(
    pl.kernel,
    out_type=[jax.ShapeDtypeStruct((NPAD,), jnp.float32),
              jax.ShapeDtypeStruct((NPAD,), jnp.float32)],
    mesh=_MESH,
    scratch_types=[
        pltpu.VMEM((CPW, CHUNK), jnp.int32),
        pltpu.VMEM((CHUNK,), jnp.float32),
        pltpu.VMEM((640,), jnp.float32),
        pltpu.VMEM_SHARED((NPAD,), jnp.float32),
        pltpu.SemaphoreType.DMA,
    ],
)
def _deg_kernel(col_hbm, deg0_out, deg1_out, colva, ones, stage, dacc, sem):
    c = lax.axis_index("c")
    s = lax.axis_index("s")
    wid = c * NS + s

    for i in range(640 // 16):
        stage[pl.ds(i * 16, 16)] = jnp.zeros((16,), jnp.float32)
    for i in range(CHUNK // 16):
        ones[pl.ds(i * 16, 16)] = jnp.ones((16,), jnp.float32)
    pltpu.sync_copy(stage.at[pl.ds(0, RPT)], dacc.at[pl.ds(s * RPT, RPT)])
    pltpu.sync_copy(col_hbm.at[wid], colva)
    plsc.subcore_barrier()

    @pl.loop(0, CPW)
    def _(j):
        pltpu.async_copy(ones, dacc.at[colva.at[j]], sem, add=True)

    @pl.loop(0, CPW)
    def _(j):
        pltpu.make_async_copy(ones, dacc.at[colva.at[0]], sem).wait()

    plsc.subcore_barrier()
    pltpu.sync_copy(dacc.at[pl.ds(s * RPT, RPT)], stage.at[pl.ds(0, RPT)])

    @pl.when(c == 0)
    def _():
        pltpu.sync_copy(stage.at[pl.ds(0, RPT)],
                        deg0_out.at[pl.ds(s * RPT, RPT)])

    @pl.when(c == 1)
    def _():
        pltpu.sync_copy(stage.at[pl.ds(0, RPT)],
                        deg1_out.at[pl.ds(s * RPT, RPT)])


@functools.partial(
    pl.kernel,
    out_type=jax.ShapeDtypeStruct((NC, N, D), jnp.float32),
    mesh=_MESH,
    scratch_types=[
        pltpu.VMEM((SB, BLK), jnp.int32),
        pltpu.VMEM((SB, BLK), jnp.int32),
        [pltpu.VMEM((BLK, D), jnp.float32) for _ in range(NBUF)],
        pltpu.VMEM_SHARED((NPAD, D), jnp.float32),
        [pltpu.SemaphoreType.DMA for _ in range(NBUF)],
        [pltpu.SemaphoreType.DMA for _ in range(NBUF)],
    ],
)
def _msg_kernel(hs_hbm, row_hbm, col_hbm, m_out, rowv, colv, bufs, macc,
                gsem, ssem):
    c = lax.axis_index("c")
    s = lax.axis_index("s")
    wid = c * NS + s
    base = wid * BPT

    @pl.loop(0, BLK)
    def _(i):
        for l in range(D // 16):
            bufs[0][i, pl.ds(l * 16, 16)] = jnp.zeros((16,), jnp.float32)

    for t in range(RPT // BLK):
        pltpu.sync_copy(bufs[0], macc.at[pl.ds(s * RPT + t * BLK, BLK)])
    rem = RPT - (RPT // BLK) * BLK
    pltpu.sync_copy(bufs[0].at[pl.ds(0, rem)],
                    macc.at[pl.ds(s * RPT + RPT - rem, rem)])
    plsc.subcore_barrier()

    @pl.loop(0, BPT // SB)
    def _(sb):
        off = pl.multiple_of(base + sb * SB, 8)
        pltpu.sync_copy(row_hbm.at[pl.ds(off, SB)], rowv)
        pltpu.sync_copy(col_hbm.at[pl.ds(off, SB)], colv)

        gd = {}
        sd = {}
        waited = set()

        def fire_gather(j):
            bb = j % NBUF
            gd[j] = pltpu.async_copy(hs_hbm.at[rowv.at[j]], bufs[bb], gsem[bb])

        fire_gather(0)
        fire_gather(1)
        for i in range(SB):
            j = i + 2
            if j < SB:
                if (j - NBUF) in sd:
                    sd[j - NBUF].wait()
                    waited.add(j - NBUF)
                fire_gather(j)
            gd[i].wait()
            sd[i] = pltpu.async_copy(bufs[i % NBUF], macc.at[colv.at[i]],
                                     ssem[i % NBUF], add=True)
        for i in range(SB):
            if i not in waited:
                sd[i].wait()

    plsc.subcore_barrier()
    pltpu.sync_copy(macc.at[pl.ds(s * OPT, OPT)],
                    m_out.at[c, pl.ds(s * OPT, OPT)])

    @pl.when(s == 0)
    def _():
        pltpu.sync_copy(macc.at[pl.ds(NS * OPT, OTAIL)],
                        m_out.at[c, pl.ds(NS * OPT, OTAIL)])


def _mm_body(x_ref, w_ref, d0_ref, d1_ref, hs_ref):
    dinv = lax.rsqrt(d0_ref[...] + d1_ref[...] + 1.0)
    h = jnp.dot(x_ref[...], w_ref[...], preferred_element_type=jnp.float32)
    hs_ref[...] = dinv * h


def _out_body(mp_ref, hs_ref, d0_ref, d1_ref, b_ref, out_ref):
    dinv = lax.rsqrt(d0_ref[...] + d1_ref[...] + 1.0)
    m = mp_ref[0] + mp_ref[1] + hs_ref[...]
    out_ref[...] = dinv * m + b_ref[...][None, :]


def kernel(encodings, subnetwork, W, b):
    E = subnetwork.shape[1]
    row = subnetwork[0]
    col = subnetwork[1]
    pad = jnp.arange(EPAD - E, dtype=jnp.int32)
    rowf = jnp.concatenate([row, pad % N])
    colf = jnp.concatenate([col, TRASH + pad % (NPAD - N)])
    BPW = TBLK // NW
    rowp = rowf.reshape(BPW, NW, BLK).swapaxes(0, 1).reshape(TBLK, BLK)
    colp3 = colf.reshape(BPW, NW, BLK).swapaxes(0, 1)
    colp = colp3.reshape(TBLK, BLK)

    dga, dgb = _deg_kernel(colp3.reshape(NW, CPW, CHUNK))
    d0 = dga[:N].reshape(N, 1)
    d1 = dgb[:N].reshape(N, 1)

    hs = pl.pallas_call(
        _mm_body,
        out_shape=jax.ShapeDtypeStruct((N, D), jnp.float32),
    )(encodings, W, d0, d1)

    mp = _msg_kernel(hs, rowp, colp)

    out = pl.pallas_call(
        _out_body,
        out_shape=jax.ShapeDtypeStruct((N, D), jnp.float32),
    )(mp, hs, d0, d1, b)
    return out

# --- scband reference (transcript-rebuilt; emitter-appended) ---
"""Pipeline reference for scband-gcn-10247791969042 (READ-ONLY COPY).

The authoritative reference and input builder live on the scoring server;
editing this copy changes nothing except your own understanding.
"""

import jax, jax.numpy as jnp
import numpy as np

N = 10000
E = 320000
D_IN = 128
D_OUT = 128


def setup_inputs(seed: int = 0) -> dict:
    key = jax.random.key(seed)
    k1, k2, k3 = jax.random.split(key, 3)
    encodings = jax.random.normal(k1, (N, D_IN), dtype=jnp.float32)
    subnetwork = jax.random.randint(k2, (2, E), 0, N, dtype=jnp.int32)
    # GCNConv learned parameters (glorot-style init for weight, zeros for bias)
    W = jax.random.normal(k3, (D_IN, D_OUT), dtype=jnp.float32) * (1.0 / np.sqrt(D_IN))
    b = jnp.zeros((D_OUT,), dtype=jnp.float32)
    return {"encodings": encodings, "subnetwork": subnetwork, "W": W, "b": b}


def reference(encodings, subnetwork, W, b):
    # Faithful GCNConv (PyG semantics, add_self_loops=True, symmetric normalization):
    #   X' = D^{-1/2} (A + I) D^{-1/2} X W + b
    row = subnetwork[0]
    col = subnetwork[1]
    loop = jnp.arange(N, dtype=subnetwork.dtype)
    row = jnp.concatenate([row, loop])
    col = jnp.concatenate([col, loop])
    # linear transform first (out_channels)
    h = encodings @ W
    # degree computed on destination (col), edge weights all 1
    ones = jnp.ones(row.shape[0], dtype=jnp.float32)
    deg = jnp.zeros((N,), dtype=jnp.float32).at[col].add(ones)
    deg_inv_sqrt = jnp.where(deg > 0, 1.0 / jnp.sqrt(deg), 0.0)
    norm = deg_inv_sqrt[row] * deg_inv_sqrt[col]
    # gather messages from source nodes, scale, scatter-add to destinations
    msg = h[row] * norm[:, None]
    out = jnp.zeros((N, D_OUT), dtype=jnp.float32).at[col].add(msg)
    out = out + b
    return out

if __name__ == "__main__":
    import jax
    _d = setup_inputs()
    print(jax.jit(kernel)(*tuple(_d.values())))

</pallas_src>

<mosaic_0001>
#map = affine_map<(d0, d1) -> (0, 0)>
#map1 = affine_map<(d0, d1) -> (0, 0, 0)>
module attributes {stable_mosaic.version = 14 : i64} {
  func.func @_msg_kernel(%arg0: i32, %arg1: i32, %arg2: memref<10000x128xf32, #tpu.memory_space<hbm>>, %arg3: memref<3072x112xi32, #tpu.memory_space<hbm>>, %arg4: memref<3072x112xi32, #tpu.memory_space<hbm>>, %arg5: memref<2x10000x128xf32, #tpu.memory_space<hbm>>, %arg6: memref<24x112xi32, #tpu.memory_space<vmem>>, %arg7: memref<24x112xi32, #tpu.memory_space<vmem>>, %arg8: memref<112x128xf32, #tpu.memory_space<vmem>>, %arg9: memref<112x128xf32, #tpu.memory_space<vmem>>, %arg10: memref<112x128xf32, #tpu.memory_space<vmem>>, %arg11: memref<10112x128xf32, #tpu.memory_space<vmem_shared>>, %arg12: memref<!tpu.dma_semaphore, #tpu.memory_space<semaphore_mem>>, %arg13: memref<!tpu.dma_semaphore, #tpu.memory_space<semaphore_mem>>, %arg14: memref<!tpu.dma_semaphore, #tpu.memory_space<semaphore_mem>>, %arg15: memref<!tpu.dma_semaphore, #tpu.memory_space<semaphore_mem>>, %arg16: memref<!tpu.dma_semaphore, #tpu.memory_space<semaphore_mem>>, %arg17: memref<!tpu.dma_semaphore, #tpu.memory_space<semaphore_mem>>) attributes {dimension_semantics = [#tpu.dimension_semantics<core_parallel>, #tpu.dimension_semantics<subcore_parallel>], iteration_bounds = array<i64: 2, 16>, scalar_prefetch = 0 : i64, scratch_operands = 12 : i64, tpu.core_type = #tpu.core_type<sc_vector_subcore>, window_params = [{transform_indices = #map}, {transform_indices = #map}, {transform_indices = #map}, {transform_indices = #map1}]} {
    %mul3A = arith.constant 16 : i32
    %mul3A_0 = arith.muli %arg0, %mul3A : i32
    %add3A = arith.addi %mul3A_0, %arg1 : i32
    %mul3A_1 = arith.constant 96 : i32
    %mul3A_2 = arith.muli %add3A, %mul3A_1 : i32
    %scan3A = arith.constant 0 : i32
    %scan3A_3 = arith.constant 112 : i32
    %scan3A_4 = arith.addi %scan3A, %scan3A_3 : i32
    %scan3A_5 = arith.constant 1 : i32
    scf.for %scan3A_44 = %scan3A to %scan3A_4 step %scan3A_5  : i32 {
      %mul3A_45 = arith.constant 1 : i32
      %mul3A_46 = arith.muli %scan3A_44, %mul3A_45 : i32
      %add3A_47 = arith.constant 0 : i32
      %add3A_48 = arith.addi %add3A_47, %mul3A_46 : i32
      %broadcast_in_dim3A = arith.constant 0.000000e+00 : f32
      %broadcast_in_dim3A_49 = vector.broadcast %broadcast_in_dim3A : f32 to vector<16xf32>
      %swap3A = arith.index_cast %add3A_48 : i32 to index
      %swap3A_50 = arith.constant 0 : index
      %swap3A_51 = tpu.vector_load %arg8[%swap3A, %swap3A_50] {strides = array<i32>} : memref<112x128xf32, #tpu.memory_space<vmem>>, vector<1x16xf32>,
      %swap3A_52 = vector.shape_cast %swap3A_51 : vector<1x16xf32> to vector<16xf32>
      %swap3A_53 = vector.shape_cast %broadcast_in_dim3A_49 : vector<16xf32> to vector<1x16xf32>
      tpu.vector_store %arg8[%swap3A, %swap3A_50], %swap3A_53 {strides = array<i32>} : memref<112x128xf32, #tpu.memory_space<vmem>>, vector<1x16xf32>,
      %broadcast_in_dim3A_54 = arith.constant 0.000000e+00 : f32
      %broadcast_in_dim3A_55 = vector.broadcast %broadcast_in_dim3A_54 : f32 to vector<16xf32>
      %swap3A_56 = arith.index_cast %add3A_48 : i32 to index
      %swap3A_57 = arith.constant 16 : index
      %swap3A_58 = tpu.vector_load %arg8[%swap3A_56, %swap3A_57] {strides = array<i32>} : memref<112x128xf32, #tpu.memory_space<vmem>>, vector<1x16xf32>,
      %swap3A_59 = vector.shape_cast %swap3A_58 : vector<1x16xf32> to vector<16xf32>
      %swap3A_60 = vector.shape_cast %broadcast_in_dim3A_55 : vector<16xf32> to vector<1x16xf32>
      tpu.vector_store %arg8[%swap3A_56, %swap3A_57], %swap3A_60 {strides = array<i32>} : memref<112x128xf32, #tpu.memory_space<vmem>>, vector<1x16xf32>,
      %broadcast_in_dim3A_61 = arith.constant 0.000000e+00 : f32
      %broadcast_in_dim3A_62 = vector.broadcast %broadcast_in_dim3A_61 : f32 to vector<16xf32>
      %swap3A_63 = arith.index_cast %add3A_48 : i32 to index
      %swap3A_64 = arith.constant 32 : index
      %swap3A_65 = tpu.vector_load %arg8[%swap3A_63, %swap3A_64] {strides = array<i32>} : memref<112x128xf32, #tpu.memory_space<vmem>>, vector<1x16xf32>,
      %swap3A_66 = vector.shape_cast %swap3A_65 : vector<1x16xf32> to vector<16xf32>
      %swap3A_67 = vector.shape_cast %broadcast_in_dim3A_62 : vector<16xf32> to vector<1x16xf32>
      tpu.vector_store %arg8[%swap3A_63, %swap3A_64], %swap3A_67 {strides = array<i32>} : memref<112x128xf32, #tpu.memory_space<vmem>>, vector<1x16xf32>,
      %broadcast_in_dim3A_68 = arith.constant 0.000000e+00 : f32
      %broadcast_in_dim3A_69 = vector.broadcast %broadcast_in_dim3A_68 : f32 to vector<16xf32>
      %swap3A_70 = arith.index_cast %add3A_48 : i32 to index
      %swap3A_71 = arith.constant 48 : index
      %swap3A_72 = tpu.vector_load %arg8[%swap3A_70, %swap3A_71] {strides = array<i32>} : memref<112x128xf32, #tpu.memory_space<vmem>>, vector<1x16xf32>,
      %swap3A_73 = vector.shape_cast %swap3A_72 : vector<1x16xf32> to vector<16xf32>
      %swap3A_74 = vector.shape_cast %broadcast_in_dim3A_69 : vector<16xf32> to vector<1x16xf32>
      tpu.vector_store %arg8[%swap3A_70, %swap3A_71], %swap3A_74 {strides = array<i32>} : memref<112x128xf32, #tpu.memory_space<vmem>>, vector<1x16xf32>,
      %broadcast_in_dim3A_75 = arith.constant 0.000000e+00 : f32
      %broadcast_in_dim3A_76 = vector.broadcast %broadcast_in_dim3A_75 : f32 to vector<16xf32>
      %swap3A_77 = arith.index_cast %add3A_48 : i32 to index
      %swap3A_78 = arith.constant 64 : index
      %swap3A_79 = tpu.vector_load %arg8[%swap3A_77, %swap3A_78] {strides = array<i32>} : memref<112x128xf32, #tpu.memory_space<vmem>>, vector<1x16xf32>,
      %swap3A_80 = vector.shape_cast %swap3A_79 : vector<1x16xf32> to vector<16xf32>
      %swap3A_81 = vector.shape_cast %broadcast_in_dim3A_76 : vector<16xf32> to vector<1x16xf32>
      tpu.vector_store %arg8[%swap3A_77, %swap3A_78], %swap3A_81 {strides = array<i32>} : memref<112x128xf32, #tpu.memory_space<vmem>>, vector<1x16xf32>,
      %broadcast_in_dim3A_82 = arith.constant 0.000000e+00 : f32
      %broadcast_in_dim3A_83 = vector.broadcast %broadcast_in_dim3A_82 : f32 to vector<16xf32>
      %swap3A_84 = arith.index_cast %add3A_48 : i32 to index
      %swap3A_85 = arith.constant 80 : index
      %swap3A_86 = tpu.vector_load %arg8[%swap3A_84, %swap3A_85] {strides = array<i32>} : memref<112x128xf32, #tpu.memory_space<vmem>>, vector<1x16xf32>,
      %swap3A_87 = vector.shape_cast %swap3A_86 : vector<1x16xf32> to vector<16xf32>
      %swap3A_88 = vector.shape_cast %broadcast_in_dim3A_83 : vector<16xf32> to vector<1x16xf32>
      tpu.vector_store %arg8[%swap3A_84, %swap3A_85], %swap3A_88 {strides = array<i32>} : memref<112x128xf32, #tpu.memory_space<vmem>>, vector<1x16xf32>,
      %broadcast_in_dim3A_89 = arith.constant 0.000000e+00 : f32
      %broadcast_in_dim3A_90 = vector.broadcast %broadcast_in_dim3A_89 : f32 to vector<16xf32>
      %swap3A_91 = arith.index_cast %add3A_48 : i32 to index
      %swap3A_92 = arith.constant 96 : index
      %swap3A_93 = tpu.vector_load %arg8[%swap3A_91, %swap3A_92] {strides = array<i32>} : memref<112x128xf32, #tpu.memory_space<vmem>>, vector<1x16xf32>,
      %swap3A_94 = vector.shape_cast %swap3A_93 : vector<1x16xf32> to vector<16xf32>
      %swap3A_95 = vector.shape_cast %broadcast_in_dim3A_90 : vector<16xf32> to vector<1x16xf32>
      tpu.vector_store %arg8[%swap3A_91, %swap3A_92], %swap3A_95 {strides = array<i32>} : memref<112x128xf32, #tpu.memory_space<vmem>>, vector<1x16xf32>,
      %broadcast_in_dim3A_96 = arith.constant 0.000000e+00 : f32
      %broadcast_in_dim3A_97 = vector.broadcast %broadcast_in_dim3A_96 : f32 to vector<16xf32>
      %swap3A_98 = arith.index_cast %add3A_48 : i32 to index
      %swap3A_99 = arith.constant 112 : index
      %swap3A_100 = tpu.vector_load %arg8[%swap3A_98, %swap3A_99] {strides = array<i32>} : memref<112x128xf32, #tpu.memory_space<vmem>>, vector<1x16xf32>,
      %swap3A_101 = vector.shape_cast %swap3A_100 : vector<1x16xf32> to vector<16xf32>
      %swap3A_102 = vector.shape_cast %broadcast_in_dim3A_97 : vector<16xf32> to vector<1x16xf32>
      tpu.vector_store %arg8[%swap3A_98, %swap3A_99], %swap3A_102 {strides = array<i32>} : memref<112x128xf32, #tpu.memory_space<vmem>>, vector<1x16xf32>,
    }
    %scan3A_6 = arith.constant 112 : i32
    %mul3A_7 = arith.constant 632 : i32
    %mul3A_8 = arith.muli %arg1, %mul3A_7 : i32
    %add3A_9 = arith.constant 0 : i32
    %add3A_10 = arith.addi %mul3A_8, %add3A_9 : i32
    "tpu.region"() ({
      %run_scoped3A = tpu.sem_alloc : memref<!tpu.dma_semaphore, #tpu.memory_space<semaphore_mem>>
      %dma_start3A = arith.constant 0 : i32
      %dma_start3A_44 = tpu.memref_slice %arg11[%add3A_10, %dma_start3A] : memref<10112x128xf32, #tpu.memory_space<vmem_shared>> -> memref<112x128xf32, #tpu.memory_space<vmem_shared>>
      %dma_start3A_45 = arith.constant 0 : i32
      %dma_start3A_46 = tpu.memref_slice %arg11[%add3A_10, %dma_start3A_45] : memref<10112x128xf32, #tpu.memory_space<vmem_shared>> -> memref<112x128xf32, #tpu.memory_space<vmem_shared>>
      tpu.enqueue_dma source(%arg8 : memref<112x128xf32, #tpu.memory_space<vmem>>) target(%dma_start3A_46 : memref<112x128xf32, #tpu.memory_space<vmem_shared>>) target_semaphore(%run_scoped3A : memref<!tpu.dma_semaphore, #tpu.memory_space<semaphore_mem>>)
      %dma_wait3A = arith.constant 0 : i32
      %dma_wait3A_47 = tpu.memref_slice %arg11[%add3A_10, %dma_wait3A] : memref<10112x128xf32, #tpu.memory_space<vmem_shared>> -> memref<112x128xf32, #tpu.memory_space<vmem_shared>>
      %dma_wait3A_48 = arith.constant 0 : i32
      %dma_wait3A_49 = tpu.memref_slice %arg11[%add3A_10, %dma_wait3A_48] : memref<10112x128xf32, #tpu.memory_space<vmem_shared>> -> memref<112x128xf32, #tpu.memory_space<vmem_shared>>
      tpu.wait_dma2 semaphore(%run_scoped3A : memref<!tpu.dma_semaphore, #tpu.memory_space<semaphore_mem>>) src(%arg8 : memref<112x128xf32, #tpu.memory_space<vmem>>) dst(%dma_wait3A_49 : memref<112x128xf32, #tpu.memory_space<vmem_shared>>)
      tpu.yield
    }) : () -> ()
    %mul3A_11 = arith.constant 632 : i32
    %mul3A_12 = arith.muli %arg1, %mul3A_11 : i32
    %add3A_13 = arith.constant 112 : i32
    %add3A_14 = arith.addi %mul3A_12, %add3A_13 : i32
    "tpu.region"() ({
      %run_scoped3A = tpu.sem_alloc : memref<!tpu.dma_semaphore, #tpu.memory_space<semaphore_mem>>
      %dma_start3A = arith.constant 0 : i32
      %dma_start3A_44 = tpu.memref_slice %arg11[%add3A_14, %dma_start3A] : memref<10112x128xf32, #tpu.memory_space<vmem_shared>> -> memref<112x128xf32, #tpu.memory_space<vmem_shared>>
      %dma_start3A_45 = arith.constant 0 : i32
      %dma_start3A_46 = tpu.memref_slice %arg11[%add3A_14, %dma_start3A_45] : memref<10112x128xf32, #tpu.memory_space<vmem_shared>> -> memref<112x128xf32, #tpu.memory_space<vmem_shared>>
      tpu.enqueue_dma source(%arg8 : memref<112x128xf32, #tpu.memory_space<vmem>>) target(%dma_start3A_46 : memref<112x128xf32, #tpu.memory_space<vmem_shared>>) target_semaphore(%run_scoped3A : memref<!tpu.dma_semaphore, #tpu.memory_space<semaphore_mem>>)
      %dma_wait3A = arith.constant 0 : i32
      %dma_wait3A_47 = tpu.memref_slice %arg11[%add3A_14, %dma_wait3A] : memref<10112x128xf32, #tpu.memory_space<vmem_shared>> -> memref<112x128xf32, #tpu.memory_space<vmem_shared>>
      %dma_wait3A_48 = arith.constant 0 : i32
      %dma_wait3A_49 = tpu.memref_slice %arg11[%add3A_14, %dma_wait3A_48] : memref<10112x128xf32, #tpu.memory_space<vmem_shared>> -> memref<112x128xf32, #tpu.memory_space<vmem_shared>>
      tpu.wait_dma2 semaphore(%run_scoped3A : memref<!tpu.dma_semaphore, #tpu.memory_space<semaphore_mem>>) src(%arg8 : memref<112x128xf32, #tpu.memory_space<vmem>>) dst(%dma_wait3A_49 : memref<112x128xf32, #tpu.memory_space<vmem_shared>>)
      tpu.yield
    }) : () -> ()
    %mul3A_15 = arith.constant 632 : i32
    %mul3A_16 = arith.muli %arg1, %mul3A_15 : i32
    %add3A_17 = arith.constant 224 : i32
    %add3A_18 = arith.addi %mul3A_16, %add3A_17 : i32
    "tpu.region"() ({
      %run_scoped3A = tpu.sem_alloc : memref<!tpu.dma_semaphore, #tpu.memory_space<semaphore_mem>>
      %dma_start3A = arith.constant 0 : i32
      %dma_start3A_44 = tpu.memref_slice %arg11[%add3A_18, %dma_start3A] : memref<10112x128xf32, #tpu.memory_space<vmem_shared>> -> memref<112x128xf32, #tpu.memory_space<vmem_shared>>
      %dma_start3A_45 = arith.constant 0 : i32
      %dma_start3A_46 = tpu.memref_slice %arg11[%add3A_18, %dma_start3A_45] : memref<10112x128xf32, #tpu.memory_space<vmem_shared>> -> memref<112x128xf32, #tpu.memory_space<vmem_shared>>
      tpu.enqueue_dma source(%arg8 : memref<112x128xf32, #tpu.memory_space<vmem>>) target(%dma_start3A_46 : memref<112x128xf32, #tpu.memory_space<vmem_shared>>) target_semaphore(%run_scoped3A : memref<!tpu.dma_semaphore, #tpu.memory_space<semaphore_mem>>)
      %dma_wait3A = arith.constant 0 : i32
      %dma_wait3A_47 = tpu.memref_slice %arg11[%add3A_18, %dma_wait3A] : memref<10112x128xf32, #tpu.memory_space<vmem_shared>> -> memref<112x128xf32, #tpu.memory_space<vmem_shared>>
      %dma_wait3A_48 = arith.constant 0 : i32
      %dma_wait3A_49 = tpu.memref_slice %arg11[%add3A_18, %dma_wait3A_48] : memref<10112x128xf32, #tpu.memory_space<vmem_shared>> -> memref<112x128xf32, #tpu.memory_space<vmem_shared>>
      tpu.wait_dma2 semaphore(%run_scoped3A : memref<!tpu.dma_semaphore, #tpu.memory_space<semaphore_mem>>) src(%arg8 : memref<112x128xf32, #tpu.memory_space<vmem>>) dst(%dma_wait3A_49 : memref<112x128xf32, #tpu.memory_space<vmem_shared>>)
      tpu.yield
    }) : () -> ()
    %mul3A_19 = arith.constant 632 : i32
    %mul3A_20 = arith.muli %arg1, %mul3A_19 : i32
    %add3A_21 = arith.constant 336 : i32
    %add3A_22 = arith.addi %mul3A_20, %add3A_21 : i32
    "tpu.region"() ({
      %run_scoped3A = tpu.sem_alloc : memref<!tpu.dma_semaphore, #tpu.memory_space<semaphore_mem>>
      %dma_start3A = arith.constant 0 : i32
      %dma_start3A_44 = tpu.memref_slice %arg11[%add3A_22, %dma_start3A] : memref<10112x128xf32, #tpu.memory_space<vmem_shared>> -> memref<112x128xf32, #tpu.memory_space<vmem_shared>>
      %dma_start3A_45 = arith.constant 0 : i32
      %dma_start3A_46 = tpu.memref_slice %arg11[%add3A_22, %dma_start3A_45] : memref<10112x128xf32, #tpu.memory_space<vmem_shared>> -> memref<112x128xf32, #tpu.memory_space<vmem_shared>>
      tpu.enqueue_dma source(%arg8 : memref<112x128xf32, #tpu.memory_space<vmem>>) target(%dma_start3A_46 : memref<112x128xf32, #tpu.memory_space<vmem_shared>>) target_semaphore(%run_scoped3A : memref<!tpu.dma_semaphore, #tpu.memory_space<semaphore_mem>>)
      %dma_wait3A = arith.constant 0 : i32
      %dma_wait3A_47 = tpu.memref_slice %arg11[%add3A_22, %dma_wait3A] : memref<10112x128xf32, #tpu.memory_space<vmem_shared>> -> memref<112x128xf32, #tpu.memory_space<vmem_shared>>
      %dma_wait3A_48 = arith.constant 0 : i32
      %dma_wait3A_49 = tpu.memref_slice %arg11[%add3A_22, %dma_wait3A_48] : memref<10112x128xf32, #tpu.memory_space<vmem_shared>> -> memref<112x128xf32, #tpu.memory_space<vmem_shared>>
      tpu.wait_dma2 semaphore(%run_scoped3A : memref<!tpu.dma_semaphore, #tpu.memory_space<semaphore_mem>>) src(%arg8 : memref<112x128xf32, #tpu.memory_space<vmem>>) dst(%dma_wait3A_49 : memref<112x128xf32, #tpu.memory_space<vmem_shared>>)
      tpu.yield
    }) : () -> ()
    %mul3A_23 = arith.constant 632 : i32
    %mul3A_24 = arith.muli %arg1, %mul3A_23 : i32
    %add3A_25 = arith.constant 448 : i32
    %add3A_26 = arith.addi %mul3A_24, %add3A_25 : i32
    "tpu.region"() ({
      %run_scoped3A = tpu.sem_alloc : memref<!tpu.dma_semaphore, #tpu.memory_space<semaphore_mem>>
      %dma_start3A = arith.constant 0 : i32
      %dma_start3A_44 = tpu.memref_slice %arg11[%add3A_26, %dma_start3A] : memref<10112x128xf32, #tpu.memory_space<vmem_shared>> -> memref<112x128xf32, #tpu.memory_space<vmem_shared>>
      %dma_start3A_45 = arith.constant 0 : i32
      %dma_start3A_46 = tpu.memref_slice %arg11[%add3A_26, %dma_start3A_45] : memref<10112x128xf32, #tpu.memory_space<vmem_shared>> -> memref<112x128xf32, #tpu.memory_space<vmem_shared>>
      tpu.enqueue_dma source(%arg8 : memref<112x128xf32, #tpu.memory_space<vmem>>) target(%dma_start3A_46 : memref<112x128xf32, #tpu.memory_space<vmem_shared>>) target_semaphore(%run_scoped3A : memref<!tpu.dma_semaphore, #tpu.memory_space<semaphore_mem>>)
      %dma_wait3A = arith.constant 0 : i32
      %dma_wait3A_47 = tpu.memref_slice %arg11[%add3A_26, %dma_wait3A] : memref<10112x128xf32, #tpu.memory_space<vmem_shared>> -> memref<112x128xf32, #tpu.memory_space<vmem_shared>>
      %dma_wait3A_48 = arith.constant 0 : i32
      %dma_wait3A_49 = tpu.memref_slice %arg11[%add3A_26, %dma_wait3A_48] : memref<10112x128xf32, #tpu.memory_space<vmem_shared>> -> memref<112x128xf32, #tpu.memory_space<vmem_shared>>
      tpu.wait_dma2 semaphore(%run_scoped3A : memref<!tpu.dma_semaphore, #tpu.memory_space<semaphore_mem>>) src(%arg8 : memref<112x128xf32, #tpu.memory_space<vmem>>) dst(%dma_wait3A_49 : memref<112x128xf32, #tpu.memory_space<vmem_shared>>)
      tpu.yield
    }) : () -> ()
    %mul3A_27 = arith.constant 632 : i32
    %mul3A_28 = arith.muli %arg1, %mul3A_27 : i32
    %add3A_29 = arith.constant 632 : i32
    %add3A_30 = arith.addi %mul3A_28, %add3A_29 : i32
    %sub3A = arith.constant 72 : i32
    %sub3A_31 = arith.subi %add3A_30, %sub3A : i32
    "tpu.region"() ({
      %run_scoped3A = tpu.sem_alloc : memref<!tpu.dma_semaphore, #tpu.memory_space<semaphore_mem>>
      %dma_start3A = arith.constant 0 : i32
      %dma_start3A_44 = arith.constant 0 : i32
      %dma_start3A_45 = tpu.memref_slice %arg8[%dma_start3A, %dma_start3A_44] : memref<112x128xf32, #tpu.memory_space<vmem>> -> memref<72x128xf32, #tpu.memory_space<vmem>>
      %dma_start3A_46 = arith.constant 0 : i32
      %dma_start3A_47 = tpu.memref_slice %arg11[%sub3A_31, %dma_start3A_46] : memref<10112x128xf32, #tpu.memory_space<vmem_shared>> -> memref<72x128xf32, #tpu.memory_space<vmem_shared>>
      %dma_start3A_48 = arith.constant 0 : i32
      %dma_start3A_49 = tpu.memref_slice %arg11[%sub3A_31, %dma_start3A_48] : memref<10112x128xf32, #tpu.memory_space<vmem_shared>> -> memref<72x128xf32, #tpu.memory_space<vmem_shared>>
      %dma_start3A_50 = arith.constant 0 : i32
      %dma_start3A_51 = arith.constant 0 : i32
      %dma_start3A_52 = tpu.memref_slice %arg8[%dma_start3A_50, %dma_start3A_51] : memref<112x128xf32, #tpu.memory_space<vmem>> -> memref<72x128xf32, #tpu.memory_space<vmem>>
      tpu.enqueue_dma source(%dma_start3A_52 : memref<72x128xf32, #tpu.memory_space<vmem>>) target(%dma_start3A_49 : memref<72x128xf32, #tpu.memory_space<vmem_shared>>) target_semaphore(%run_scoped3A : memref<!tpu.dma_semaphore, #tpu.memory_space<semaphore_mem>>)
      %dma_wait3A = arith.constant 0 : i32
      %dma_wait3A_53 = arith.constant 0 : i32
      %dma_wait3A_54 = tpu.memref_slice %arg8[%dma_wait3A, %dma_wait3A_53] : memref<112x128xf32, #tpu.memory_space<vmem>> -> memref<72x128xf32, #tpu.memory_space<vmem>>
      %dma_wait3A_55 = arith.constant 0 : i32
      %dma_wait3A_56 = tpu.memref_slice %arg11[%sub3A_31, %dma_wait3A_55] : memref<10112x128xf32, #tpu.memory_space<vmem_shared>> -> memref<72x128xf32, #tpu.memory_space<vmem_shared>>
      %dma_wait3A_57 = arith.constant 0 : i32
      %dma_wait3A_58 = tpu.memref_slice %arg11[%sub3A_31, %dma_wait3A_57] : memref<10112x128xf32, #tpu.memory_space<vmem_shared>> -> memref<72x128xf32, #tpu.memory_space<vmem_shared>>
      %dma_wait3A_59 = arith.constant 0 : i32
      %dma_wait3A_60 = arith.constant 0 : i32
      %dma_wait3A_61 = tpu.memref_slice %arg8[%dma_wait3A_59, %dma_wait3A_60] : memref<112x128xf32, #tpu.memory_space<vmem>> -> memref<72x128xf32, #tpu.memory_space<vmem>>
      tpu.wait_dma2 semaphore(%run_scoped3A : memref<!tpu.dma_semaphore, #tpu.memory_space<semaphore_mem>>) src(%dma_wait3A_61 : memref<72x128xf32, #tpu.memory_space<vmem>>) dst(%dma_wait3A_58 : memref<72x128xf32, #tpu.memory_space<vmem_shared>>)
      tpu.yield
    }) : () -> ()
    %barrier3A = arith.constant 0 : index
    tpu.barrier barrier_id(%barrier3A)
    %scan3A_32 = arith.constant 0 : i32
    %scan3A_33 = arith.constant 4 : i32
    %scan3A_34 = arith.addi %scan3A_32, %scan3A_33 : i32
    %scan3A_35 = arith.constant 1 : i32
    scf.for %scan3A_44 = %scan3A_32 to %scan3A_34 step %scan3A_35  : i32 {
      %mul3A_45 = arith.constant 1 : i32
      %mul3A_46 = arith.muli %scan3A_44, %mul3A_45 : i32
      %add3A_47 = arith.constant 0 : i32
      %add3A_48 = arith.addi %add3A_47, %mul3A_46 : i32
      %mul3A_49 = arith.constant 24 : i32
      %mul3A_50 = arith.muli %add3A_48, %mul3A_49 : i32
      %add3A_51 = arith.addi %mul3A_2, %mul3A_50 : i32
      %multiple_of3A = tpu.assume_multiple %add3A_51, 8 : i32
      "tpu.region"() ({
        %run_scoped3A = tpu.sem_alloc : memref<!tpu.dma_semaphore, #tpu.memory_space<semaphore_mem>>
        %dma_start3A_722 = arith.constant 0 : i32
        %dma_start3A_723 = tpu.memref_slice %arg3[%multiple_of3A, %dma_start3A_722] : memref<3072x112xi32, #tpu.memory_space<hbm>> -> memref<24x112xi32, #tpu.memory_space<hbm>>
        %dma_start3A_724 = arith.constant 0 : i32
        %dma_start3A_725 = tpu.memref_slice %arg3[%multiple_of3A, %dma_start3A_724] : memref<3072x112xi32, #tpu.memory_space<hbm>> -> memref<24x112xi32, #tpu.memory_space<hbm>>
        tpu.enqueue_dma source(%dma_start3A_725 : memref<24x112xi32, #tpu.memory_space<hbm>>) target(%arg6 : memref<24x112xi32, #tpu.memory_space<vmem>>) target_semaphore(%run_scoped3A : memref<!tpu.dma_semaphore, #tpu.memory_space<semaphore_mem>>)
        %dma_wait3A_726 = arith.constant 0 : i32
        %dma_wait3A_727 = tpu.memref_slice %arg3[%multiple_of3A, %dma_wait3A_726] : memref<3072x112xi32, #tpu.memory_space<hbm>> -> memref<24x112xi32, #tpu.memory_space<hbm>>
        %dma_wait3A_728 = arith.constant 0 : i32
        %dma_wait3A_729 = tpu.memref_slice %arg3[%multiple_of3A, %dma_wait3A_728] : memref<3072x112xi32, #tpu.memory_space<hbm>> -> memref<24x112xi32, #tpu.memory_space<hbm>>
        tpu.wait_dma2 semaphore(%run_scoped3A : memref<!tpu.dma_semaphore, #tpu.memory_space<semaphore_mem>>) src(%dma_wait3A_729 : memref<24x112xi32, #tpu.memory_space<hbm>>) dst(%arg6 : memref<24x112xi32, #tpu.memory_space<vmem>>)
        tpu.yield
      }) : () -> ()
      "tpu.region"() ({
        %run_scoped3A = tpu.sem_alloc : memref<!tpu.dma_semaphore, #tpu.memory_space<semaphore_mem>>
        %dma_start3A_722 = arith.constant 0 : i32
        %dma_start3A_723 = tpu.memref_slice %arg4[%multiple_of3A, %dma_start3A_722] : memref<3072x112xi32, #tpu.memory_space<hbm>> -> memref<24x112xi32, #tpu.memory_space<hbm>>
        %dma_start3A_724 = arith.constant 0 : i32
        %dma_start3A_725 = tpu.memref_slice %arg4[%multiple_of3A, %dma_start3A_724] : memref<3072x112xi32, #tpu.memory_space<hbm>> -> memref<24x112xi32, #tpu.memory_space<hbm>>
        tpu.enqueue_dma source(%dma_start3A_725 : memref<24x112xi32, #tpu.memory_space<hbm>>) target(%arg7 : memref<24x112xi32, #tpu.memory_space<vmem>>) target_semaphore(%run_scoped3A : memref<!tpu.dma_semaphore, #tpu.memory_space<semaphore_mem>>)
        %dma_wait3A_726 = arith.constant 0 : i32
        %dma_wait3A_727 = tpu.memref_slice %arg4[%multiple_of3A, %dma_wait3A_726] : memref<3072x112xi32, #tpu.memory_space<hbm>> -> memref<24x112xi32, #tpu.memory_space<hbm>>
        %dma_wait3A_728 = arith.constant 0 : i32
        %dma_wait3A_729 = tpu.memref_slice %arg4[%multiple_of3A, %dma_wait3A_728] : memref<3072x112xi32, #tpu.memory_space<hbm>> -> memref<24x112xi32, #tpu.memory_space<hbm>>
        tpu.wait_dma2 semaphore(%run_scoped3A : memref<!tpu.dma_semaphore, #tpu.memory_space<semaphore_mem>>) src(%dma_wait3A_729 : memref<24x112xi32, #tpu.memory_space<hbm>>) dst(%arg7 : memref<24x112xi32, #tpu.memory_space<vmem>>)
        tpu.yield
      }) : () -> ()
      %dma_start3A = arith.constant 0 : i32
      %dma_start3A_52 = arith.constant 0 : i32
      %dma_start3A_53 = tpu.memref_slice %arg6[%dma_start3A, %dma_start3A_52] : memref<24x112xi32, #tpu.memory_space<vmem>> -> memref<1x112xi32, #tpu.memory_space<vmem>>
      %dma_start3A_54 = tpu.memref_squeeze %dma_start3A_53 : memref<1x112xi32, #tpu.memory_space<vmem>> -> memref<112xi32, #tpu.memory_space<vmem>>
      %dma_start3A_55 = arith.constant 0 : i32
      %dma_start3A_56 = arith.constant 0 : i32
      %dma_start3A_57 = tpu.memref_slice %arg2[%dma_start3A_55, %dma_start3A_56] : memref<10000x128xf32, #tpu.memory_space<hbm>> -> memref<10000x128xf32, #tpu.memory_space<hbm>>
      tpu.enqueue_indirect_dma source(%dma_start3A_57 : memref<10000x128xf32, #tpu.memory_space<hbm>>) target(%arg8 : memref<112x128xf32, #tpu.memory_space<vmem>>) offsets(%dma_start3A_54 : memref<112xi32, #tpu.memory_space<vmem>>) semaphore(%arg12 : memref<!tpu.dma_semaphore, #tpu.memory_space<semaphore_mem>>)
      %dma_start3A_58 = arith.constant 1 : i32
      %dma_start3A_59 = arith.constant 0 : i32
      %dma_start3A_60 = tpu.memref_slice %arg6[%dma_start3A_58, %dma_start3A_59] : memref<24x112xi32, #tpu.memory_space<vmem>> -> memref<1x112xi32, #tpu.memory_space<vmem>>
      %dma_start3A_61 = tpu.memref_squeeze %dma_start3A_60 : memref<1x112xi32, #tpu.memory_space<vmem>> -> memref<112xi32, #tpu.memory_space<vmem>>
      %dma_start3A_62 = arith.constant 0 : i32
      %dma_start3A_63 = arith.constant 0 : i32
      %dma_start3A_64 = tpu.memref_slice %arg2[%dma_start3A_62, %dma_start3A_63] : memref<10000x128xf32, #tpu.memory_space<hbm>> -> memref<10000x128xf32, #tpu.memory_space<hbm>>
      tpu.enqueue_indirect_dma source(%dma_start3A_64 : memref<10000x128xf32, #tpu.memory_space<hbm>>) target(%arg9 : memref<112x128xf32, #tpu.memory_space<vmem>>) offsets(%dma_start3A_61 : memref<112xi32, #tpu.memory_space<vmem>>) semaphore(%arg13 : memref<!tpu.dma_semaphore, #tpu.memory_space<semaphore_mem>>)
      %dma_start3A_65 = arith.constant 2 : i32
      %dma_start3A_66 = arith.constant 0 : i32
      %dma_start3A_67 = tpu.memref_slice %arg6[%dma_start3A_65, %dma_start3A_66] : memref<24x112xi32, #tpu.memory_space<vmem>> -> memref<1x112xi32, #tpu.memory_space<vmem>>
      %dma_start3A_68 = tpu.memref_squeeze %dma_start3A_67 : memref<1x112xi32, #tpu.memory_space<vmem>> -> memref<112xi32, #tpu.memory_space<vmem>>
      %dma_start3A_69 = arith.constant 0 : i32
      %dma_start3A_70 = arith.constant 0 : i32
      %dma_start3A_71 = tpu.memref_slice %arg2[%dma_start3A_69, %dma_start3A_70] : memref<10000x128xf32, #tpu.memory_space<hbm>> -> memref<10000x128xf32, #tpu.memory_space<hbm>>
      tpu.enqueue_indirect_dma source(%dma_start3A_71 : memref<10000x128xf32, #tpu.memory_space<hbm>>) target(%arg10 : memref<112x128xf32, #tpu.memory_space<vmem>>) offsets(%dma_start3A_68 : memref<112xi32, #tpu.memory_space<vmem>>) semaphore(%arg14 : memref<!tpu.dma_semaphore, #tpu.memory_space<semaphore_mem>>)
      %dma_wait3A = arith.constant 0 : i32
      %dma_wait3A_72 = arith.constant 0 : i32
      %dma_wait3A_73 = tpu.memref_slice %arg6[%dma_wait3A, %dma_wait3A_72] : memref<24x112xi32, #tpu.memory_space<vmem>> -> memref<1x112xi32, #tpu.memory_space<vmem>>
      %dma_wait3A_74 = tpu.memref_squeeze %dma_wait3A_73 : memref<1x112xi32, #tpu.memory_space<vmem>> -> memref<112xi32, #tpu.memory_space<vmem>>
      %dma_wait3A_75 = arith.constant 0 : i32
      %dma_wait3A_76 = arith.constant 0 : i32
      %dma_wait3A_77 = tpu.memref_slice %arg2[%dma_wait3A_75, %dma_wait3A_76] : memref<10000x128xf32, #tpu.memory_space<hbm>> -> memref<10000x128xf32, #tpu.memory_space<hbm>>
      tpu.wait_indirect_dma semaphore(%arg12 : memref<!tpu.dma_semaphore, #tpu.memory_space<semaphore_mem>>) src(%dma_wait3A_77 : memref<10000x128xf32, #tpu.memory_space<hbm>>) dst(%arg8 : memref<112x128xf32, #tpu.memory_space<vmem>>)
      %dma_start3A_78 = arith.constant 0 : i32
      %dma_start3A_79 = arith.constant 0 : i32
      %dma_start3A_80 = tpu.memref_slice %arg7[%dma_start3A_78, %dma_start3A_79] : memref<24x112xi32, #tpu.memory_space<vmem>> -> memref<1x112xi32, #tpu.memory_space<vmem>>
      %dma_start3A_81 = tpu.memref_squeeze %dma_start3A_80 : memref<1x112xi32, #tpu.memory_space<vmem>> -> memref<112xi32, #tpu.memory_space<vmem>>
      %dma_start3A_82 = arith.constant 0 : i32
      %dma_start3A_83 = arith.constant 0 : i32
      %dma_start3A_84 = tpu.memref_slice %arg11[%dma_start3A_82, %dma_start3A_83] : memref<10112x128xf32, #tpu.memory_space<vmem_shared>> -> memref<10112x128xf32, #tpu.memory_space<vmem_shared>>
      tpu.enqueue_indirect_dma source(%arg8 : memref<112x128xf32, #tpu.memory_space<vmem>>) target(%dma_start3A_84 : memref<10112x128xf32, #tpu.memory_space<vmem_shared>>) offsets(%dma_start3A_81 : memref<112xi32, #tpu.memory_space<vmem>>) semaphore(%arg15 : memref<!tpu.dma_semaphore, #tpu.memory_space<semaphore_mem>>) {add = true}
      %dma_wait3A_85 = arith.constant 0 : i32
      %dma_wait3A_86 = arith.constant 0 : i32
      %dma_wait3A_87 = tpu.memref_slice %arg7[%dma_wait3A_85, %dma_wait3A_86] : memref<24x112xi32, #tpu.memory_space<vmem>> -> memref<1x112xi32, #tpu.memory_space<vmem>>
      %dma_wait3A_88 = tpu.memref_squeeze %dma_wait3A_87 : memref<1x112xi32, #tpu.memory_space<vmem>> -> memref<112xi32, #tpu.memory_space<vmem>>
      %dma_wait3A_89 = arith.constant 0 : i32
      %dma_wait3A_90 = arith.constant 0 : i32
      %dma_wait3A_91 = tpu.memref_slice %arg11[%dma_wait3A_89, %dma_wait3A_90] : memref<10112x128xf32, #tpu.memory_space<vmem_shared>> -> memref<10112x128xf32, #tpu.memory_space<vmem_shared>>
      tpu.wait_indirect_dma semaphore(%arg15 : memref<!tpu.dma_semaphore, #tpu.memory_space<semaphore_mem>>) src(%arg8 : memref<112x128xf32, #tpu.memory_space<vmem>>) dst(%dma_wait3A_91 : memref<10112x128xf32, #tpu.memory_space<vmem_shared>>)
      %dma_start3A_92 = arith.constant 3 : i32
      %dma_start3A_93 = arith.constant 0 : i32
      %dma_start3A_94 = tpu.memref_slice %arg6[%dma_start3A_92, %dma_start3A_93] : memref<24x112xi32, #tpu.memory_space<vmem>> -> memref<1x112xi32, #tpu.memory_space<vmem>>
      %dma_start3A_95 = tpu.memref_squeeze %dma_start3A_94 : memref<1x112xi32, #tpu.memory_space<vmem>> -> memref<112xi32, #tpu.memory_space<vmem>>
      %dma_start3A_96 = arith.constant 0 : i32
      %dma_start3A_97 = arith.constant 0 : i32
      %dma_start3A_98 = tpu.memref_slice %arg2[%dma_start3A_96, %dma_start3A_97] : memref<10000x128xf32, #tpu.memory_space<hbm>> -> memref<10000x128xf32, #tpu.memory_space<hbm>>
      tpu.enqueue_indirect_dma source(%dma_start3A_98 : memref<10000x128xf32, #tpu.memory_space<hbm>>) target(%arg8 : memref<112x128xf32, #tpu.memory_space<vmem>>) offsets(%dma_start3A_95 : memref<112xi32, #tpu.memory_space<vmem>>) semaphore(%arg12 : memref<!tpu.dma_semaphore, #tpu.memory_space<semaphore_mem>>)
      %dma_wait3A_99 = arith.constant 1 : i32
      %dma_wait3A_100 = arith.constant 0 : i32
      %dma_wait3A_101 = tpu.memref_slice %arg6[%dma_wait3A_99, %dma_wait3A_100] : memref<24x112xi32, #tpu.memory_space<vmem>> -> memref<1x112xi32, #tpu.memory_space<vmem>>
      %dma_wait3A_102 = tpu.memref_squeeze %dma_wait3A_101 : memref<1x112xi32, #tpu.memory_space<vmem>> -> memref<112xi32, #tpu.memory_space<vmem>>
      %dma_wait3A_103 = arith.constant 0 : i32
      %dma_wait3A_104 = arith.constant 0 : i32
      %dma_wait3A_105 = tpu.memref_slice %arg2[%dma_wait3A_103, %dma_wait3A_104] : memref<10000x128xf32, #tpu.memory_space<hbm>> -> memref<10000x128xf32, #tpu.memory_space<hbm>>
      tpu.wait_indirect_dma semaphore(%arg13 : memref<!tpu.dma_semaphore, #tpu.memory_space<semaphore_mem>>) src(%dma_wait3A_105 : memref<10000x128xf32, #tpu.memory_space<hbm>>) dst(%arg9 : memref<112x128xf32, #tpu.memory_space<vmem>>)
      %dma_start3A_106 = arith.constant 1 : i32
      %dma_start3A_107 = arith.constant 0 : i32
      %dma_start3A_108 = tpu.memref_slice %arg7[%dma_start3A_106, %dma_start3A_107] : memref<24x112xi32, #tpu.memory_space<vmem>> -> memref<1x112xi32, #tpu.memory_space<vmem>>
      %dma_start3A_109 = tpu.memref_squeeze %dma_start3A_108 : memref<1x112xi32, #tpu.memory_space<vmem>> -> memref<112xi32, #tpu.memory_space<vmem>>
      %dma_start3A_110 = arith.constant 0 : i32
      %dma_start3A_111 = arith.constant 0 : i32
      %dma_start3A_112 = tpu.memref_slice %arg11[%dma_start3A_110, %dma_start3A_111] : memref<10112x128xf32, #tpu.memory_space<vmem_shared>> -> memref<10112x128xf32, #tpu.memory_space<vmem_shared>>
      tpu.enqueue_indirect_dma source(%arg9 : memref<112x128xf32, #tpu.memory_space<vmem>>) target(%dma_start3A_112 : memref<10112x128xf32, #tpu.memory_space<vmem_shared>>) offsets(%dma_start3A_109 : memref<112xi32, #tpu.memory_space<vmem>>) semaphore(%arg16 : memref<!tpu.dma_semaphore, #tpu.memory_space<semaphore_mem>>) {add = true}
      %dma_wait3A_113 = arith.constant 1 : i32
      %dma_wait3A_114 = arith.constant 0 : i32
      %dma_wait3A_115 = tpu.memref_slice %arg7[%dma_wait3A_113, %dma_wait3A_114] : memref<24x112xi32, #tpu.memory_space<vmem>> -> memref<1x112xi32, #tpu.memory_space<vmem>>
      %dma_wait3A_116 = tpu.memref_squeeze %dma_wait3A_115 : memref<1x112xi32, #tpu.memory_space<vmem>> -> memref<112xi32, #tpu.memory_space<vmem>>
      %dma_wait3A_117 = arith.constant 0 : i32
      %dma_wait3A_118 = arith.constant 0 : i32
      %dma_wait3A_119 = tpu.memref_slice %arg11[%dma_wait3A_117, %dma_wait3A_118] : memref<10112x128xf32, #tpu.memory_space<vmem_shared>> -> memref<10112x128xf32, #tpu.memory_space<vmem_shared>>
      tpu.wait_indirect_dma semaphore(%arg16 : memref<!tpu.dma_semaphore, #tpu.memory_space<semaphore_mem>>) src(%arg9 : memref<112x128xf32, #tpu.memory_space<vmem>>) dst(%dma_wait3A_119 : memref<10112x128xf32, #tpu.memory_space<vmem_shared>>)
      %dma_start3A_120 = arith.constant 4 : i32
      %dma_start3A_121 = arith.constant 0 : i32
      %dma_start3A_122 = tpu.memref_slice %arg6[%dma_start3A_120, %dma_start3A_121] : memref<24x112xi32, #tpu.memory_space<vmem>> -> memref<1x112xi32, #tpu.memory_space<vmem>>
      %dma_start3A_123 = tpu.memref_squeeze %dma_start3A_122 : memref<1x112xi32, #tpu.memory_space<vmem>> -> memref<112xi32, #tpu.memory_space<vmem>>
      %dma_start3A_124 = arith.constant 0 : i32
      %dma_start3A_125 = arith.constant 0 : i32
      %dma_start3A_126 = tpu.memref_slice %arg2[%dma_start3A_124, %dma_start3A_125] : memref<10000x128xf32, #tpu.memory_space<hbm>> -> memref<10000x128xf32, #tpu.memory_space<hbm>>
      tpu.enqueue_indirect_dma source(%dma_start3A_126 : memref<10000x128xf32, #tpu.memory_space<hbm>>) target(%arg9 : memref<112x128xf32, #tpu.memory_space<vmem>>) offsets(%dma_start3A_123 : memref<112xi32, #tpu.memory_space<vmem>>) semaphore(%arg13 : memref<!tpu.dma_semaphore, #tpu.memory_space<semaphore_mem>>)
      %dma_wait3A_127 = arith.constant 2 : i32
      %dma_wait3A_128 = arith.constant 0 : i32
      %dma_wait3A_129 = tpu.memref_slice %arg6[%dma_wait3A_127, %dma_wait3A_128] : memref<24x112xi32, #tpu.memory_space<vmem>> -> memref<1x112xi32, #tpu.memory_space<vmem>>
      %dma_wait3A_130 = tpu.memref_squeeze %dma_wait3A_129 : memref<1x112xi32, #tpu.memory_space<vmem>> -> memref<112xi32, #tpu.memory_space<vmem>>
      %dma_wait3A_131 = arith.constant 0 : i32
      %dma_wait3A_132 = arith.constant 0 : i32
      %dma_wait3A_133 = tpu.memref_slice %arg2[%dma_wait3A_131, %dma_wait3A_132] : memref<10000x128xf32, #tpu.memory_space<hbm>> -> memref<10000x128xf32, #tpu.memory_space<hbm>>
      tpu.wait_indirect_dma semaphore(%arg14 : memref<!tpu.dma_semaphore, #tpu.memory_space<semaphore_mem>>) src(%dma_wait3A_133 : memref<10000x128xf32, #tpu.memory_space<hbm>>) dst(%arg10 : memref<112x128xf32, #tpu.memory_space<vmem>>)
      %dma_start3A_134 = arith.constant 2 : i32
      %dma_start3A_135 = arith.constant 0 : i32
      %dma_start3A_136 = tpu.memref_slice %arg7[%dma_start3A_134, %dma_start3A_135] : memref<24x112xi32, #tpu.memory_space<vmem>> -> memref<1x112xi32, #tpu.memory_space<vmem>>
      %dma_start3A_137 = tpu.memref_squeeze %dma_start3A_136 : memref<1x112xi32, #tpu.memory_space<vmem>> -> memref<112xi32, #tpu.memory_space<vmem>>
      %dma_start3A_138 = arith.constant 0 : i32
      %dma_start3A_139 = arith.constant 0 : i32
      %dma_start3A_140 = tpu.memref_slice %arg11[%dma_start3A_138, %dma_start3A_139] : memref<10112x128xf32, #tpu.memory_space<vmem_shared>> -> memref<10112x128xf32, #tpu.memory_space<vmem_shared>>
      tpu.enqueue_indirect_dma source(%arg10 : memref<112x128xf32, #tpu.memory_space<vmem>>) target(%dma_start3A_140 : memref<10112x128xf32, #tpu.memory_space<vmem_shared>>) offsets(%dma_start3A_137 : memref<112xi32, #tpu.memory_space<vmem>>) semaphore(%arg17 : memref<!tpu.dma_semaphore, #tpu.memory_space<semaphore_mem>>) {add = true}
      %dma_wait3A_141 = arith.constant 2 : i32
      %dma_wait3A_142 = arith.constant 0 : i32
      %dma_wait3A_143 = tpu.memref_slice %arg7[%dma_wait3A_141, %dma_wait3A_142] : memref<24x112xi32, #tpu.memory_space<vmem>> -> memref<1x112xi32, #tpu.memory_space<vmem>>
      %dma_wait3A_144 = tpu.memref_squeeze %dma_wait3A_143 : memref<1x112xi32, #tpu.memory_space<vmem>> -> memref<112xi32, #tpu.memory_space<vmem>>
      %dma_wait3A_145 = arith.constant 0 : i32
      %dma_wait3A_146 = arith.constant 0 : i32
      %dma_wait3A_147 = tpu.memref_slice %arg11[%dma_wait3A_145, %dma_wait3A_146] : memref<10112x128xf32, #tpu.memory_space<vmem_shared>> -> memref<10112x128xf32, #tpu.memory_space<vmem_shared>>
      tpu.wait_indirect_dma semaphore(%arg17 : memref<!tpu.dma_semaphore, #tpu.memory_space<semaphore_mem>>) src(%arg10 : memref<112x128xf32, #tpu.memory_space<vmem>>) dst(%dma_wait3A_147 : memref<10112x128xf32, #tpu.memory_space<vmem_shared>>)
      %dma_start3A_148 = arith.constant 5 : i32
      %dma_start3A_149 = arith.constant 0 : i32
      %dma_start3A_150 = tpu.memref_slice %arg6[%dma_start3A_148, %dma_start3A_149] : memref<24x112xi32, #tpu.memory_space<vmem>> -> memref<1x112xi32, #tpu.memory_space<vmem>>
      %dma_start3A_151 = tpu.memref_squeeze %dma_start3A_150 : memref<1x112xi32, #tpu.memory_space<vmem>> -> memref<112xi32, #tpu.memory_space<vmem>>
      %dma_start3A_152 = arith.constant 0 : i32
      %dma_start3A_153 = arith.constant 0 : i32
      %dma_start3A_154 = tpu.memref_slice %arg2[%dma_start3A_152, %dma_start3A_153] : memref<10000x128xf32, #tpu.memory_space<hbm>> -> memref<10000x128xf32, #tpu.memory_space<hbm>>
      tpu.enqueue_indirect_dma source(%dma_start3A_154 : memref<10000x128xf32, #tpu.memory_space<hbm>>) target(%arg10 : memref<112x128xf32, #tpu.memory_space<vmem>>) offsets(%dma_start3A_151 : memref<112xi32, #tpu.memory_space<vmem>>) semaphore(%arg14 : memref<!tpu.dma_semaphore, #tpu.memory_space<semaphore_mem>>)
      %dma_wait3A_155 = arith.constant 3 : i32
      %dma_wait3A_156 = arith.constant 0 : i32
      %dma_wait3A_157 = tpu.memref_slice %arg6[%dma_wait3A_155, %dma_wait3A_156] : memref<24x112xi32, #tpu.memory_space<vmem>> -> memref<1x112xi32, #tpu.memory_space<vmem>>
      %dma_wait3A_158 = tpu.memref_squeeze %dma_wait3A_157 : memref<1x112xi32, #tpu.memory_space<vmem>> -> memref<112xi32, #tpu.memory_space<vmem>>
      %dma_wait3A_159 = arith.constant 0 : i32
      %dma_wait3A_160 = arith.constant 0 : i32
      %dma_wait3A_161 = tpu.memref_slice %arg2[%dma_wait3A_159, %dma_wait3A_160] : memref<10000x128xf32, #tpu.memory_space<hbm>> -> memref<10000x128xf32, #tpu.memory_space<hbm>>
      tpu.wait_indirect_dma semaphore(%arg12 : memref<!tpu.dma_semaphore, #tpu.memory_space<semaphore_mem>>) src(%dma_wait3A_161 : memref<10000x128xf32, #tpu.memory_space<hbm>>) dst(%arg8 : memref<112x128xf32, #tpu.memory_space<vmem>>)
      %dma_start3A_162 = arith.constant 3 : i32
      %dma_start3A_163 = arith.constant 0 : i32
      %dma_start3A_164 = tpu.memref_slice %arg7[%dma_start3A_162, %dma_start3A_163] : memref<24x112xi32, #tpu.memory_space<vmem>> -> memref<1x112xi32, #tpu.memory_space<vmem>>
      %dma_start3A_165 = tpu.memref_squeeze %dma_start3A_164 : memref<1x112xi32, #tpu.memory_space<vmem>> -> memref<112xi32, #tpu.memory_space<vmem>>
      %dma_start3A_166 = arith.constant 0 : i32
      %dma_start3A_167 = arith.constant 0 : i32
      %dma_start3A_168 = tpu.memref_slice %arg11[%dma_start3A_166, %dma_start3A_167] : memref<10112x128xf32, #tpu.memory_space<vmem_shared>> -> memref<10112x128xf32, #tpu.memory_space<vmem_shared>>
      tpu.enqueue_indirect_dma source(%arg8 : memref<112x128xf32, #tpu.memory_space<vmem>>) target(%dma_start3A_168 : memref<10112x128xf32, #tpu.memory_space<vmem_shared>>) offsets(%dma_start3A_165 : memref<112xi32, #tpu.memory_space<vmem>>) semaphore(%arg15 : memref<!tpu.dma_semaphore, #tpu.memory_space<semaphore_mem>>) {add = true}
      %dma_wait3A_169 = arith.constant 3 : i32
      %dma_wait3A_170 = arith.constant 0 : i32
      %dma_wait3A_171 = tpu.memref_slice %arg7[%dma_wait3A_169, %dma_wait3A_170] : memref<24x112xi32, #tpu.memory_space<vmem>> -> memref<1x112xi32, #tpu.memory_space<vmem>>
      %dma_wait3A_172 = tpu.memref_squeeze %dma_wait3A_171 : memref<1x112xi32, #tpu.memory_space<vmem>> -> memref<112xi32, #tpu.memory_space<vmem>>
      %dma_wait3A_173 = arith.constant 0 : i32
      %dma_wait3A_174 = arith.constant 0 : i32
      %dma_wait3A_175 = tpu.memref_slice %arg11[%dma_wait3A_173, %dma_wait3A_174] : memref<10112x128xf32, #tpu.memory_space<vmem_shared>> -> memref<10112x128xf32, #tpu.memory_space<vmem_shared>>
      tpu.wait_indirect_dma semaphore(%arg15 : memref<!tpu.dma_semaphore, #tpu.memory_space<semaphore_mem>>) src(%arg8 : memref<112x128xf32, #tpu.memory_space<vmem>>) dst(%dma_wait3A_175 : memref<10112x128xf32, #tpu.memory_space<vmem_shared>>)
      %dma_start3A_176 = arith.constant 6 : i32
      %dma_start3A_177 = arith.constant 0 : i32
      %dma_start3A_178 = tpu.memref_slice %arg6[%dma_start3A_176, %dma_start3A_177] : memref<24x112xi32, #tpu.memory_space<vmem>> -> memref<1x112xi32, #tpu.memory_space<vmem>>
      %dma_start3A_179 = tpu.memref_squeeze %dma_start3A_178 : memref<1x112xi32, #tpu.memory_space<vmem>> -> memref<112xi32, #tpu.memory_space<vmem>>
      %dma_start3A_180 = arith.constant 0 : i32
      %dma_start3A_181 = arith.constant 0 : i32
      %dma_start3A_182 = tpu.memref_slice %arg2[%dma_start3A_180, %dma_start3A_181] : memref<10000x128xf32, #tpu.memory_space<hbm>> -> memref<10000x128xf32, #tpu.memory_space<hbm>>
      tpu.enqueue_indirect_dma source(%dma_start3A_182 : memref<10000x128xf32, #tpu.memory_space<hbm>>) target(%arg8 : memref<112x128xf32, #tpu.memory_space<vmem>>) offsets(%dma_start3A_179 : memref<112xi32, #tpu.memory_space<vmem>>) semaphore(%arg12 : memref<!tpu.dma_semaphore, #tpu.memory_space<semaphore_mem>>)
      %dma_wait3A_183 = arith.constant 4 : i32
      %dma_wait3A_184 = arith.constant 0 : i32
      %dma_wait3A_185 = tpu.memref_slice %arg6[%dma_wait3A_183, %dma_wait3A_184] : memref<24x112xi32, #tpu.memory_space<vmem>> -> memref<1x112xi32, #tpu.memory_space<vmem>>
      %dma_wait3A_186 = tpu.memref_squeeze %dma_wait3A_185 : memref<1x112xi32, #tpu.memory_space<vmem>> -> memref<112xi32, #tpu.memory_space<vmem>>
      %dma_wait3A_187 = arith.constant 0 : i32
      %dma_wait3A_188 = arith.constant 0 : i32
      %dma_wait3A_189 = tpu.memref_slice %arg2[%dma_wait3A_187, %dma_wait3A_188] : memref<10000x128xf32, #tpu.memory_space<hbm>> -> memref<10000x128xf32, #tpu.memory_space<hbm>>
      tpu.wait_indirect_dma semaphore(%arg13 : memref<!tpu.dma_semaphore, #tpu.memory_space<semaphore_mem>>) src(%dma_wait3A_189 : memref<10000x128xf32, #tpu.memory_space<hbm>>) dst(%arg9 : memref<112x128xf32, #tpu.memory_space<vmem>>)
      %dma_start3A_190 = arith.constant 4 : i32
      %dma_start3A_191 = arith.constant 0 : i32
      %dma_start3A_192 = tpu.memref_slice %arg7[%dma_start3A_190, %dma_start3A_191] : memref<24x112xi32, #tpu.memory_space<vmem>> -> memref<1x112xi32, #tpu.memory_space<vmem>>
      %dma_start3A_193 = tpu.memref_squeeze %dma_start3A_192 : memref<1x112xi32, #tpu.memory_space<vmem>> -> memref<112xi32, #tpu.memory_space<vmem>>
      %dma_start3A_194 = arith.constant 0 : i32
      %dma_start3A_195 = arith.constant 0 : i32
      %dma_start3A_196 = tpu.memref_slice %arg11[%dma_start3A_194, %dma_start3A_195] : memref<10112x128xf32, #tpu.memory_space<vmem_shared>> -> memref<10112x128xf32, #tpu.memory_space<vmem_shared>>
      tpu.enqueue_indirect_dma source(%arg9 : memref<112x128xf32, #tpu.memory_space<vmem>>) target(%dma_start3A_196 : memref<10112x128xf32, #tpu.memory_space<vmem_shared>>) offsets(%dma_start3A_193 : memref<112xi32, #tpu.memory_space<vmem>>) semaphore(%arg16 : memref<!tpu.dma_semaphore, #tpu.memory_space<semaphore_mem>>) {add = true}
      %dma_wait3A_197 = arith.constant 4 : i32
      %dma_wait3A_198 = arith.constant 0 : i32
      %dma_wait3A_199 = tpu.memref_slice %arg7[%dma_wait3A_197, %dma_wait3A_198] : memref<24x112xi32, #tpu.memory_space<vmem>> -> memref<1x112xi32, #tpu.memory_space<vmem>>
      %dma_wait3A_200 = tpu.memref_squeeze %dma_wait3A_199 : memref<1x112xi32, #tpu.memory_space<vmem>> -> memref<112xi32, #tpu.memory_space<vmem>>
      %dma_wait3A_201 = arith.constant 0 : i32
      %dma_wait3A_202 = arith.constant 0 : i32
      %dma_wait3A_203 = tpu.memref_slice %arg11[%dma_wait3A_201, %dma_wait3A_202] : memref<10112x128xf32, #tpu.memory_space<vmem_shared>> -> memref<10112x128xf32, #tpu.memory_space<vmem_shared>>
      tpu.wait_indirect_dma semaphore(%arg16 : memref<!tpu.dma_semaphore, #tpu.memory_space<semaphore_mem>>) src(%arg9 : memref<112x128xf32, #tpu.memory_space<vmem>>) dst(%dma_wait3A_203 : memref<10112x128xf32, #tpu.memory_space<vmem_shared>>)
      %dma_start3A_204 = arith.constant 7 : i32
      %dma_start3A_205 = arith.constant 0 : i32
      %dma_start3A_206 = tpu.memref_slice %arg6[%dma_start3A_204, %dma_start3A_205] : memref<24x112xi32, #tpu.memory_space<vmem>> -> memref<1x112xi32, #tpu.memory_space<vmem>>
      %dma_start3A_207 = tpu.memref_squeeze %dma_start3A_206 : memref<1x112xi32, #tpu.memory_space<vmem>> -> memref<112xi32, #tpu.memory_space<vmem>>
      %dma_start3A_208 = arith.constant 0 : i32
      %dma_start3A_209 = arith.constant 0 : i32
      %dma_start3A_210 = tpu.memref_slice %arg2[%dma_start3A_208, %dma_start3A_209] : memref<10000x128xf32, #tpu.memory_space<hbm>> -> memref<10000x128xf32, #tpu.memory_space<hbm>>
      tpu.enqueue_indirect_dma source(%dma_start3A_210 : memref<10000x128xf32, #tpu.memory_space<hbm>>) target(%arg9 : memref<112x128xf32, #tpu.memory_space<vmem>>) offsets(%dma_start3A_207 : memref<112xi32, #tpu.memory_space<vmem>>) semaphore(%arg13 : memref<!tpu.dma_semaphore, #tpu.memory_space<semaphore_mem>>)
      %dma_wait3A_211 = arith.constant 5 : i32
      %dma_wait3A_212 = arith.constant 0 : i32
      %dma_wait3A_213 = tpu.memref_slice %arg6[%dma_wait3A_211, %dma_wait3A_212] : memref<24x112xi32, #tpu.memory_space<vmem>> -> memref<1x112xi32, #tpu.memory_space<vmem>>
      %dma_wait3A_214 = tpu.memref_squeeze %dma_wait3A_213 : memref<1x112xi32, #tpu.memory_space<vmem>> -> memref<112xi32, #tpu.memory_space<vmem>>
      %dma_wait3A_215 = arith.constant 0 : i32
      %dma_wait3A_216 = arith.constant 0 : i32
      %dma_wait3A_217 = tpu.memref_slice %arg2[%dma_wait3A_215, %dma_wait3A_216] : memref<10000x128xf32, #tpu.memory_space<hbm>> -> memref<10000x128xf32, #tpu.memory_space<hbm>>
      tpu.wait_indirect_dma semaphore(%arg14 : memref<!tpu.dma_semaphore, #tpu.memory_space<semaphore_mem>>) src(%dma_wait3A_217 : memref<10000x128xf32, #tpu.memory_space<hbm>>) dst(%arg10 : memref<112x128xf32, #tpu.memory_space<vmem>>)
      %dma_start3A_218 = arith.constant 5 : i32
      %dma_start3A_219 = arith.constant 0 : i32
      %dma_start3A_220 = tpu.memref_slice %arg7[%dma_start3A_218, %dma_start3A_219] : memref<24x112xi32, #tpu.memory_space<vmem>> -> memref<1x112xi32, #tpu.memory_space<vmem>>
      %dma_start3A_221 = tpu.memref_squeeze %dma_start3A_220 : memref<1x112xi32, #tpu.memory_space<vmem>> -> memref<112xi32, #tpu.memory_space<vmem>>
      %dma_start3A_222 = arith.constant 0 : i32
      %dma_start3A_223 = arith.constant 0 : i32
      %dma_start3A_224 = tpu.memref_slice %arg11[%dma_start3A_222, %dma_start3A_223] : memref<10112x128xf32, #tpu.memory_space<vmem_shared>> -> memref<10112x128xf32, #tpu.memory_space<vmem_shared>>
      tpu.enqueue_indirect_dma source(%arg10 : memref<112x128xf32, #tpu.memory_space<vmem>>) target(%dma_start3A_224 : memref<10112x128xf32, #tpu.memory_space<vmem_shared>>) offsets(%dma_start3A_221 : memref<112xi32, #tpu.memory_space<vmem>>) semaphore(%arg17 : memref<!tpu.dma_semaphore, #tpu.memory_space<semaphore_mem>>) {add = true}
      %dma_wait3A_225 = arith.constant 5 : i32
      %dma_wait3A_226 = arith.constant 0 : i32
      %dma_wait3A_227 = tpu.memref_slice %arg7[%dma_wait3A_225, %dma_wait3A_226] : memref<24x112xi32, #tpu.memory_space<vmem>> -> memref<1x112xi32, #tpu.memory_space<vmem>>
      %dma_wait3A_228 = tpu.memref_squeeze %dma_wait3A_227 : memref<1x112xi32, #tpu.memory_space<vmem>> -> memref<112xi32, #tpu.memory_space<vmem>>
      %dma_wait3A_229 = arith.constant 0 : i32
      %dma_wait3A_230 = arith.constant 0 : i32
      %dma_wait3A_231 = tpu.memref_slice %arg11[%dma_wait3A_229, %dma_wait3A_230] : memref<10112x128xf32, #tpu.memory_space<vmem_shared>> -> memref<10112x128xf32, #tpu.memory_space<vmem_shared>>
      tpu.wait_indirect_dma semaphore(%arg17 : memref<!tpu.dma_semaphore, #tpu.memory_space<semaphore_mem>>) src(%arg10 : memref<112x128xf32, #tpu.memory_space<vmem>>) dst(%dma_wait3A_231 : memref<10112x128xf32, #tpu.memory_space<vmem_shared>>)
      %dma_start3A_232 = arith.constant 8 : i32
      %dma_start3A_233 = arith.constant 0 : i32
      %dma_start3A_234 = tpu.memref_slice %arg6[%dma_start3A_232, %dma_start3A_233] : memref<24x112xi32, #tpu.memory_space<vmem>> -> memref<1x112xi32, #tpu.memory_space<vmem>>
      %dma_start3A_235 = tpu.memref_squeeze %dma_start3A_234 : memref<1x112xi32, #tpu.memory_space<vmem>> -> memref<112xi32, #tpu.memory_space<vmem>>
      %dma_start3A_236 = arith.constant 0 : i32
      %dma_start3A_237 = arith.constant 0 : i32
      %dma_start3A_238 = tpu.memref_slice %arg2[%dma_start3A_236, %dma_start3A_237] : memref<10000x128xf32, #tpu.memory_space<hbm>> -> memref<10000x128xf32, #tpu.memory_space<hbm>>
      tpu.enqueue_indirect_dma source(%dma_start3A_238 : memref<10000x128xf32, #tpu.memory_space<hbm>>) target(%arg10 : memref<112x128xf32, #tpu.memory_space<vmem>>) offsets(%dma_start3A_235 : memref<112xi32, #tpu.memory_space<vmem>>) semaphore(%arg14 : memref<!tpu.dma_semaphore, #tpu.memory_space<semaphore_mem>>)
      %dma_wait3A_239 = arith.constant 6 : i32
      %dma_wait3A_240 = arith.constant 0 : i32
      %dma_wait3A_241 = tpu.memref_slice %arg6[%dma_wait3A_239, %dma_wait3A_240] : memref<24x112xi32, #tpu.memory_space<vmem>> -> memref<1x112xi32, #tpu.memory_space<vmem>>
      %dma_wait3A_242 = tpu.memref_squeeze %dma_wait3A_241 : memref<1x112xi32, #tpu.memory_space<vmem>> -> memref<112xi32, #tpu.memory_space<vmem>>
      %dma_wait3A_243 = arith.constant 0 : i32
      %dma_wait3A_244 = arith.constant 0 : i32
      %dma_wait3A_245 = tpu.memref_slice %arg2[%dma_wait3A_243, %dma_wait3A_244] : memref<10000x128xf32, #tpu.memory_space<hbm>> -> memref<10000x128xf32, #tpu.memory_space<hbm>>
      tpu.wait_indirect_dma semaphore(%arg12 : memref<!tpu.dma_semaphore, #tpu.memory_space<semaphore_mem>>) src(%dma_wait3A_245 : memref<10000x128xf32, #tpu.memory_space<hbm>>) dst(%arg8 : memref<112x128xf32, #tpu.memory_space<vmem>>)
      %dma_start3A_246 = arith.constant 6 : i32
      %dma_start3A_247 = arith.constant 0 : i32
      %dma_start3A_248 = tpu.memref_slice %arg7[%dma_start3A_246, %dma_start3A_247] : memref<24x112xi32, #tpu.memory_space<vmem>> -> memref<1x112xi32, #tpu.memory_space<vmem>>
      %dma_start3A_249 = tpu.memref_squeeze %dma_start3A_248 : memref<1x112xi32, #tpu.memory_space<vmem>> -> memref<112xi32, #tpu.memory_space<vmem>>
      %dma_start3A_250 = arith.constant 0 : i32
      %dma_start3A_251 = arith.constant 0 : i32
      %dma_start3A_252 = tpu.memref_slice %arg11[%dma_start3A_250, %dma_start3A_251] : memref<10112x128xf32, #tpu.memory_space<vmem_shared>> -> memref<10112x128xf32, #tpu.memory_space<vmem_shared>>
      tpu.enqueue_indirect_dma source(%arg8 : memref<112x128xf32, #tpu.memory_space<vmem>>) target(%dma_start3A_252 : memref<10112x128xf32, #tpu.memory_space<vmem_shared>>) offsets(%dma_start3A_249 : memref<112xi32, #tpu.memory_space<vmem>>) semaphore(%arg15 : memref<!tpu.dma_semaphore, #tpu.memory_space<semaphore_mem>>) {add = true}
      %dma_wait3A_253 = arith.constant 6 : i32
      %dma_wait3A_254 = arith.constant 0 : i32
      %dma_wait3A_255 = tpu.memref_slice %arg7[%dma_wait3A_253, %dma_wait3A_254] : memref<24x112xi32, #tpu.memory_space<vmem>> -> memref<1x112xi32, #tpu.memory_space<vmem>>
      %dma_wait3A_256 = tpu.memref_squeeze %dma_wait3A_255 : memref<1x112xi32, #tpu.memory_space<vmem>> -> memref<112xi32, #tpu.memory_space<vmem>>
      %dma_wait3A_257 = arith.constant 0 : i32
      %dma_wait3A_258 = arith.constant 0 : i32
      %dma_wait3A_259 = tpu.memref_slice %arg11[%dma_wait3A_257, %dma_wait3A_258] : memref<10112x128xf32, #tpu.memory_space<vmem_shared>> -> memref<10112x128xf32, #tpu.memory_space<vmem_shared>>
      tpu.wait_indirect_dma semaphore(%arg15 : memref<!tpu.dma_semaphore, #tpu.memory_space<semaphore_mem>>) src(%arg8 : memref<112x128xf32, #tpu.memory_space<vmem>>) dst(%dma_wait3A_259 : memref<10112x128xf32, #tpu.memory_space<vmem_shared>>)
      %dma_start3A_260 = arith.constant 9 : i32
      %dma_start3A_261 = arith.constant 0 : i32
      %dma_start3A_262 = tpu.memref_slice %arg6[%dma_start3A_260, %dma_start3A_261] : memref<24x112xi32, #tpu.memory_space<vmem>> -> memref<1x112xi32, #tpu.memory_space<vmem>>
      %dma_start3A_263 = tpu.memref_squeeze %dma_start3A_262 : memref<1x112xi32, #tpu.memory_space<vmem>> -> memref<112xi32, #tpu.memory_space<vmem>>
      %dma_start3A_264 = arith.constant 0 : i32
      %dma_start3A_265 = arith.constant 0 : i32
      %dma_start3A_266 = tpu.memref_slice %arg2[%dma_start3A_264, %dma_start3A_265] : memref<10000x128xf32, #tpu.memory_space<hbm>> -> memref<10000x128xf32, #tpu.memory_space<hbm>>
      tpu.enqueue_indirect_dma source(%dma_start3A_266 : memref<10000x128xf32, #tpu.memory_space<hbm>>) target(%arg8 : memref<112x128xf32, #tpu.memory_space<vmem>>) offsets(%dma_start3A_263 : memref<112xi32, #tpu.memory_space<vmem>>) semaphore(%arg12 : memref<!tpu.dma_semaphore, #tpu.memory_space<semaphore_mem>>)
      %dma_wait3A_267 = arith.constant 7 : i32
      %dma_wait3A_268 = arith.constant 0 : i32
      %dma_wait3A_269 = tpu.memref_slice %arg6[%dma_wait3A_267, %dma_wait3A_268] : memref<24x112xi32, #tpu.memory_space<vmem>> -> memref<1x112xi32, #tpu.memory_space<vmem>>
      %dma_wait3A_270 = tpu.memref_squeeze %dma_wait3A_269 : memref<1x112xi32, #tpu.memory_space<vmem>> -> memref<112xi32, #tpu.memory_space<vmem>>
      %dma_wait3A_271 = arith.constant 0 : i32
      %dma_wait3A_272 = arith.constant 0 : i32
      %dma_wait3A_273 = tpu.memref_slice %arg2[%dma_wait3A_271, %dma_wait3A_272] : memref<10000x128xf32, #tpu.memory_space<hbm>> -> memref<10000x128xf32, #tpu.memory_space<hbm>>
      tpu.wait_indirect_dma semaphore(%arg13 : memref<!tpu.dma_semaphore, #tpu.memory_space<semaphore_mem>>) src(%dma_wait3A_273 : memref<10000x128xf32, #tpu.memory_space<hbm>>) dst(%arg9 : memref<112x128xf32, #tpu.memory_space<vmem>>)
      %dma_start3A_274 = arith.constant 7 : i32
      %dma_start3A_275 = arith.constant 0 : i32
      %dma_start3A_276 = tpu.memref_slice %arg7[%dma_start3A_274, %dma_start3A_275] : memref<24x112xi32, #tpu.memory_space<vmem>> -> memref<1x112xi32, #tpu.memory_space<vmem>>
      %dma_start3A_277 = tpu.memref_squeeze %dma_start3A_276 : memref<1x112xi32, #tpu.memory_space<vmem>> -> memref<112xi32, #tpu.memory_space<vmem>>
      %dma_start3A_278 = arith.constant 0 : i32
      %dma_start3A_279 = arith.constant 0 : i32
      %dma_start3A_280 = tpu.memref_slice %arg11[%dma_start3A_278, %dma_start3A_279] : memref<10112x128xf32, #tpu.memory_space<vmem_shared>> -> memref<10112x128xf32, #tpu.memory_space<vmem_shared>>
      tpu.enqueue_indirect_dma source(%arg9 : memref<112x128xf32, #tpu.memory_space<vmem>>) target(%dma_start3A_280 : memref<10112x128xf32, #tpu.memory_space<vmem_shared>>) offsets(%dma_start3A_277 : memref<112xi32, #tpu.memory_space<vmem>>) semaphore(%arg16 : memref<!tpu.dma_semaphore, #tpu.memory_space<semaphore_mem>>) {add = true}
      %dma_wait3A_281 = arith.constant 7 : i32
      %dma_wait3A_282 = arith.constant 0 : i32
      %dma_wait3A_283 = tpu.memref_slice %arg7[%dma_wait3A_281, %dma_wait3A_282] : memref<24x112xi32, #tpu.memory_space<vmem>> -> memref<1x112xi32, #tpu.memory_space<vmem>>
      %dma_wait3A_284 = tpu.memref_squeeze %dma_wait3A_283 : memref<1x112xi32, #tpu.memory_space<vmem>> -> memref<112xi32, #tpu.memory_space<vmem>>
      %dma_wait3A_285 = arith.constant 0 : i32
      %dma_wait3A_286 = arith.constant 0 : i32
      %dma_wait3A_287 = tpu.memref_slice %arg11[%dma_wait3A_285, %dma_wait3A_286] : memref<10112x128xf32, #tpu.memory_space<vmem_shared>> -> memref<10112x128xf32, #tpu.memory_space<vmem_shared>>
      tpu.wait_indirect_dma semaphore(%arg16 : memref<!tpu.dma_semaphore, #tpu.memory_space<semaphore_mem>>) src(%arg9 : memref<112x128xf32, #tpu.memory_space<vmem>>) dst(%dma_wait3A_287 : memref<10112x128xf32, #tpu.memory_space<vmem_shared>>)
      %dma_start3A_288 = arith.constant 10 : i32
      %dma_start3A_289 = arith.constant 0 : i32
      %dma_start3A_290 = tpu.memref_slice %arg6[%dma_start3A_288, %dma_start3A_289] : memref<24x112xi32, #tpu.memory_space<vmem>> -> memref<1x112xi32, #tpu.memory_space<vmem>>
      %dma_start3A_291 = tpu.memref_squeeze %dma_start3A_290 : memref<1x112xi32, #tpu.memory_space<vmem>> -> memref<112xi32, #tpu.memory_space<vmem>>
      %dma_start3A_292 = arith.constant 0 : i32
      %dma_start3A_293 = arith.constant 0 : i32
      %dma_start3A_294 = tpu.memref_slice %arg2[%dma_start3A_292, %dma_start3A_293] : memref<10000x128xf32, #tpu.memory_space<hbm>> -> memref<10000x128xf32, #tpu.memory_space<hbm>>
      tpu.enqueue_indirect_dma source(%dma_start3A_294 : memref<10000x128xf32, #tpu.memory_space<hbm>>) target(%arg9 : memref<112x128xf32, #tpu.memory_space<vmem>>) offsets(%dma_start3A_291 : memref<112xi32, #tpu.memory_space<vmem>>) semaphore(%arg13 : memref<!tpu.dma_semaphore, #tpu.memory_space<semaphore_mem>>)
      %dma_wait3A_295 = arith.constant 8 : i32
      %dma_wait3A_296 = arith.constant 0 : i32
      %dma_wait3A_297 = tpu.memref_slice %arg6[%dma_wait3A_295, %dma_wait3A_296] : memref<24x112xi32, #tpu.memory_space<vmem>> -> memref<1x112xi32, #tpu.memory_space<vmem>>
      %dma_wait3A_298 = tpu.memref_squeeze %dma_wait3A_297 : memref<1x112xi32, #tpu.memory_space<vmem>> -> memref<112xi32, #tpu.memory_space<vmem>>
      %dma_wait3A_299 = arith.constant 0 : i32
      %dma_wait3A_300 = arith.constant 0 : i32
      %dma_wait3A_301 = tpu.memref_slice %arg2[%dma_wait3A_299, %dma_wait3A_300] : memref<10000x128xf32, #tpu.memory_space<hbm>> -> memref<10000x128xf32, #tpu.memory_space<hbm>>
      tpu.wait_indirect_dma semaphore(%arg14 : memref<!tpu.dma_semaphore, #tpu.memory_space<semaphore_mem>>) src(%dma_wait3A_301 : memref<10000x128xf32, #tpu.memory_space<hbm>>) dst(%arg10 : memref<112x128xf32, #tpu.memory_space<vmem>>)
      %dma_start3A_302 = arith.constant 8 : i32
      %dma_start3A_303 = arith.constant 0 : i32
      %dma_start3A_304 = tpu.memref_slice %arg7[%dma_start3A_302, %dma_start3A_303] : memref<24x112xi32, #tpu.memory_space<vmem>> -> memref<1x112xi32, #tpu.memory_space<vmem>>
      %dma_start3A_305 = tpu.memref_squeeze %dma_start3A_304 : memref<1x112xi32, #tpu.memory_space<vmem>> -> memref<112xi32, #tpu.memory_space<vmem>>
      %dma_start3A_306 = arith.constant 0 : i32
      %dma_start3A_307 = arith.constant 0 : i32
      %dma_start3A_308 = tpu.memref_slice %arg11[%dma_start3A_306, %dma_start3A_307] : memref<10112x128xf32, #tpu.memory_space<vmem_shared>> -> memref<10112x128xf32, #tpu.memory_space<vmem_shared>>
      tpu.enqueue_indirect_dma source(%arg10 : memref<112x128xf32, #tpu.memory_space<vmem>>) target(%dma_start3A_308 : memref<10112x128xf32, #tpu.memory_space<vmem_shared>>) offsets(%dma_start3A_305 : memref<112xi32, #tpu.memory_space<vmem>>) semaphore(%arg17 : memref<!tpu.dma_semaphore, #tpu.memory_space<semaphore_mem>>) {add = true}
      %dma_wait3A_309 = arith.constant 8 : i32
      %dma_wait3A_310 = arith.constant 0 : i32
      %dma_wait3A_311 = tpu.memref_slice %arg7[%dma_wait3A_309, %dma_wait3A_310] : memref<24x112xi32, #tpu.memory_space<vmem>> -> memref<1x112xi32, #tpu.memory_space<vmem>>
      %dma_wait3A_312 = tpu.memref_squeeze %dma_wait3A_311 : memref<1x112xi32, #tpu.memory_space<vmem>> -> memref<112xi32, #tpu.memory_space<vmem>>
      %dma_wait3A_313 = arith.constant 0 : i32
      %dma_wait3A_314 = arith.constant 0 : i32
      %dma_wait3A_315 = tpu.memref_slice %arg11[%dma_wait3A_313, %dma_wait3A_314] : memref<10112x128xf32, #tpu.memory_space<vmem_shared>> -> memref<10112x128xf32, #tpu.memory_space<vmem_shared>>
      tpu.wait_indirect_dma semaphore(%arg17 : memref<!tpu.dma_semaphore, #tpu.memory_space<semaphore_mem>>) src(%arg10 : memref<112x128xf32, #tpu.memory_space<vmem>>) dst(%dma_wait3A_315 : memref<10112x128xf32, #tpu.memory_space<vmem_shared>>)
      %dma_start3A_316 = arith.constant 11 : i32
      %dma_start3A_317 = arith.constant 0 : i32
      %dma_start3A_318 = tpu.memref_slice %arg6[%dma_start3A_316, %dma_start3A_317] : memref<24x112xi32, #tpu.memory_space<vmem>> -> memref<1x112xi32, #tpu.memory_space<vmem>>
      %dma_start3A_319 = tpu.memref_squeeze %dma_start3A_318 : memref<1x112xi32, #tpu.memory_space<vmem>> -> memref<112xi32, #tpu.memory_space<vmem>>
      %dma_start3A_320 = arith.constant 0 : i32
      %dma_start3A_321 = arith.constant 0 : i32
      %dma_start3A_322 = tpu.memref_slice %arg2[%dma_start3A_320, %dma_start3A_321] : memref<10000x128xf32, #tpu.memory_space<hbm>> -> memref<10000x128xf32, #tpu.memory_space<hbm>>
      tpu.enqueue_indirect_dma source(%dma_start3A_322 : memref<10000x128xf32, #tpu.memory_space<hbm>>) target(%arg10 : memref<112x128xf32, #tpu.memory_space<vmem>>) offsets(%dma_start3A_319 : memref<112xi32, #tpu.memory_space<vmem>>) semaphore(%arg14 : memref<!tpu.dma_semaphore, #tpu.memory_space<semaphore_mem>>)
      %dma_wait3A_323 = arith.constant 9 : i32
      %dma_wait3A_324 = arith.constant 0 : i32
      %dma_wait3A_325 = tpu.memref_slice %arg6[%dma_wait3A_323, %dma_wait3A_324] : memref<24x112xi32, #tpu.memory_space<vmem>> -> memref<1x112xi32, #tpu.memory_space<vmem>>
      %dma_wait3A_326 = tpu.memref_squeeze %dma_wait3A_325 : memref<1x112xi32, #tpu.memory_space<vmem>> -> memref<112xi32, #tpu.memory_space<vmem>>
      %dma_wait3A_327 = arith.constant 0 : i32
      %dma_wait3A_328 = arith.constant 0 : i32
      %dma_wait3A_329 = tpu.memref_slice %arg2[%dma_wait3A_327, %dma_wait3A_328] : memref<10000x128xf32, #tpu.memory_space<hbm>> -> memref<10000x128xf32, #tpu.memory_space<hbm>>
      tpu.wait_indirect_dma semaphore(%arg12 : memref<!tpu.dma_semaphore, #tpu.memory_space<semaphore_mem>>) src(%dma_wait3A_329 : memref<10000x128xf32, #tpu.memory_space<hbm>>) dst(%arg8 : memref<112x128xf32, #tpu.memory_space<vmem>>)
      %dma_start3A_330 = arith.constant 9 : i32
      %dma_start3A_331 = arith.constant 0 : i32
      %dma_start3A_332 = tpu.memref_slice %arg7[%dma_start3A_330, %dma_start3A_331] : memref<24x112xi32, #tpu.memory_space<vmem>> -> memref<1x112xi32, #tpu.memory_space<vmem>>
      %dma_start3A_333 = tpu.memref_squeeze %dma_start3A_332 : memref<1x112xi32, #tpu.memory_space<vmem>> -> memref<112xi32, #tpu.memory_space<vmem>>
      %dma_start3A_334 = arith.constant 0 : i32
      %dma_start3A_335 = arith.constant 0 : i32
      %dma_start3A_336 = tpu.memref_slice %arg11[%dma_start3A_334, %dma_start3A_335] : memref<10112x128xf32, #tpu.memory_space<vmem_shared>> -> memref<10112x128xf32, #tpu.memory_space<vmem_shared>>
      tpu.enqueue_indirect_dma source(%arg8 : memref<112x128xf32, #tpu.memory_space<vmem>>) target(%dma_start3A_336 : memref<10112x128xf32, #tpu.memory_space<vmem_shared>>) offsets(%dma_start3A_333 : memref<112xi32, #tpu.memory_space<vmem>>) semaphore(%arg15 : memref<!tpu.dma_semaphore, #tpu.memory_space<semaphore_mem>>) {add = true}
      %dma_wait3A_337 = arith.constant 9 : i32
      %dma_wait3A_338 = arith.constant 0 : i32
      %dma_wait3A_339 = tpu.memref_slice %arg7[%dma_wait3A_337, %dma_wait3A_338] : memref<24x112xi32, #tpu.memory_space<vmem>> -> memref<1x112xi32, #tpu.memory_space<vmem>>
      %dma_wait3A_340 = tpu.memref_squeeze %dma_wait3A_339 : memref<1x112xi32, #tpu.memory_space<vmem>> -> memref<112xi32, #tpu.memory_space<vmem>>
      %dma_wait3A_341 = arith.constant 0 : i32
      %dma_wait3A_342 = arith.constant 0 : i32
      %dma_wait3A_343 = tpu.memref_slice %arg11[%dma_wait3A_341, %dma_wait3A_342] : memref<10112x128xf32, #tpu.memory_space<vmem_shared>> -> memref<10112x128xf32, #tpu.memory_space<vmem_shared>>
      tpu.wait_indirect_dma semaphore(%arg15 : memref<!tpu.dma_semaphore, #tpu.memory_space<semaphore_mem>>) src(%arg8 : memref<112x128xf32, #tpu.memory_space<vmem>>) dst(%dma_wait3A_343 : memref<10112x128xf32, #tpu.memory_space<vmem_shared>>)
      %dma_start3A_344 = arith.constant 12 : i32
      %dma_start3A_345 = arith.constant 0 : i32
      %dma_start3A_346 = tpu.memref_slice %arg6[%dma_start3A_344, %dma_start3A_345] : memref<24x112xi32, #tpu.memory_space<vmem>> -> memref<1x112xi32, #tpu.memory_space<vmem>>
      %dma_start3A_347 = tpu.memref_squeeze %dma_start3A_346 : memref<1x112xi32, #tpu.memory_space<vmem>> -> memref<112xi32, #tpu.memory_space<vmem>>
      %dma_start3A_348 = arith.constant 0 : i32
      %dma_start3A_349 = arith.constant 0 : i32
      %dma_start3A_350 = tpu.memref_slice %arg2[%dma_start3A_348, %dma_start3A_349] : memref<10000x128xf32, #tpu.memory_space<hbm>> -> memref<10000x128xf32, #tpu.memory_space<hbm>>
      tpu.enqueue_indirect_dma source(%dma_start3A_350 : memref<10000x128xf32, #tpu.memory_space<hbm>>) target(%arg8 : memref<112x128xf32, #tpu.memory_space<vmem>>) offsets(%dma_start3A_347 : memref<112xi32, #tpu.memory_space<vmem>>) semaphore(%arg12 : memref<!tpu.dma_semaphore, #tpu.memory_space<semaphore_mem>>)
      %dma_wait3A_351 = arith.constant 10 : i32
      %dma_wait3A_352 = arith.constant 0 : i32
      %dma_wait3A_353 = tpu.memref_slice %arg6[%dma_wait3A_351, %dma_wait3A_352] : memref<24x112xi32, #tpu.memory_space<vmem>> -> memref<1x112xi32, #tpu.memory_space<vmem>>
      %dma_wait3A_354 = tpu.memref_squeeze %dma_wait3A_353 : memref<1x112xi32, #tpu.memory_space<vmem>> -> memref<112xi32, #tpu.memory_space<vmem>>
      %dma_wait3A_355 = arith.constant 0 : i32
      %dma_wait3A_356 = arith.constant 0 : i32
      %dma_wait3A_357 = tpu.memref_slice %arg2[%dma_wait3A_355, %dma_wait3A_356] : memref<10000x128xf32, #tpu.memory_space<hbm>> -> memref<10000x128xf32, #tpu.memory_space<hbm>>
      tpu.wait_indirect_dma semaphore(%arg13 : memref<!tpu.dma_semaphore, #tpu.memory_space<semaphore_mem>>) src(%dma_wait3A_357 : memref<10000x128xf32, #tpu.memory_space<hbm>>) dst(%arg9 : memref<112x128xf32, #tpu.memory_space<vmem>>)
      %dma_start3A_358 = arith.constant 10 : i32
      %dma_start3A_359 = arith.constant 0 : i32
      %dma_start3A_360 = tpu.memref_slice %arg7[%dma_start3A_358, %dma_start3A_359] : memref<24x112xi32, #tpu.memory_space<vmem>> -> memref<1x112xi32, #tpu.memory_space<vmem>>
      %dma_start3A_361 = tpu.memref_squeeze %dma_start3A_360 : memref<1x112xi32, #tpu.memory_space<vmem>> -> memref<112xi32, #tpu.memory_space<vmem>>
      %dma_start3A_362 = arith.constant 0 : i32
      %dma_start3A_363 = arith.constant 0 : i32
      %dma_start3A_364 = tpu.memref_slice %arg11[%dma_start3A_362, %dma_start3A_363] : memref<10112x128xf32, #tpu.memory_space<vmem_shared>> -> memref<10112x128xf32, #tpu.memory_space<vmem_shared>>
      tpu.enqueue_indirect_dma source(%arg9 : memref<112x128xf32, #tpu.memory_space<vmem>>) target(%dma_start3A_364 : memref<10112x128xf32, #tpu.memory_space<vmem_shared>>) offsets(%dma_start3A_361 : memref<112xi32, #tpu.memory_space<vmem>>) semaphore(%arg16 : memref<!tpu.dma_semaphore, #tpu.memory_space<semaphore_mem>>) {add = true}
      %dma_wait3A_365 = arith.constant 10 : i32
      %dma_wait3A_366 = arith.constant 0 : i32
      %dma_wait3A_367 = tpu.memref_slice %arg7[%dma_wait3A_365, %dma_wait3A_366] : memref<24x112xi32, #tpu.memory_space<vmem>> -> memref<1x112xi32, #tpu.memory_space<vmem>>
      %dma_wait3A_368 = tpu.memref_squeeze %dma_wait3A_367 : memref<1x112xi32, #tpu.memory_space<vmem>> -> memref<112xi32, #tpu.memory_space<vmem>>
      %dma_wait3A_369 = arith.constant 0 : i32
      %dma_wait3A_370 = arith.constant 0 : i32
      %dma_wait3A_371 = tpu.memref_slice %arg11[%dma_wait3A_369, %dma_wait3A_370] : memref<10112x128xf32, #tpu.memory_space<vmem_shared>> -> memref<10112x128xf32, #tpu.memory_space<vmem_shared>>
      tpu.wait_indirect_dma semaphore(%arg16 : memref<!tpu.dma_semaphore, #tpu.memory_space<semaphore_mem>>) src(%arg9 : memref<112x128xf32, #tpu.memory_space<vmem>>) dst(%dma_wait3A_371 : memref<10112x128xf32, #tpu.memory_space<vmem_shared>>)
      %dma_start3A_372 = arith.constant 13 : i32
      %dma_start3A_373 = arith.constant 0 : i32
      %dma_start3A_374 = tpu.memref_slice %arg6[%dma_start3A_372, %dma_start3A_373] : memref<24x112xi32, #tpu.memory_space<vmem>> -> memref<1x112xi32, #tpu.memory_space<vmem>>
      %dma_start3A_375 = tpu.memref_squeeze %dma_start3A_374 : memref<1x112xi32, #tpu.memory_space<vmem>> -> memref<112xi32, #tpu.memory_space<vmem>>
      %dma_start3A_376 = arith.constant 0 : i32
      %dma_start3A_377 = arith.constant 0 : i32
      %dma_start3A_378 = tpu.memref_slice %arg2[%dma_start3A_376, %dma_start3A_377] : memref<10000x128xf32, #tpu.memory_space<hbm>> -> memref<10000x128xf32, #tpu.memory_space<hbm>>
      tpu.enqueue_indirect_dma source(%dma_start3A_378 : memref<10000x128xf32, #tpu.memory_space<hbm>>) target(%arg9 : memref<112x128xf32, #tpu.memory_space<vmem>>) offsets(%dma_start3A_375 : memref<112xi32, #tpu.memory_space<vmem>>) semaphore(%arg13 : memref<!tpu.dma_semaphore, #tpu.memory_space<semaphore_mem>>)
      %dma_wait3A_379 = arith.constant 11 : i32
      %dma_wait3A_380 = arith.constant 0 : i32
      %dma_wait3A_381 = tpu.memref_slice %arg6[%dma_wait3A_379, %dma_wait3A_380] : memref<24x112xi32, #tpu.memory_space<vmem>> -> memref<1x112xi32, #tpu.memory_space<vmem>>
      %dma_wait3A_382 = tpu.memref_squeeze %dma_wait3A_381 : memref<1x112xi32, #tpu.memory_space<vmem>> -> memref<112xi32, #tpu.memory_space<vmem>>
      %dma_wait3A_383 = arith.constant 0 : i32
      %dma_wait3A_384 = arith.constant 0 : i32
      %dma_wait3A_385 = tpu.memref_slice %arg2[%dma_wait3A_383, %dma_wait3A_384] : memref<10000x128xf32, #tpu.memory_space<hbm>> -> memref<10000x128xf32, #tpu.memory_space<hbm>>
      tpu.wait_indirect_dma semaphore(%arg14 : memref<!tpu.dma_semaphore, #tpu.memory_space<semaphore_mem>>) src(%dma_wait3A_385 : memref<10000x128xf32, #tpu.memory_space<hbm>>) dst(%arg10 : memref<112x128xf32, #tpu.memory_space<vmem>>)
      %dma_start3A_386 = arith.constant 11 : i32
      %dma_start3A_387 = arith.constant 0 : i32
      %dma_start3A_388 = tpu.memref_slice %arg7[%dma_start3A_386, %dma_start3A_387] : memref<24x112xi32, #tpu.memory_space<vmem>> -> memref<1x112xi32, #tpu.memory_space<vmem>>
      %dma_start3A_389 = tpu.memref_squeeze %dma_start3A_388 : memref<1x112xi32, #tpu.memory_space<vmem>> -> memref<112xi32, #tpu.memory_space<vmem>>
      %dma_start3A_390 = arith.constant 0 : i32
      %dma_start3A_391 = arith.constant 0 : i32
      %dma_start3A_392 = tpu.memref_slice %arg11[%dma_start3A_390, %dma_start3A_391] : memref<10112x128xf32, #tpu.memory_space<vmem_shared>> -> memref<10112x128xf32, #tpu.memory_space<vmem_shared>>
      tpu.enqueue_indirect_dma source(%arg10 : memref<112x128xf32, #tpu.memory_space<vmem>>) target(%dma_start3A_392 : memref<10112x128xf32, #tpu.memory_space<vmem_shared>>) offsets(%dma_start3A_389 : memref<112xi32, #tpu.memory_space<vmem>>) semaphore(%arg17 : memref<!tpu.dma_semaphore, #tpu.memory_space<semaphore_mem>>) {add = true}
      %dma_wait3A_393 = arith.constant 11 : i32
      %dma_wait3A_394 = arith.constant 0 : i32
      %dma_wait3A_395 = tpu.memref_slice %arg7[%dma_wait3A_393, %dma_wait3A_394] : memref<24x112xi32, #tpu.memory_space<vmem>> -> memref<1x112xi32, #tpu.memory_space<vmem>>
      %dma_wait3A_396 = tpu.memref_squeeze %dma_wait3A_395 : memref<1x112xi32, #tpu.memory_space<vmem>> -> memref<112xi32, #tpu.memory_space<vmem>>
      %dma_wait3A_397 = arith.constant 0 : i32
      %dma_wait3A_398 = arith.constant 0 : i32
      %dma_wait3A_399 = tpu.memref_slice %arg11[%dma_wait3A_397, %dma_wait3A_398] : memref<10112x128xf32, #tpu.memory_space<vmem_shared>> -> memref<10112x128xf32, #tpu.memory_space<vmem_shared>>
      tpu.wait_indirect_dma semaphore(%arg17 : memref<!tpu.dma_semaphore, #tpu.memory_space<semaphore_mem>>) src(%arg10 : memref<112x128xf32, #tpu.memory_space<vmem>>) dst(%dma_wait3A_399 : memref<10112x128xf32, #tpu.memory_space<vmem_shared>>)
      %dma_start3A_400 = arith.constant 14 : i32
      %dma_start3A_401 = arith.constant 0 : i32
      %dma_start3A_402 = tpu.memref_slice %arg6[%dma_start3A_400, %dma_start3A_401] : memref<24x112xi32, #tpu.memory_space<vmem>> -> memref<1x112xi32, #tpu.memory_space<vmem>>
      %dma_start3A_403 = tpu.memref_squeeze %dma_start3A_402 : memref<1x112xi32, #tpu.memory_space<vmem>> -> memref<112xi32, #tpu.memory_space<vmem>>
      %dma_start3A_404 = arith.constant 0 : i32
      %dma_start3A_405 = arith.constant 0 : i32
      %dma_start3A_406 = tpu.memref_slice %arg2[%dma_start3A_404, %dma_start3A_405] : memref<10000x128xf32, #tpu.memory_space<hbm>> -> memref<10000x128xf32, #tpu.memory_space<hbm>>
      tpu.enqueue_indirect_dma source(%dma_start3A_406 : memref<10000x128xf32, #tpu.memory_space<hbm>>) target(%arg10 : memref<112x128xf32, #tpu.memory_space<vmem>>) offsets(%dma_start3A_403 : memref<112xi32, #tpu.memory_space<vmem>>) semaphore(%arg14 : memref<!tpu.dma_semaphore, #tpu.memory_space<semaphore_mem>>)
      %dma_wait3A_407 = arith.constant 12 : i32
      %dma_wait3A_408 = arith.constant 0 : i32
      %dma_wait3A_409 = tpu.memref_slice %arg6[%dma_wait3A_407, %dma_wait3A_408] : memref<24x112xi32, #tpu.memory_space<vmem>> -> memref<1x112xi32, #tpu.memory_space<vmem>>
      %dma_wait3A_410 = tpu.memref_squeeze %dma_wait3A_409 : memref<1x112xi32, #tpu.memory_space<vmem>> -> memref<112xi32, #tpu.memory_space<vmem>>
      %dma_wait3A_411 = arith.constant 0 : i32
      %dma_wait3A_412 = arith.constant 0 : i32
      %dma_wait3A_413 = tpu.memref_slice %arg2[%dma_wait3A_411, %dma_wait3A_412] : memref<10000x128xf32, #tpu.memory_space<hbm>> -> memref<10000x128xf32, #tpu.memory_space<hbm>>
      tpu.wait_indirect_dma semaphore(%arg12 : memref<!tpu.dma_semaphore, #tpu.memory_space<semaphore_mem>>) src(%dma_wait3A_413 : memref<10000x128xf32, #tpu.memory_space<hbm>>) dst(%arg8 : memref<112x128xf32, #tpu.memory_space<vmem>>)
      %dma_start3A_414 = arith.constant 12 : i32
      %dma_start3A_415 = arith.constant 0 : i32
      %dma_start3A_416 = tpu.memref_slice %arg7[%dma_start3A_414, %dma_start3A_415] : memref<24x112xi32, #tpu.memory_space<vmem>> -> memref<1x112xi32, #tpu.memory_space<vmem>>
      %dma_start3A_417 = tpu.memref_squeeze %dma_start3A_416 : memref<1x112xi32, #tpu.memory_space<vmem>> -> memref<112xi32, #tpu.memory_space<vmem>>
      %dma_start3A_418 = arith.constant 0 : i32
      %dma_start3A_419 = arith.constant 0 : i32
      %dma_start3A_420 = tpu.memref_slice %arg11[%dma_start3A_418, %dma_start3A_419] : memref<10112x128xf32, #tpu.memory_space<vmem_shared>> -> memref<10112x128xf32, #tpu.memory_space<vmem_shared>>
      tpu.enqueue_indirect_dma source(%arg8 : memref<112x128xf32, #tpu.memory_space<vmem>>) target(%dma_start3A_420 : memref<10112x128xf32, #tpu.memory_space<vmem_shared>>) offsets(%dma_start3A_417 : memref<112xi32, #tpu.memory_space<vmem>>) semaphore(%arg15 : memref<!tpu.dma_semaphore, #tpu.memory_space<semaphore_mem>>) {add = true}
      %dma_wait3A_421 = arith.constant 12 : i32
      %dma_wait3A_422 = arith.constant 0 : i32
      %dma_wait3A_423 = tpu.memref_slice %arg7[%dma_wait3A_421, %dma_wait3A_422] : memref<24x112xi32, #tpu.memory_space<vmem>> -> memref<1x112xi32, #tpu.memory_space<vmem>>
      %dma_wait3A_424 = tpu.memref_squeeze %dma_wait3A_423 : memref<1x112xi32, #tpu.memory_space<vmem>> -> memref<112xi32, #tpu.memory_space<vmem>>
      %dma_wait3A_425 = arith.constant 0 : i32
      %dma_wait3A_426 = arith.constant 0 : i32
      %dma_wait3A_427 = tpu.memref_slice %arg11[%dma_wait3A_425, %dma_wait3A_426] : memref<10112x128xf32, #tpu.memory_space<vmem_shared>> -> memref<10112x128xf32, #tpu.memory_space<vmem_shared>>
      tpu.wait_indirect_dma semaphore(%arg15 : memref<!tpu.dma_semaphore, #tpu.memory_space<semaphore_mem>>) src(%arg8 : memref<112x128xf32, #tpu.memory_space<vmem>>) dst(%dma_wait3A_427 : memref<10112x128xf32, #tpu.memory_space<vmem_shared>>)
      %dma_start3A_428 = arith.constant 15 : i32
      %dma_start3A_429 = arith.constant 0 : i32
      %dma_start3A_430 = tpu.memref_slice %arg6[%dma_start3A_428, %dma_start3A_429] : memref<24x112xi32, #tpu.memory_space<vmem>> -> memref<1x112xi32, #tpu.memory_space<vmem>>
      %dma_start3A_431 = tpu.memref_squeeze %dma_start3A_430 : memref<1x112xi32, #tpu.memory_space<vmem>> -> memref<112xi32, #tpu.memory_space<vmem>>
      %dma_start3A_432 = arith.constant 0 : i32
      %dma_start3A_433 = arith.constant 0 : i32
      %dma_start3A_434 = tpu.memref_slice %arg2[%dma_start3A_432, %dma_start3A_433] : memref<10000x128xf32, #tpu.memory_space<hbm>> -> memref<10000x128xf32, #tpu.memory_space<hbm>>
      tpu.enqueue_indirect_dma source(%dma_start3A_434 : memref<10000x128xf32, #tpu.memory_space<hbm>>) target(%arg8 : memref<112x128xf32, #tpu.memory_space<vmem>>) offsets(%dma_start3A_431 : memref<112xi32, #tpu.memory_space<vmem>>) semaphore(%arg12 : memref<!tpu.dma_semaphore, #tpu.memory_space<semaphore_mem>>)
      %dma_wait3A_435 = arith.constant 13 : i32
      %dma_wait3A_436 = arith.constant 0 : i32
      %dma_wait3A_437 = tpu.memref_slice %arg6[%dma_wait3A_435, %dma_wait3A_436] : memref<24x112xi32, #tpu.memory_space<vmem>> -> memref<1x112xi32, #tpu.memory_space<vmem>>
      %dma_wait3A_438 = tpu.memref_squeeze %dma_wait3A_437 : memref<1x112xi32, #tpu.memory_space<vmem>> -> memref<112xi32, #tpu.memory_space<vmem>>
      %dma_wait3A_439 = arith.constant 0 : i32
      %dma_wait3A_440 = arith.constant 0 : i32
      %dma_wait3A_441 = tpu.memref_slice %arg2[%dma_wait3A_439, %dma_wait3A_440] : memref<10000x128xf32, #tpu.memory_space<hbm>> -> memref<10000x128xf32, #tpu.memory_space<hbm>>
      tpu.wait_indirect_dma semaphore(%arg13 : memref<!tpu.dma_semaphore, #tpu.memory_space<semaphore_mem>>) src(%dma_wait3A_441 : memref<10000x128xf32, #tpu.memory_space<hbm>>) dst(%arg9 : memref<112x128xf32, #tpu.memory_space<vmem>>)
      %dma_start3A_442 = arith.constant 13 : i32
      %dma_start3A_443 = arith.constant 0 : i32
      %dma_start3A_444 = tpu.memref_slice %arg7[%dma_start3A_442, %dma_start3A_443] : memref<24x112xi32, #tpu.memory_space<vmem>> -> memref<1x112xi32, #tpu.memory_space<vmem>>
      %dma_start3A_445 = tpu.memref_squeeze %dma_start3A_444 : memref<1x112xi32, #tpu.memory_space<vmem>> -> memref<112xi32, #tpu.memory_space<vmem>>
      %dma_start3A_446 = arith.constant 0 : i32
      %dma_start3A_447 = arith.constant 0 : i32
      %dma_start3A_448 = tpu.memref_slice %arg11[%dma_start3A_446, %dma_start3A_447] : memref<10112x128xf32, #tpu.memory_space<vmem_shared>> -> memref<10112x128xf32, #tpu.memory_space<vmem_shared>>
      tpu.enqueue_indirect_dma source(%arg9 : memref<112x128xf32, #tpu.memory_space<vmem>>) target(%dma_start3A_448 : memref<10112x128xf32, #tpu.memory_space<vmem_shared>>) offsets(%dma_start3A_445 : memref<112xi32, #tpu.memory_space<vmem>>) semaphore(%arg16 : memref<!tpu.dma_semaphore, #tpu.memory_space<semaphore_mem>>) {add = true}
      %dma_wait3A_449 = arith.constant 13 : i32
      %dma_wait3A_450 = arith.constant 0 : i32
      %dma_wait3A_451 = tpu.memref_slice %arg7[%dma_wait3A_449, %dma_wait3A_450] : memref<24x112xi32, #tpu.memory_space<vmem>> -> memref<1x112xi32, #tpu.memory_space<vmem>>
      %dma_wait3A_452 = tpu.memref_squeeze %dma_wait3A_451 : memref<1x112xi32, #tpu.memory_space<vmem>> -> memref<112xi32, #tpu.memory_space<vmem>>
      %dma_wait3A_453 = arith.constant 0 : i32
      %dma_wait3A_454 = arith.constant 0 : i32
      %dma_wait3A_455 = tpu.memref_slice %arg11[%dma_wait3A_453, %dma_wait3A_454] : memref<10112x128xf32, #tpu.memory_space<vmem_shared>> -> memref<10112x128xf32, #tpu.memory_space<vmem_shared>>
      tpu.wait_indirect_dma semaphore(%arg16 : memref<!tpu.dma_semaphore, #tpu.memory_space<semaphore_mem>>) src(%arg9 : memref<112x128xf32, #tpu.memory_space<vmem>>) dst(%dma_wait3A_455 : memref<10112x128xf32, #tpu.memory_space<vmem_shared>>)
      %dma_start3A_456 = arith.constant 16 : i32
      %dma_start3A_457 = arith.constant 0 : i32
      %dma_start3A_458 = tpu.memref_slice %arg6[%dma_start3A_456, %dma_start3A_457] : memref<24x112xi32, #tpu.memory_space<vmem>> -> memref<1x112xi32, #tpu.memory_space<vmem>>
      %dma_start3A_459 = tpu.memref_squeeze %dma_start3A_458 : memref<1x112xi32, #tpu.memory_space<vmem>> -> memref<112xi32, #tpu.memory_space<vmem>>
      %dma_start3A_460 = arith.constant 0 : i32
      %dma_start3A_461 = arith.constant 0 : i32
      %dma_start3A_462 = tpu.memref_slice %arg2[%dma_start3A_460, %dma_start3A_461] : memref<10000x128xf32, #tpu.memory_space<hbm>> -> memref<10000x128xf32, #tpu.memory_space<hbm>>
      tpu.enqueue_indirect_dma source(%dma_start3A_462 : memref<10000x128xf32, #tpu.memory_space<hbm>>) target(%arg9 : memref<112x128xf32, #tpu.memory_space<vmem>>) offsets(%dma_start3A_459 : memref<112xi32, #tpu.memory_space<vmem>>) semaphore(%arg13 : memref<!tpu.dma_semaphore, #tpu.memory_space<semaphore_mem>>)
      %dma_wait3A_463 = arith.constant 14 : i32
      %dma_wait3A_464 = arith.constant 0 : i32
      %dma_wait3A_465 = tpu.memref_slice %arg6[%dma_wait3A_463, %dma_wait3A_464] : memref<24x112xi32, #tpu.memory_space<vmem>> -> memref<1x112xi32, #tpu.memory_space<vmem>>
      %dma_wait3A_466 = tpu.memref_squeeze %dma_wait3A_465 : memref<1x112xi32, #tpu.memory_space<vmem>> -> memref<112xi32, #tpu.memory_space<vmem>>
      %dma_wait3A_467 = arith.constant 0 : i32
      %dma_wait3A_468 = arith.constant 0 : i32
      %dma_wait3A_469 = tpu.memref_slice %arg2[%dma_wait3A_467, %dma_wait3A_468] : memref<10000x128xf32, #tpu.memory_space<hbm>> -> memref<10000x128xf32, #tpu.memory_space<hbm>>
      tpu.wait_indirect_dma semaphore(%arg14 : memref<!tpu.dma_semaphore, #tpu.memory_space<semaphore_mem>>) src(%dma_wait3A_469 : memref<10000x128xf32, #tpu.memory_space<hbm>>) dst(%arg10 : memref<112x128xf32, #tpu.memory_space<vmem>>)
      %dma_start3A_470 = arith.constant 14 : i32
      %dma_start3A_471 = arith.constant 0 : i32
      %dma_start3A_472 = tpu.memref_slice %arg7[%dma_start3A_470, %dma_start3A_471] : memref<24x112xi32, #tpu.memory_space<vmem>> -> memref<1x112xi32, #tpu.memory_space<vmem>>
      %dma_start3A_473 = tpu.memref_squeeze %dma_start3A_472 : memref<1x112xi32, #tpu.memory_space<vmem>> -> memref<112xi32, #tpu.memory_space<vmem>>
      %dma_start3A_474 = arith.constant 0 : i32
      %dma_start3A_475 = arith.constant 0 : i32
      %dma_start3A_476 = tpu.memref_slice %arg11[%dma_start3A_474, %dma_start3A_475] : memref<10112x128xf32, #tpu.memory_space<vmem_shared>> -> memref<10112x128xf32, #tpu.memory_space<vmem_shared>>
      tpu.enqueue_indirect_dma source(%arg10 : memref<112x128xf32, #tpu.memory_space<vmem>>) target(%dma_start3A_476 : memref<10112x128xf32, #tpu.memory_space<vmem_shared>>) offsets(%dma_start3A_473 : memref<112xi32, #tpu.memory_space<vmem>>) semaphore(%arg17 : memref<!tpu.dma_semaphore, #tpu.memory_space<semaphore_mem>>) {add = true}
      %dma_wait3A_477 = arith.constant 14 : i32
      %dma_wait3A_478 = arith.constant 0 : i32
      %dma_wait3A_479 = tpu.memref_slice %arg7[%dma_wait3A_477, %dma_wait3A_478] : memref<24x112xi32, #tpu.memory_space<vmem>> -> memref<1x112xi32, #tpu.memory_space<vmem>>
      %dma_wait3A_480 = tpu.memref_squeeze %dma_wait3A_479 : memref<1x112xi32, #tpu.memory_space<vmem>> -> memref<112xi32, #tpu.memory_space<vmem>>
      %dma_wait3A_481 = arith.constant 0 : i32
      %dma_wait3A_482 = arith.constant 0 : i32
      %dma_wait3A_483 = tpu.memref_slice %arg11[%dma_wait3A_481, %dma_wait3A_482] : memref<10112x128xf32, #tpu.memory_space<vmem_shared>> -> memref<10112x128xf32, #tpu.memory_space<vmem_shared>>
      tpu.wait_indirect_dma semaphore(%arg17 : memref<!tpu.dma_semaphore, #tpu.memory_space<semaphore_mem>>) src(%arg10 : memref<112x128xf32, #tpu.memory_space<vmem>>) dst(%dma_wait3A_483 : memref<10112x128xf32, #tpu.memory_space<vmem_shared>>)
      %dma_start3A_484 = arith.constant 17 : i32
      %dma_start3A_485 = arith.constant 0 : i32
      %dma_start3A_486 = tpu.memref_slice %arg6[%dma_start3A_484, %dma_start3A_485] : memref<24x112xi32, #tpu.memory_space<vmem>> -> memref<1x112xi32, #tpu.memory_space<vmem>>
      %dma_start3A_487 = tpu.memref_squeeze %dma_start3A_486 : memref<1x112xi32, #tpu.memory_space<vmem>> -> memref<112xi32, #tpu.memory_space<vmem>>
      %dma_start3A_488 = arith.constant 0 : i32
      %dma_start3A_489 = arith.constant 0 : i32
      %dma_start3A_490 = tpu.memref_slice %arg2[%dma_start3A_488, %dma_start3A_489] : memref<10000x128xf32, #tpu.memory_space<hbm>> -> memref<10000x128xf32, #tpu.memory_space<hbm>>
      tpu.enqueue_indirect_dma source(%dma_start3A_490 : memref<10000x128xf32, #tpu.memory_space<hbm>>) target(%arg10 : memref<112x128xf32, #tpu.memory_space<vmem>>) offsets(%dma_start3A_487 : memref<112xi32, #tpu.memory_space<vmem>>) semaphore(%arg14 : memref<!tpu.dma_semaphore, #tpu.memory_space<semaphore_mem>>)
      %dma_wait3A_491 = arith.constant 15 : i32
      %dma_wait3A_492 = arith.constant 0 : i32
      %dma_wait3A_493 = tpu.memref_slice %arg6[%dma_wait3A_491, %dma_wait3A_492] : memref<24x112xi32, #tpu.memory_space<vmem>> -> memref<1x112xi32, #tpu.memory_space<vmem>>
      %dma_wait3A_494 = tpu.memref_squeeze %dma_wait3A_493 : memref<1x112xi32, #tpu.memory_space<vmem>> -> memref<112xi32, #tpu.memory_space<vmem>>
      %dma_wait3A_495 = arith.constant 0 : i32
      %dma_wait3A_496 = arith.constant 0 : i32
      %dma_wait3A_497 = tpu.memref_slice %arg2[%dma_wait3A_495, %dma_wait3A_496] : memref<10000x128xf32, #tpu.memory_space<hbm>> -> memref<10000x128xf32, #tpu.memory_space<hbm>>
      tpu.wait_indirect_dma semaphore(%arg12 : memref<!tpu.dma_semaphore, #tpu.memory_space<semaphore_mem>>) src(%dma_wait3A_497 : memref<10000x128xf32, #tpu.memory_space<hbm>>) dst(%arg8 : memref<112x128xf32, #tpu.memory_space<vmem>>)
      %dma_start3A_498 = arith.constant 15 : i32
      %dma_start3A_499 = arith.constant 0 : i32
      %dma_start3A_500 = tpu.memref_slice %arg7[%dma_start3A_498, %dma_start3A_499] : memref<24x112xi32, #tpu.memory_space<vmem>> -> memref<1x112xi32, #tpu.memory_space<vmem>>
      %dma_start3A_501 = tpu.memref_squeeze %dma_start3A_500 : memref<1x112xi32, #tpu.memory_space<vmem>> -> memref<112xi32, #tpu.memory_space<vmem>>
      %dma_start3A_502 = arith.constant 0 : i32
      %dma_start3A_503 = arith.constant 0 : i32
      %dma_start3A_504 = tpu.memref_slice %arg11[%dma_start3A_502, %dma_start3A_503] : memref<10112x128xf32, #tpu.memory_space<vmem_shared>> -> memref<10112x128xf32, #tpu.memory_space<vmem_shared>>
      tpu.enqueue_indirect_dma source(%arg8 : memref<112x128xf32, #tpu.memory_space<vmem>>) target(%dma_start3A_504 : memref<10112x128xf32, #tpu.memory_space<vmem_shared>>) offsets(%dma_start3A_501 : memref<112xi32, #tpu.memory_space<vmem>>) semaphore(%arg15 : memref<!tpu.dma_semaphore, #tpu.memory_space<semaphore_mem>>) {add = true}
      %dma_wait3A_505 = arith.constant 15 : i32
      %dma_wait3A_506 = arith.constant 0 : i32
      %dma_wait3A_507 = tpu.memref_slice %arg7[%dma_wait3A_505, %dma_wait3A_506] : memref<24x112xi32, #tpu.memory_space<vmem>> -> memref<1x112xi32, #tpu.memory_space<vmem>>
      %dma_wait3A_508 = tpu.memref_squeeze %dma_wait3A_507 : memref<1x112xi32, #tpu.memory_space<vmem>> -> memref<112xi32, #tpu.memory_space<vmem>>
      %dma_wait3A_509 = arith.constant 0 : i32
      %dma_wait3A_510 = arith.constant 0 : i32
      %dma_wait3A_511 = tpu.memref_slice %arg11[%dma_wait3A_509, %dma_wait3A_510] : memref<10112x128xf32, #tpu.memory_space<vmem_shared>> -> memref<10112x128xf32, #tpu.memory_space<vmem_shared>>
      tpu.wait_indirect_dma semaphore(%arg15 : memref<!tpu.dma_semaphore, #tpu.memory_space<semaphore_mem>>) src(%arg8 : memref<112x128xf32, #tpu.memory_space<vmem>>) dst(%dma_wait3A_511 : memref<10112x128xf32, #tpu.memory_space<vmem_shared>>)
      %dma_start3A_512 = arith.constant 18 : i32
      %dma_start3A_513 = arith.constant 0 : i32
      %dma_start3A_514 = tpu.memref_slice %arg6[%dma_start3A_512, %dma_start3A_513] : memref<24x112xi32, #tpu.memory_space<vmem>> -> memref<1x112xi32, #tpu.memory_space<vmem>>
      %dma_start3A_515 = tpu.memref_squeeze %dma_start3A_514 : memref<1x112xi32, #tpu.memory_space<vmem>> -> memref<112xi32, #tpu.memory_space<vmem>>
      %dma_start3A_516 = arith.constant 0 : i32
      %dma_start3A_517 = arith.constant 0 : i32
      %dma_start3A_518 = tpu.memref_slice %arg2[%dma_start3A_516, %dma_start3A_517] : memref<10000x128xf32, #tpu.memory_space<hbm>> -> memref<10000x128xf32, #tpu.memory_space<hbm>>
      tpu.enqueue_indirect_dma source(%dma_start3A_518 : memref<10000x128xf32, #tpu.memory_space<hbm>>) target(%arg8 : memref<112x128xf32, #tpu.memory_space<vmem>>) offsets(%dma_start3A_515 : memref<112xi32, #tpu.memory_space<vmem>>) semaphore(%arg12 : memref<!tpu.dma_semaphore, #tpu.memory_space<semaphore_mem>>)
      %dma_wait3A_519 = arith.constant 16 : i32
      %dma_wait3A_520 = arith.constant 0 : i32
      %dma_wait3A_521 = tpu.memref_slice %arg6[%dma_wait3A_519, %dma_wait3A_520] : memref<24x112xi32, #tpu.memory_space<vmem>> -> memref<1x112xi32, #tpu.memory_space<vmem>>
      %dma_wait3A_522 = tpu.memref_squeeze %dma_wait3A_521 : memref<1x112xi32, #tpu.memory_space<vmem>> -> memref<112xi32, #tpu.memory_space<vmem>>
      %dma_wait3A_523 = arith.constant 0 : i32
      %dma_wait3A_524 = arith.constant 0 : i32
      %dma_wait3A_525 = tpu.memref_slice %arg2[%dma_wait3A_523, %dma_wait3A_524] : memref<10000x128xf32, #tpu.memory_space<hbm>> -> memref<10000x128xf32, #tpu.memory_space<hbm>>
      tpu.wait_indirect_dma semaphore(%arg13 : memref<!tpu.dma_semaphore, #tpu.memory_space<semaphore_mem>>) src(%dma_wait3A_525 : memref<10000x128xf32, #tpu.memory_space<hbm>>) dst(%arg9 : memref<112x128xf32, #tpu.memory_space<vmem>>)
      %dma_start3A_526 = arith.constant 16 : i32
      %dma_start3A_527 = arith.constant 0 : i32
      %dma_start3A_528 = tpu.memref_slice %arg7[%dma_start3A_526, %dma_start3A_527] : memref<24x112xi32, #tpu.memory_space<vmem>> -> memref<1x112xi32, #tpu.memory_space<vmem>>
      %dma_start3A_529 = tpu.memref_squeeze %dma_start3A_528 : memref<1x112xi32, #tpu.memory_space<vmem>> -> memref<112xi32, #tpu.memory_space<vmem>>
      %dma_start3A_530 = arith.constant 0 : i32
      %dma_start3A_531 = arith.constant 0 : i32
      %dma_start3A_532 = tpu.memref_slice %arg11[%dma_start3A_530, %dma_start3A_531] : memref<10112x128xf32, #tpu.memory_space<vmem_shared>> -> memref<10112x128xf32, #tpu.memory_space<vmem_shared>>
      tpu.enqueue_indirect_dma source(%arg9 : memref<112x128xf32, #tpu.memory_space<vmem>>) target(%dma_start3A_532 : memref<10112x128xf32, #tpu.memory_space<vmem_shared>>) offsets(%dma_start3A_529 : memref<112xi32, #tpu.memory_space<vmem>>) semaphore(%arg16 : memref<!tpu.dma_semaphore, #tpu.memory_space<semaphore_mem>>) {add = true}
      %dma_wait3A_533 = arith.constant 16 : i32
      %dma_wait3A_534 = arith.constant 0 : i32
      %dma_wait3A_535 = tpu.memref_slice %arg7[%dma_wait3A_533, %dma_wait3A_534] : memref<24x112xi32, #tpu.memory_space<vmem>> -> memref<1x112xi32, #tpu.memory_space<vmem>>
      %dma_wait3A_536 = tpu.memref_squeeze %dma_wait3A_535 : memref<1x112xi32, #tpu.memory_space<vmem>> -> memref<112xi32, #tpu.memory_space<vmem>>
      %dma_wait3A_537 = arith.constant 0 : i32
      %dma_wait3A_538 = arith.constant 0 : i32
      %dma_wait3A_539 = tpu.memref_slice %arg11[%dma_wait3A_537, %dma_wait3A_538] : memref<10112x128xf32, #tpu.memory_space<vmem_shared>> -> memref<10112x128xf32, #tpu.memory_space<vmem_shared>>
      tpu.wait_indirect_dma semaphore(%arg16 : memref<!tpu.dma_semaphore, #tpu.memory_space<semaphore_mem>>) src(%arg9 : memref<112x128xf32, #tpu.memory_space<vmem>>) dst(%dma_wait3A_539 : memref<10112x128xf32, #tpu.memory_space<vmem_shared>>)
      %dma_start3A_540 = arith.constant 19 : i32
      %dma_start3A_541 = arith.constant 0 : i32
      %dma_start3A_542 = tpu.memref_slice %arg6[%dma_start3A_540, %dma_start3A_541] : memref<24x112xi32, #tpu.memory_space<vmem>> -> memref<1x112xi32, #tpu.memory_space<vmem>>
      %dma_start3A_543 = tpu.memref_squeeze %dma_start3A_542 : memref<1x112xi32, #tpu.memory_space<vmem>> -> memref<112xi32, #tpu.memory_space<vmem>>
      %dma_start3A_544 = arith.constant 0 : i32
      %dma_start3A_545 = arith.constant 0 : i32
      %dma_start3A_546 = tpu.memref_slice %arg2[%dma_start3A_544, %dma_start3A_545] : memref<10000x128xf32, #tpu.memory_space<hbm>> -> memref<10000x128xf32, #tpu.memory_space<hbm>>
      tpu.enqueue_indirect_dma source(%dma_start3A_546 : memref<10000x128xf32, #tpu.memory_space<hbm>>) target(%arg9 : memref<112x128xf32, #tpu.memory_space<vmem>>) offsets(%dma_start3A_543 : memref<112xi32, #tpu.memory_space<vmem>>) semaphore(%arg13 : memref<!tpu.dma_semaphore, #tpu.memory_space<semaphore_mem>>)
      %dma_wait3A_547 = arith.constant 17 : i32
      %dma_wait3A_548 = arith.constant 0 : i32
      %dma_wait3A_549 = tpu.memref_slice %arg6[%dma_wait3A_547, %dma_wait3A_548] : memref<24x112xi32, #tpu.memory_space<vmem>> -> memref<1x112xi32, #tpu.memory_space<vmem>>
      %dma_wait3A_550 = tpu.memref_squeeze %dma_wait3A_549 : memref<1x112xi32, #tpu.memory_space<vmem>> -> memref<112xi32, #tpu.memory_space<vmem>>
      %dma_wait3A_551 = arith.constant 0 : i32
      %dma_wait3A_552 = arith.constant 0 : i32
      %dma_wait3A_553 = tpu.memref_slice %arg2[%dma_wait3A_551, %dma_wait3A_552] : memref<10000x128xf32, #tpu.memory_space<hbm>> -> memref<10000x128xf32, #tpu.memory_space<hbm>>
      tpu.wait_indirect_dma semaphore(%arg14 : memref<!tpu.dma_semaphore, #tpu.memory_space<semaphore_mem>>) src(%dma_wait3A_553 : memref<10000x128xf32, #tpu.memory_space<hbm>>) dst(%arg10 : memref<112x128xf32, #tpu.memory_space<vmem>>)
      %dma_start3A_554 = arith.constant 17 : i32
      %dma_start3A_555 = arith.constant 0 : i32
      %dma_start3A_556 = tpu.memref_slice %arg7[%dma_start3A_554, %dma_start3A_555] : memref<24x112xi32, #tpu.memory_space<vmem>> -> memref<1x112xi32, #tpu.memory_space<vmem>>
      %dma_start3A_557 = tpu.memref_squeeze %dma_start3A_556 : memref<1x112xi32, #tpu.memory_space<vmem>> -> memref<112xi32, #tpu.memory_space<vmem>>
      %dma_start3A_558 = arith.constant 0 : i32
      %dma_start3A_559 = arith.constant 0 : i32
      %dma_start3A_560 = tpu.memref_slice %arg11[%dma_start3A_558, %dma_start3A_559] : memref<10112x128xf32, #tpu.memory_space<vmem_shared>> -> memref<10112x128xf32, #tpu.memory_space<vmem_shared>>
      tpu.enqueue_indirect_dma source(%arg10 : memref<112x128xf32, #tpu.memory_space<vmem>>) target(%dma_start3A_560 : memref<10112x128xf32, #tpu.memory_space<vmem_shared>>) offsets(%dma_start3A_557 : memref<112xi32, #tpu.memory_space<vmem>>) semaphore(%arg17 : memref<!tpu.dma_semaphore, #tpu.memory_space<semaphore_mem>>) {add = true}
      %dma_wait3A_561 = arith.constant 17 : i32
      %dma_wait3A_562 = arith.constant 0 : i32
      %dma_wait3A_563 = tpu.memref_slice %arg7[%dma_wait3A_561, %dma_wait3A_562] : memref<24x112xi32, #tpu.memory_space<vmem>> -> memref<1x112xi32, #tpu.memory_space<vmem>>
      %dma_wait3A_564 = tpu.memref_squeeze %dma_wait3A_563 : memref<1x112xi32, #tpu.memory_space<vmem>> -> memref<112xi32, #tpu.memory_space<vmem>>
      %dma_wait3A_565 = arith.constant 0 : i32
      %dma_wait3A_566 = arith.constant 0 : i32
      %dma_wait3A_567 = tpu.memref_slice %arg11[%dma_wait3A_565, %dma_wait3A_566] : memref<10112x128xf32, #tpu.memory_space<vmem_shared>> -> memref<10112x128xf32, #tpu.memory_space<vmem_shared>>
      tpu.wait_indirect_dma semaphore(%arg17 : memref<!tpu.dma_semaphore, #tpu.memory_space<semaphore_mem>>) src(%arg10 : memref<112x128xf32, #tpu.memory_space<vmem>>) dst(%dma_wait3A_567 : memref<10112x128xf32, #tpu.memory_space<vmem_shared>>)
      %dma_start3A_568 = arith.constant 20 : i32
      %dma_start3A_569 = arith.constant 0 : i32
      %dma_start3A_570 = tpu.memref_slice %arg6[%dma_start3A_568, %dma_start3A_569] : memref<24x112xi32, #tpu.memory_space<vmem>> -> memref<1x112xi32, #tpu.memory_space<vmem>>
      %dma_start3A_571 = tpu.memref_squeeze %dma_start3A_570 : memref<1x112xi32, #tpu.memory_space<vmem>> -> memref<112xi32, #tpu.memory_space<vmem>>
      %dma_start3A_572 = arith.constant 0 : i32
      %dma_start3A_573 = arith.constant 0 : i32
      %dma_start3A_574 = tpu.memref_slice %arg2[%dma_start3A_572, %dma_start3A_573] : memref<10000x128xf32, #tpu.memory_space<hbm>> -> memref<10000x128xf32, #tpu.memory_space<hbm>>
      tpu.enqueue_indirect_dma source(%dma_start3A_574 : memref<10000x128xf32, #tpu.memory_space<hbm>>) target(%arg10 : memref<112x128xf32, #tpu.memory_space<vmem>>) offsets(%dma_start3A_571 : memref<112xi32, #tpu.memory_space<vmem>>) semaphore(%arg14 : memref<!tpu.dma_semaphore, #tpu.memory_space<semaphore_mem>>)
      %dma_wait3A_575 = arith.constant 18 : i32
      %dma_wait3A_576 = arith.constant 0 : i32
      %dma_wait3A_577 = tpu.memref_slice %arg6[%dma_wait3A_575, %dma_wait3A_576] : memref<24x112xi32, #tpu.memory_space<vmem>> -> memref<1x112xi32, #tpu.memory_space<vmem>>
      %dma_wait3A_578 = tpu.memref_squeeze %dma_wait3A_577 : memref<1x112xi32, #tpu.memory_space<vmem>> -> memref<112xi32, #tpu.memory_space<vmem>>
      %dma_wait3A_579 = arith.constant 0 : i32
      %dma_wait3A_580 = arith.constant 0 : i32
      %dma_wait3A_581 = tpu.memref_slice %arg2[%dma_wait3A_579, %dma_wait3A_580] : memref<10000x128xf32, #tpu.memory_space<hbm>> -> memref<10000x128xf32, #tpu.memory_space<hbm>>
      tpu.wait_indirect_dma semaphore(%arg12 : memref<!tpu.dma_semaphore, #tpu.memory_space<semaphore_mem>>) src(%dma_wait3A_581 : memref<10000x128xf32, #tpu.memory_space<hbm>>) dst(%arg8 : memref<112x128xf32, #tpu.memory_space<vmem>>)
      %dma_start3A_582 = arith.constant 18 : i32
      %dma_start3A_583 = arith.constant 0 : i32
      %dma_start3A_584 = tpu.memref_slice %arg7[%dma_start3A_582, %dma_start3A_583] : memref<24x112xi32, #tpu.memory_space<vmem>> -> memref<1x112xi32, #tpu.memory_space<vmem>>
      %dma_start3A_585 = tpu.memref_squeeze %dma_start3A_584 : memref<1x112xi32, #tpu.memory_space<vmem>> -> memref<112xi32, #tpu.memory_space<vmem>>
      %dma_start3A_586 = arith.constant 0 : i32
      %dma_start3A_587 = arith.constant 0 : i32
      %dma_start3A_588 = tpu.memref_slice %arg11[%dma_start3A_586, %dma_start3A_587] : memref<10112x128xf32, #tpu.memory_space<vmem_shared>> -> memref<10112x128xf32, #tpu.memory_space<vmem_shared>>
      tpu.enqueue_indirect_dma source(%arg8 : memref<112x128xf32, #tpu.memory_space<vmem>>) target(%dma_start3A_588 : memref<10112x128xf32, #tpu.memory_space<vmem_shared>>) offsets(%dma_start3A_585 : memref<112xi32, #tpu.memory_space<vmem>>) semaphore(%arg15 : memref<!tpu.dma_semaphore, #tpu.memory_space<semaphore_mem>>) {add = true}
      %dma_wait3A_589 = arith.constant 18 : i32
      %dma_wait3A_590 = arith.constant 0 : i32
      %dma_wait3A_591 = tpu.memref_slice %arg7[%dma_wait3A_589, %dma_wait3A_590] : memref<24x112xi32, #tpu.memory_space<vmem>> -> memref<1x112xi32, #tpu.memory_space<vmem>>
      %dma_wait3A_592 = tpu.memref_squeeze %dma_wait3A_591 : memref<1x112xi32, #tpu.memory_space<vmem>> -> memref<112xi32, #tpu.memory_space<vmem>>
      %dma_wait3A_593 = arith.constant 0 : i32
      %dma_wait3A_594 = arith.constant 0 : i32
      %dma_wait3A_595 = tpu.memref_slice %arg11[%dma_wait3A_593, %dma_wait3A_594] : memref<10112x128xf32, #tpu.memory_space<vmem_shared>> -> memref<10112x128xf32, #tpu.memory_space<vmem_shared>>
      tpu.wait_indirect_dma semaphore(%arg15 : memref<!tpu.dma_semaphore, #tpu.memory_space<semaphore_mem>>) src(%arg8 : memref<112x128xf32, #tpu.memory_space<vmem>>) dst(%dma_wait3A_595 : memref<10112x128xf32, #tpu.memory_space<vmem_shared>>)
      %dma_start3A_596 = arith.constant 21 : i32
      %dma_start3A_597 = arith.constant 0 : i32
      %dma_start3A_598 = tpu.memref_slice %arg6[%dma_start3A_596, %dma_start3A_597] : memref<24x112xi32, #tpu.memory_space<vmem>> -> memref<1x112xi32, #tpu.memory_space<vmem>>
      %dma_start3A_599 = tpu.memref_squeeze %dma_start3A_598 : memref<1x112xi32, #tpu.memory_space<vmem>> -> memref<112xi32, #tpu.memory_space<vmem>>
      %dma_start3A_600 = arith.constant 0 : i32
      %dma_start3A_601 = arith.constant 0 : i32
      %dma_start3A_602 = tpu.memref_slice %arg2[%dma_start3A_600, %dma_start3A_601] : memref<10000x128xf32, #tpu.memory_space<hbm>> -> memref<10000x128xf32, #tpu.memory_space<hbm>>
      tpu.enqueue_indirect_dma source(%dma_start3A_602 : memref<10000x128xf32, #tpu.memory_space<hbm>>) target(%arg8 : memref<112x128xf32, #tpu.memory_space<vmem>>) offsets(%dma_start3A_599 : memref<112xi32, #tpu.memory_space<vmem>>) semaphore(%arg12 : memref<!tpu.dma_semaphore, #tpu.memory_space<semaphore_mem>>)
      %dma_wait3A_603 = arith.constant 19 : i32
      %dma_wait3A_604 = arith.constant 0 : i32
      %dma_wait3A_605 = tpu.memref_slice %arg6[%dma_wait3A_603, %dma_wait3A_604] : memref<24x112xi32, #tpu.memory_space<vmem>> -> memref<1x112xi32, #tpu.memory_space<vmem>>
      %dma_wait3A_606 = tpu.memref_squeeze %dma_wait3A_605 : memref<1x112xi32, #tpu.memory_space<vmem>> -> memref<112xi32, #tpu.memory_space<vmem>>
      %dma_wait3A_607 = arith.constant 0 : i32
      %dma_wait3A_608 = arith.constant 0 : i32
      %dma_wait3A_609 = tpu.memref_slice %arg2[%dma_wait3A_607, %dma_wait3A_608] : memref<10000x128xf32, #tpu.memory_space<hbm>> -> memref<10000x128xf32, #tpu.memory_space<hbm>>
      tpu.wait_indirect_dma semaphore(%arg13 : memref<!tpu.dma_semaphore, #tpu.memory_space<semaphore_mem>>) src(%dma_wait3A_609 : memref<10000x128xf32, #tpu.memory_space<hbm>>) dst(%arg9 : memref<112x128xf32, #tpu.memory_space<vmem>>)
      %dma_start3A_610 = arith.constant 19 : i32
      %dma_start3A_611 = arith.constant 0 : i32
      %dma_start3A_612 = tpu.memref_slice %arg7[%dma_start3A_610, %dma_start3A_611] : memref<24x112xi32, #tpu.memory_space<vmem>> -> memref<1x112xi32, #tpu.memory_space<vmem>>
      %dma_start3A_613 = tpu.memref_squeeze %dma_start3A_612 : memref<1x112xi32, #tpu.memory_space<vmem>> -> memref<112xi32, #tpu.memory_space<vmem>>
      %dma_start3A_614 = arith.constant 0 : i32
      %dma_start3A_615 = arith.constant 0 : i32
      %dma_start3A_616 = tpu.memref_slice %arg11[%dma_start3A_614, %dma_start3A_615] : memref<10112x128xf32, #tpu.memory_space<vmem_shared>> -> memref<10112x128xf32, #tpu.memory_space<vmem_shared>>
      tpu.enqueue_indirect_dma source(%arg9 : memref<112x128xf32, #tpu.memory_space<vmem>>) target(%dma_start3A_616 : memref<10112x128xf32, #tpu.memory_space<vmem_shared>>) offsets(%dma_start3A_613 : memref<112xi32, #tpu.memory_space<vmem>>) semaphore(%arg16 : memref<!tpu.dma_semaphore, #tpu.memory_space<semaphore_mem>>) {add = true}
      %dma_wait3A_617 = arith.constant 19 : i32
      %dma_wait3A_618 = arith.constant 0 : i32
      %dma_wait3A_619 = tpu.memref_slice %arg7[%dma_wait3A_617, %dma_wait3A_618] : memref<24x112xi32, #tpu.memory_space<vmem>> -> memref<1x112xi32, #tpu.memory_space<vmem>>
      %dma_wait3A_620 = tpu.memref_squeeze %dma_wait3A_619 : memref<1x112xi32, #tpu.memory_space<vmem>> -> memref<112xi32, #tpu.memory_space<vmem>>
      %dma_wait3A_621 = arith.constant 0 : i32
      %dma_wait3A_622 = arith.constant 0 : i32
      %dma_wait3A_623 = tpu.memref_slice %arg11[%dma_wait3A_621, %dma_wait3A_622] : memref<10112x128xf32, #tpu.memory_space<vmem_shared>> -> memref<10112x128xf32, #tpu.memory_space<vmem_shared>>
      tpu.wait_indirect_dma semaphore(%arg16 : memref<!tpu.dma_semaphore, #tpu.memory_space<semaphore_mem>>) src(%arg9 : memref<112x128xf32, #tpu.memory_space<vmem>>) dst(%dma_wait3A_623 : memref<10112x128xf32, #tpu.memory_space<vmem_shared>>)
      %dma_start3A_624 = arith.constant 22 : i32
      %dma_start3A_625 = arith.constant 0 : i32
      %dma_start3A_626 = tpu.memref_slice %arg6[%dma_start3A_624, %dma_start3A_625] : memref<24x112xi32, #tpu.memory_space<vmem>> -> memref<1x112xi32, #tpu.memory_space<vmem>>
      %dma_start3A_627 = tpu.memref_squeeze %dma_start3A_626 : memref<1x112xi32, #tpu.memory_space<vmem>> -> memref<112xi32, #tpu.memory_space<vmem>>
      %dma_start3A_628 = arith.constant 0 : i32
      %dma_start3A_629 = arith.constant 0 : i32
      %dma_start3A_630 = tpu.memref_slice %arg2[%dma_start3A_628, %dma_start3A_629] : memref<10000x128xf32, #tpu.memory_space<hbm>> -> memref<10000x128xf32, #tpu.memory_space<hbm>>
      tpu.enqueue_indirect_dma source(%dma_start3A_630 : memref<10000x128xf32, #tpu.memory_space<hbm>>) target(%arg9 : memref<112x128xf32, #tpu.memory_space<vmem>>) offsets(%dma_start3A_627 : memref<112xi32, #tpu.memory_space<vmem>>) semaphore(%arg13 : memref<!tpu.dma_semaphore, #tpu.memory_space<semaphore_mem>>)
      %dma_wait3A_631 = arith.constant 20 : i32
      %dma_wait3A_632 = arith.constant 0 : i32
      %dma_wait3A_633 = tpu.memref_slice %arg6[%dma_wait3A_631, %dma_wait3A_632] : memref<24x112xi32, #tpu.memory_space<vmem>> -> memref<1x112xi32, #tpu.memory_space<vmem>>
      %dma_wait3A_634 = tpu.memref_squeeze %dma_wait3A_633 : memref<1x112xi32, #tpu.memory_space<vmem>> -> memref<112xi32, #tpu.memory_space<vmem>>
      %dma_wait3A_635 = arith.constant 0 : i32
      %dma_wait3A_636 = arith.constant 0 : i32
      %dma_wait3A_637 = tpu.memref_slice %arg2[%dma_wait3A_635, %dma_wait3A_636] : memref<10000x128xf32, #tpu.memory_space<hbm>> -> memref<10000x128xf32, #tpu.memory_space<hbm>>
      tpu.wait_indirect_dma semaphore(%arg14 : memref<!tpu.dma_semaphore, #tpu.memory_space<semaphore_mem>>) src(%dma_wait3A_637 : memref<10000x128xf32, #tpu.memory_space<hbm>>) dst(%arg10 : memref<112x128xf32, #tpu.memory_space<vmem>>)
      %dma_start3A_638 = arith.constant 20 : i32
      %dma_start3A_639 = arith.constant 0 : i32
      %dma_start3A_640 = tpu.memref_slice %arg7[%dma_start3A_638, %dma_start3A_639] : memref<24x112xi32, #tpu.memory_space<vmem>> -> memref<1x112xi32, #tpu.memory_space<vmem>>
      %dma_start3A_641 = tpu.memref_squeeze %dma_start3A_640 : memref<1x112xi32, #tpu.memory_space<vmem>> -> memref<112xi32, #tpu.memory_space<vmem>>
      %dma_start3A_642 = arith.constant 0 : i32
      %dma_start3A_643 = arith.constant 0 : i32
      %dma_start3A_644 = tpu.memref_slice %arg11[%dma_start3A_642, %dma_start3A_643] : memref<10112x128xf32, #tpu.memory_space<vmem_shared>> -> memref<10112x128xf32, #tpu.memory_space<vmem_shared>>
      tpu.enqueue_indirect_dma source(%arg10 : memref<112x128xf32, #tpu.memory_space<vmem>>) target(%dma_start3A_644 : memref<10112x128xf32, #tpu.memory_space<vmem_shared>>) offsets(%dma_start3A_641 : memref<112xi32, #tpu.memory_space<vmem>>) semaphore(%arg17 : memref<!tpu.dma_semaphore, #tpu.memory_space<semaphore_mem>>) {add = true}
      %dma_wait3A_645 = arith.constant 20 : i32
      %dma_wait3A_646 = arith.constant 0 : i32
      %dma_wait3A_647 = tpu.memref_slice %arg7[%dma_wait3A_645, %dma_wait3A_646] : memref<24x112xi32, #tpu.memory_space<vmem>> -> memref<1x112xi32, #tpu.memory_space<vmem>>
      %dma_wait3A_648 = tpu.memref_squeeze %dma_wait3A_647 : memref<1x112xi32, #tpu.memory_space<vmem>> -> memref<112xi32, #tpu.memory_space<vmem>>
      %dma_wait3A_649 = arith.constant 0 : i32
      %dma_wait3A_650 = arith.constant 0 : i32
      %dma_wait3A_651 = tpu.memref_slice %arg11[%dma_wait3A_649, %dma_wait3A_650] : memref<10112x128xf32, #tpu.memory_space<vmem_shared>> -> memref<10112x128xf32, #tpu.memory_space<vmem_shared>>
      tpu.wait_indirect_dma semaphore(%arg17 : memref<!tpu.dma_semaphore, #tpu.memory_space<semaphore_mem>>) src(%arg10 : memref<112x128xf32, #tpu.memory_space<vmem>>) dst(%dma_wait3A_651 : memref<10112x128xf32, #tpu.memory_space<vmem_shared>>)
      %dma_start3A_652 = arith.constant 23 : i32
      %dma_start3A_653 = arith.constant 0 : i32
      %dma_start3A_654 = tpu.memref_slice %arg6[%dma_start3A_652, %dma_start3A_653] : memref<24x112xi32, #tpu.memory_space<vmem>> -> memref<1x112xi32, #tpu.memory_space<vmem>>
      %dma_start3A_655 = tpu.memref_squeeze %dma_start3A_654 : memref<1x112xi32, #tpu.memory_space<vmem>> -> memref<112xi32, #tpu.memory_space<vmem>>
      %dma_start3A_656 = arith.constant 0 : i32
      %dma_start3A_657 = arith.constant 0 : i32
      %dma_start3A_658 = tpu.memref_slice %arg2[%dma_start3A_656, %dma_start3A_657] : memref<10000x128xf32, #tpu.memory_space<hbm>> -> memref<10000x128xf32, #tpu.memory_space<hbm>>
      tpu.enqueue_indirect_dma source(%dma_start3A_658 : memref<10000x128xf32, #tpu.memory_space<hbm>>) target(%arg10 : memref<112x128xf32, #tpu.memory_space<vmem>>) offsets(%dma_start3A_655 : memref<112xi32, #tpu.memory_space<vmem>>) semaphore(%arg14 : memref<!tpu.dma_semaphore, #tpu.memory_space<semaphore_mem>>)
      %dma_wait3A_659 = arith.constant 21 : i32
      %dma_wait3A_660 = arith.constant 0 : i32
      %dma_wait3A_661 = tpu.memref_slice %arg6[%dma_wait3A_659, %dma_wait3A_660] : memref<24x112xi32, #tpu.memory_space<vmem>> -> memref<1x112xi32, #tpu.memory_space<vmem>>
      %dma_wait3A_662 = tpu.memref_squeeze %dma_wait3A_661 : memref<1x112xi32, #tpu.memory_space<vmem>> -> memref<112xi32, #tpu.memory_space<vmem>>
      %dma_wait3A_663 = arith.constant 0 : i32
      %dma_wait3A_664 = arith.constant 0 : i32
      %dma_wait3A_665 = tpu.memref_slice %arg2[%dma_wait3A_663, %dma_wait3A_664] : memref<10000x128xf32, #tpu.memory_space<hbm>> -> memref<10000x128xf32, #tpu.memory_space<hbm>>
      tpu.wait_indirect_dma semaphore(%arg12 : memref<!tpu.dma_semaphore, #tpu.memory_space<semaphore_mem>>) src(%dma_wait3A_665 : memref<10000x128xf32, #tpu.memory_space<hbm>>) dst(%arg8 : memref<112x128xf32, #tpu.memory_space<vmem>>)
      %dma_start3A_666 = arith.constant 21 : i32
      %dma_start3A_667 = arith.constant 0 : i32
      %dma_start3A_668 = tpu.memref_slice %arg7[%dma_start3A_666, %dma_start3A_667] : memref<24x112xi32, #tpu.memory_space<vmem>> -> memref<1x112xi32, #tpu.memory_space<vmem>>
      %dma_start3A_669 = tpu.memref_squeeze %dma_start3A_668 : memref<1x112xi32, #tpu.memory_space<vmem>> -> memref<112xi32, #tpu.memory_space<vmem>>
      %dma_start3A_670 = arith.constant 0 : i32
      %dma_start3A_671 = arith.constant 0 : i32
      %dma_start3A_672 = tpu.memref_slice %arg11[%dma_start3A_670, %dma_start3A_671] : memref<10112x128xf32, #tpu.memory_space<vmem_shared>> -> memref<10112x128xf32, #tpu.memory_space<vmem_shared>>
      tpu.enqueue_indirect_dma source(%arg8 : memref<112x128xf32, #tpu.memory_space<vmem>>) target(%dma_start3A_672 : memref<10112x128xf32, #tpu.memory_space<vmem_shared>>) offsets(%dma_start3A_669 : memref<112xi32, #tpu.memory_space<vmem>>) semaphore(%arg15 : memref<!tpu.dma_semaphore, #tpu.memory_space<semaphore_mem>>) {add = true}
      %dma_wait3A_673 = arith.constant 22 : i32
      %dma_wait3A_674 = arith.constant 0 : i32
      %dma_wait3A_675 = tpu.memref_slice %arg6[%dma_wait3A_673, %dma_wait3A_674] : memref<24x112xi32, #tpu.memory_space<vmem>> -> memref<1x112xi32, #tpu.memory_space<vmem>>
      %dma_wait3A_676 = tpu.memref_squeeze %dma_wait3A_675 : memref<1x112xi32, #tpu.memory_space<vmem>> -> memref<112xi32, #tpu.memory_space<vmem>>
      %dma_wait3A_677 = arith.constant 0 : i32
      %dma_wait3A_678 = arith.constant 0 : i32
      %dma_wait3A_679 = tpu.memref_slice %arg2[%dma_wait3A_677, %dma_wait3A_678] : memref<10000x128xf32, #tpu.memory_space<hbm>> -> memref<10000x128xf32, #tpu.memory_space<hbm>>
      tpu.wait_indirect_dma semaphore(%arg13 : memref<!tpu.dma_semaphore, #tpu.memory_space<semaphore_mem>>) src(%dma_wait3A_679 : memref<10000x128xf32, #tpu.memory_space<hbm>>) dst(%arg9 : memref<112x128xf32, #tpu.memory_space<vmem>>)
      %dma_start3A_680 = arith.constant 22 : i32
      %dma_start3A_681 = arith.constant 0 : i32
      %dma_start3A_682 = tpu.memref_slice %arg7[%dma_start3A_680, %dma_start3A_681] : memref<24x112xi32, #tpu.memory_space<vmem>> -> memref<1x112xi32, #tpu.memory_space<vmem>>
      %dma_start3A_683 = tpu.memref_squeeze %dma_start3A_682 : memref<1x112xi32, #tpu.memory_space<vmem>> -> memref<112xi32, #tpu.memory_space<vmem>>
      %dma_start3A_684 = arith.constant 0 : i32
      %dma_start3A_685 = arith.constant 0 : i32
      %dma_start3A_686 = tpu.memref_slice %arg11[%dma_start3A_684, %dma_start3A_685] : memref<10112x128xf32, #tpu.memory_space<vmem_shared>> -> memref<10112x128xf32, #tpu.memory_space<vmem_shared>>
      tpu.enqueue_indirect_dma source(%arg9 : memref<112x128xf32, #tpu.memory_space<vmem>>) target(%dma_start3A_686 : memref<10112x128xf32, #tpu.memory_space<vmem_shared>>) offsets(%dma_start3A_683 : memref<112xi32, #tpu.memory_space<vmem>>) semaphore(%arg16 : memref<!tpu.dma_semaphore, #tpu.memory_space<semaphore_mem>>) {add = true}
      %dma_wait3A_687 = arith.constant 23 : i32
      %dma_wait3A_688 = arith.constant 0 : i32
      %dma_wait3A_689 = tpu.memref_slice %arg6[%dma_wait3A_687, %dma_wait3A_688] : memref<24x112xi32, #tpu.memory_space<vmem>> -> memref<1x112xi32, #tpu.memory_space<vmem>>
      %dma_wait3A_690 = tpu.memref_squeeze %dma_wait3A_689 : memref<1x112xi32, #tpu.memory_space<vmem>> -> memref<112xi32, #tpu.memory_space<vmem>>
      %dma_wait3A_691 = arith.constant 0 : i32
      %dma_wait3A_692 = arith.constant 0 : i32
      %dma_wait3A_693 = tpu.memref_slice %arg2[%dma_wait3A_691, %dma_wait3A_692] : memref<10000x128xf32, #tpu.memory_space<hbm>> -> memref<10000x128xf32, #tpu.memory_space<hbm>>
      tpu.wait_indirect_dma semaphore(%arg14 : memref<!tpu.dma_semaphore, #tpu.memory_space<semaphore_mem>>) src(%dma_wait3A_693 : memref<10000x128xf32, #tpu.memory_space<hbm>>) dst(%arg10 : memref<112x128xf32, #tpu.memory_space<vmem>>)
      %dma_start3A_694 = arith.constant 23 : i32
      %dma_start3A_695 = arith.constant 0 : i32
      %dma_start3A_696 = tpu.memref_slice %arg7[%dma_start3A_694, %dma_start3A_695] : memref<24x112xi32, #tpu.memory_space<vmem>> -> memref<1x112xi32, #tpu.memory_space<vmem>>
      %dma_start3A_697 = tpu.memref_squeeze %dma_start3A_696 : memref<1x112xi32, #tpu.memory_space<vmem>> -> memref<112xi32, #tpu.memory_space<vmem>>
      %dma_start3A_698 = arith.constant 0 : i32
      %dma_start3A_699 = arith.constant 0 : i32
      %dma_start3A_700 = tpu.memref_slice %arg11[%dma_start3A_698, %dma_start3A_699] : memref<10112x128xf32, #tpu.memory_space<vmem_shared>> -> memref<10112x128xf32, #tpu.memory_space<vmem_shared>>
      tpu.enqueue_indirect_dma source(%arg10 : memref<112x128xf32, #tpu.memory_space<vmem>>) target(%dma_start3A_700 : memref<10112x128xf32, #tpu.memory_space<vmem_shared>>) offsets(%dma_start3A_697 : memref<112xi32, #tpu.memory_space<vmem>>) semaphore(%arg17 : memref<!tpu.dma_semaphore, #tpu.memory_space<semaphore_mem>>) {add = true}
      %dma_wait3A_701 = arith.constant 21 : i32
      %dma_wait3A_702 = arith.constant 0 : i32
      %dma_wait3A_703 = tpu.memref_slice %arg7[%dma_wait3A_701, %dma_wait3A_702] : memref<24x112xi32, #tpu.memory_space<vmem>> -> memref<1x112xi32, #tpu.memory_space<vmem>>
      %dma_wait3A_704 = tpu.memref_squeeze %dma_wait3A_703 : memref<1x112xi32, #tpu.memory_space<vmem>> -> memref<112xi32, #tpu.memory_space<vmem>>
      %dma_wait3A_705 = arith.constant 0 : i32
      %dma_wait3A_706 = arith.constant 0 : i32
      %dma_wait3A_707 = tpu.memref_slice %arg11[%dma_wait3A_705, %dma_wait3A_706] : memref<10112x128xf32, #tpu.memory_space<vmem_shared>> -> memref<10112x128xf32, #tpu.memory_space<vmem_shared>>
      tpu.wait_indirect_dma semaphore(%arg15 : memref<!tpu.dma_semaphore, #tpu.memory_space<semaphore_mem>>) src(%arg8 : memref<112x128xf32, #tpu.memory_space<vmem>>) dst(%dma_wait3A_707 : memref<10112x128xf32, #tpu.memory_space<vmem_shared>>)
      %dma_wait3A_708 = arith.constant 22 : i32
      %dma_wait3A_709 = arith.constant 0 : i32
      %dma_wait3A_710 = tpu.memref_slice %arg7[%dma_wait3A_708, %dma_wait3A_709] : memref<24x112xi32, #tpu.memory_space<vmem>> -> memref<1x112xi32, #tpu.memory_space<vmem>>
      %dma_wait3A_711 = tpu.memref_squeeze %dma_wait3A_710 : memref<1x112xi32, #tpu.memory_space<vmem>> -> memref<112xi32, #tpu.memory_space<vmem>>
      %dma_wait3A_712 = arith.constant 0 : i32
      %dma_wait3A_713 = arith.constant 0 : i32
      %dma_wait3A_714 = tpu.memref_slice %arg11[%dma_wait3A_712, %dma_wait3A_713] : memref<10112x128xf32, #tpu.memory_space<vmem_shared>> -> memref<10112x128xf32, #tpu.memory_space<vmem_shared>>
      tpu.wait_indirect_dma semaphore(%arg16 : memref<!tpu.dma_semaphore, #tpu.memory_space<semaphore_mem>>) src(%arg9 : memref<112x128xf32, #tpu.memory_space<vmem>>) dst(%dma_wait3A_714 : memref<10112x128xf32, #tpu.memory_space<vmem_shared>>)
      %dma_wait3A_715 = arith.constant 23 : i32
      %dma_wait3A_716 = arith.constant 0 : i32
      %dma_wait3A_717 = tpu.memref_slice %arg7[%dma_wait3A_715, %dma_wait3A_716] : memref<24x112xi32, #tpu.memory_space<vmem>> -> memref<1x112xi32, #tpu.memory_space<vmem>>
      %dma_wait3A_718 = tpu.memref_squeeze %dma_wait3A_717 : memref<1x112xi32, #tpu.memory_space<vmem>> -> memref<112xi32, #tpu.memory_space<vmem>>
      %dma_wait3A_719 = arith.constant 0 : i32
      %dma_wait3A_720 = arith.constant 0 : i32
      %dma_wait3A_721 = tpu.memref_slice %arg11[%dma_wait3A_719, %dma_wait3A_720] : memref<10112x128xf32, #tpu.memory_space<vmem_shared>> -> memref<10112x128xf32, #tpu.memory_space<vmem_shared>>
      tpu.wait_indirect_dma semaphore(%arg17 : memref<!tpu.dma_semaphore, #tpu.memory_space<semaphore_mem>>) src(%arg10 : memref<112x128xf32, #tpu.memory_space<vmem>>) dst(%dma_wait3A_721 : memref<10112x128xf32, #tpu.memory_space<vmem_shared>>)
    }
    %scan3A_36 = arith.constant 4 : i32
    %barrier3A_37 = arith.constant 0 : index
    tpu.barrier barrier_id(%barrier3A_37)
    %mul3A_38 = arith.constant 624 : i32
    %mul3A_39 = arith.muli %arg1, %mul3A_38 : i32
    %mul3A_40 = arith.constant 624 : i32
    %mul3A_41 = arith.muli %arg1, %mul3A_40 : i32
    "tpu.region"() ({
      %run_scoped3A = tpu.sem_alloc : memref<!tpu.dma_semaphore, #tpu.memory_space<semaphore_mem>>
      %dma_start3A = arith.constant 0 : i32
      %dma_start3A_44 = tpu.memref_slice %arg5[%arg0, %mul3A_41, %dma_start3A] : memref<2x10000x128xf32, #tpu.memory_space<hbm>> -> memref<1x624x128xf32, #tpu.memory_space<hbm>>
      %dma_start3A_45 = tpu.memref_squeeze %dma_start3A_44 : memref<1x624x128xf32, #tpu.memory_space<hbm>> -> memref<624x128xf32, #tpu.memory_space<hbm>>
      %dma_start3A_46 = arith.constant 0 : i32
      %dma_start3A_47 = tpu.memref_slice %arg11[%mul3A_39, %dma_start3A_46] : memref<10112x128xf32, #tpu.memory_space<vmem_shared>> -> memref<624x128xf32, #tpu.memory_space<vmem_shared>>
      tpu.enqueue_dma source(%dma_start3A_47 : memref<624x128xf32, #tpu.memory_space<vmem_shared>>) target(%dma_start3A_45 : memref<624x128xf32, #tpu.memory_space<hbm>>) target_semaphore(%run_scoped3A : memref<!tpu.dma_semaphore, #tpu.memory_space<semaphore_mem>>)
      %dma_wait3A = arith.constant 0 : i32
      %dma_wait3A_48 = tpu.memref_slice %arg5[%arg0, %mul3A_41, %dma_wait3A] : memref<2x10000x128xf32, #tpu.memory_space<hbm>> -> memref<1x624x128xf32, #tpu.memory_space<hbm>>
      %dma_wait3A_49 = tpu.memref_squeeze %dma_wait3A_48 : memref<1x624x128xf32, #tpu.memory_space<hbm>> -> memref<624x128xf32, #tpu.memory_space<hbm>>
      %dma_wait3A_50 = arith.constant 0 : i32
      %dma_wait3A_51 = tpu.memref_slice %arg11[%mul3A_39, %dma_wait3A_50] : memref<10112x128xf32, #tpu.memory_space<vmem_shared>> -> memref<624x128xf32, #tpu.memory_space<vmem_shared>>
      tpu.wait_dma2 semaphore(%run_scoped3A : memref<!tpu.dma_semaphore, #tpu.memory_space<semaphore_mem>>) src(%dma_wait3A_51 : memref<624x128xf32, #tpu.memory_space<vmem_shared>>) dst(%dma_wait3A_49 : memref<624x128xf32, #tpu.memory_space<hbm>>)
      tpu.yield
    }) : () -> ()
    %eq3A = arith.constant 0 : i32
    %eq3A_42 = arith.cmpi eq, %arg1, %eq3A : i32
    %convert_element_type3A = arith.extui %eq3A_42 : i1 to i32
    %cond3A = arith.constant 0 : i32
    %cond3A_43 = arith.cmpi ne, %convert_element_type3A, %cond3A : i32
    scf.if %cond3A_43 {
      "tpu.region"() ({
        %run_scoped3A = tpu.sem_alloc : memref<!tpu.dma_semaphore, #tpu.memory_space<semaphore_mem>>
        %dma_start3A = arith.constant 9984 : i32
        %dma_start3A_44 = arith.constant 0 : i32
        %dma_start3A_45 = tpu.memref_slice %arg5[%arg0, %dma_start3A, %dma_start3A_44] : memref<2x10000x128xf32, #tpu.memory_space<hbm>> -> memref<1x16x128xf32, #tpu.memory_space<hbm>>
        %dma_start3A_46 = tpu.memref_squeeze %dma_start3A_45 : memref<1x16x128xf32, #tpu.memory_space<hbm>> -> memref<16x128xf32, #tpu.memory_space<hbm>>
        %dma_start3A_47 = arith.constant 9984 : i32
        %dma_start3A_48 = arith.constant 0 : i32
        %dma_start3A_49 = tpu.memref_slice %arg11[%dma_start3A_47, %dma_start3A_48] : memref<10112x128xf32, #tpu.memory_space<vmem_shared>> -> memref<16x128xf32, #tpu.memory_space<vmem_shared>>
        tpu.enqueue_dma source(%dma_start3A_49 : memref<16x128xf32, #tpu.memory_space<vmem_shared>>) target(%dma_start3A_46 : memref<16x128xf32, #tpu.memory_space<hbm>>) target_semaphore(%run_scoped3A : memref<!tpu.dma_semaphore, #tpu.memory_space<semaphore_mem>>)
        %dma_wait3A = arith.constant 9984 : i32
        %dma_wait3A_50 = arith.constant 0 : i32
        %dma_wait3A_51 = tpu.memref_slice %arg5[%arg0, %dma_wait3A, %dma_wait3A_50] : memref<2x10000x128xf32, #tpu.memory_space<hbm>> -> memref<1x16x128xf32, #tpu.memory_space<hbm>>
        %dma_wait3A_52 = tpu.memref_squeeze %dma_wait3A_51 : memref<1x16x128xf32, #tpu.memory_space<hbm>> -> memref<16x128xf32, #tpu.memory_space<hbm>>
        %dma_wait3A_53 = arith.constant 9984 : i32
        %dma_wait3A_54 = arith.constant 0 : i32
        %dma_wait3A_55 = tpu.memref_slice %arg11[%dma_wait3A_53, %dma_wait3A_54] : memref<10112x128xf32, #tpu.memory_space<vmem_shared>> -> memref<16x128xf32, #tpu.memory_space<vmem_shared>>
        tpu.wait_dma2 semaphore(%run_scoped3A : memref<!tpu.dma_semaphore, #tpu.memory_space<semaphore_mem>>) src(%dma_wait3A_55 : memref<16x128xf32, #tpu.memory_space<vmem_shared>>) dst(%dma_wait3A_52 : memref<16x128xf32, #tpu.memory_space<hbm>>)
        tpu.yield
      }) : () -> ()
    } else {
    }
    return
  }
}

#map = affine_map<(d0, d1) -> (0, 0, 0)>
#map1 = affine_map<(d0, d1) -> (0)>
module attributes {stable_mosaic.version = 14 : i64} {
  func.func @_deg_kernel(%arg0: i32, %arg1: i32, %arg2: memref<32x84x128xi32, #tpu.memory_space<hbm>>, %arg3: memref<10112xf32, #tpu.memory_space<hbm>>, %arg4: memref<10112xf32, #tpu.memory_space<hbm>>, %arg5: memref<84x128xi32, #tpu.memory_space<vmem>>, %arg6: memref<128xf32, #tpu.memory_space<vmem>>, %arg7: memref<640xf32, #tpu.memory_space<vmem>>, %arg8: memref<10112xf32, #tpu.memory_space<vmem_shared>>, %arg9: memref<!tpu.dma_semaphore, #tpu.memory_space<semaphore_mem>>) attributes {dimension_semantics = [#tpu.dimension_semantics<core_parallel>, #tpu.dimension_semantics<subcore_parallel>], iteration_bounds = array<i64: 2, 16>, scalar_prefetch = 0 : i64, scratch_operands = 5 : i64, tpu.core_type = #tpu.core_type<sc_vector_subcore>, window_params = [{transform_indices = #map}, {transform_indices = #map1}, {transform_indices = #map1}]} {
    %mul3A = arith.constant 16 : i32
    %mul3A_0 = arith.muli %arg0, %mul3A : i32
    %add3A = arith.addi %mul3A_0, %arg1 : i32
    %broadcast_in_dim3A = arith.constant 0.000000e+00 : f32
    %broadcast_in_dim3A_1 = vector.broadcast %broadcast_in_dim3A : f32 to vector<16xf32>
    %swap3A = arith.constant 0 : index
    %swap3A_2 = tpu.vector_load %arg7[%swap3A] {strides = array<i32>} : memref<640xf32, #tpu.memory_space<vmem>>, vector<16xf32>,
    %swap3A_3 = vector.shape_cast %swap3A_2 : vector<16xf32> to vector<16xf32>
    %swap3A_4 = vector.shape_cast %broadcast_in_dim3A_1 : vector<16xf32> to vector<16xf32>
    tpu.vector_store %arg7[%swap3A], %swap3A_4 {strides = array<i32>} : memref<640xf32, #tpu.memory_space<vmem>>, vector<16xf32>,
    %broadcast_in_dim3A_5 = arith.constant 0.000000e+00 : f32
    %broadcast_in_dim3A_6 = vector.broadcast %broadcast_in_dim3A_5 : f32 to vector<16xf32>
    %swap3A_7 = arith.constant 16 : index
    %swap3A_8 = tpu.vector_load %arg7[%swap3A_7] {strides = array<i32>} : memref<640xf32, #tpu.memory_space<vmem>>, vector<16xf32>,
    %swap3A_9 = vector.shape_cast %swap3A_8 : vector<16xf32> to vector<16xf32>
    %swap3A_10 = vector.shape_cast %broadcast_in_dim3A_6 : vector<16xf32> to vector<16xf32>
    tpu.vector_store %arg7[%swap3A_7], %swap3A_10 {strides = array<i32>} : memref<640xf32, #tpu.memory_space<vmem>>, vector<16xf32>,
    %broadcast_in_dim3A_11 = arith.constant 0.000000e+00 : f32
    %broadcast_in_dim3A_12 = vector.broadcast %broadcast_in_dim3A_11 : f32 to vector<16xf32>
    %swap3A_13 = arith.constant 32 : index
    %swap3A_14 = tpu.vector_load %arg7[%swap3A_13] {strides = array<i32>} : memref<640xf32, #tpu.memory_space<vmem>>, vector<16xf32>,
    %swap3A_15 = vector.shape_cast %swap3A_14 : vector<16xf32> to vector<16xf32>
    %swap3A_16 = vector.shape_cast %broadcast_in_dim3A_12 : vector<16xf32> to vector<16xf32>
    tpu.vector_store %arg7[%swap3A_13], %swap3A_16 {strides = array<i32>} : memref<640xf32, #tpu.memory_space<vmem>>, vector<16xf32>,
    %broadcast_in_dim3A_17 = arith.constant 0.000000e+00 : f32
    %broadcast_in_dim3A_18 = vector.broadcast %broadcast_in_dim3A_17 : f32 to vector<16xf32>
    %swap3A_19 = arith.constant 48 : index
    %swap3A_20 = tpu.vector_load %arg7[%swap3A_19] {strides = array<i32>} : memref<640xf32, #tpu.memory_space<vmem>>, vector<16xf32>,
    %swap3A_21 = vector.shape_cast %swap3A_20 : vector<16xf32> to vector<16xf32>
    %swap3A_22 = vector.shape_cast %broadcast_in_dim3A_18 : vector<16xf32> to vector<16xf32>
    tpu.vector_store %arg7[%swap3A_19], %swap3A_22 {strides = array<i32>} : memref<640xf32, #tpu.memory_space<vmem>>, vector<16xf32>,
    %broadcast_in_dim3A_23 = arith.constant 0.000000e+00 : f32
    %broadcast_in_dim3A_24 = vector.broadcast %broadcast_in_dim3A_23 : f32 to vector<16xf32>
    %swap3A_25 = arith.constant 64 : index
    %swap3A_26 = tpu.vector_load %arg7[%swap3A_25] {strides = array<i32>} : memref<640xf32, #tpu.memory_space<vmem>>, vector<16xf32>,
    %swap3A_27 = vector.shape_cast %swap3A_26 : vector<16xf32> to vector<16xf32>
    %swap3A_28 = vector.shape_cast %broadcast_in_dim3A_24 : vector<16xf32> to vector<16xf32>
    tpu.vector_store %arg7[%swap3A_25], %swap3A_28 {strides = array<i32>} : memref<640xf32, #tpu.memory_space<vmem>>, vector<16xf32>,
    %broadcast_in_dim3A_29 = arith.constant 0.000000e+00 : f32
    %broadcast_in_dim3A_30 = vector.broadcast %broadcast_in_dim3A_29 : f32 to vector<16xf32>
    %swap3A_31 = arith.constant 80 : index
    %swap3A_32 = tpu.vector_load %arg7[%swap3A_31] {strides = array<i32>} : memref<640xf32, #tpu.memory_space<vmem>>, vector<16xf32>,
    %swap3A_33 = vector.shape_cast %swap3A_32 : vector<16xf32> to vector<16xf32>
    %swap3A_34 = vector.shape_cast %broadcast_in_dim3A_30 : vector<16xf32> to vector<16xf32>
    tpu.vector_store %arg7[%swap3A_31], %swap3A_34 {strides = array<i32>} : memref<640xf32, #tpu.memory_space<vmem>>, vector<16xf32>,
    %broadcast_in_dim3A_35 = arith.constant 0.000000e+00 : f32
    %broadcast_in_dim3A_36 = vector.broadcast %broadcast_in_dim3A_35 : f32 to vector<16xf32>
    %swap3A_37 = arith.constant 96 : index
    %swap3A_38 = tpu.vector_load %arg7[%swap3A_37] {strides = array<i32>} : memref<640xf32, #tpu.memory_space<vmem>>, vector<16xf32>,
    %swap3A_39 = vector.shape_cast %swap3A_38 : vector<16xf32> to vector<16xf32>
    %swap3A_40 = vector.shape_cast %broadcast_in_dim3A_36 : vector<16xf32> to vector<16xf32>
    tpu.vector_store %arg7[%swap3A_37], %swap3A_40 {strides = array<i32>} : memref<640xf32, #tpu.memory_space<vmem>>, vector<16xf32>,
    %broadcast_in_dim3A_41 = arith.constant 0.000000e+00 : f32
    %broadcast_in_dim3A_42 = vector.broadcast %broadcast_in_dim3A_41 : f32 to vector<16xf32>
    %swap3A_43 = arith.constant 112 : index
    %swap3A_44 = tpu.vector_load %arg7[%swap3A_43] {strides = array<i32>} : memref<640xf32, #tpu.memory_space<vmem>>, vector<16xf32>,
    %swap3A_45 = vector.shape_cast %swap3A_44 : vector<16xf32> to vector<16xf32>
    %swap3A_46 = vector.shape_cast %broadcast_in_dim3A_42 : vector<16xf32> to vector<16xf32>
    tpu.vector_store %arg7[%swap3A_43], %swap3A_46 {strides = array<i32>} : memref<640xf32, #tpu.memory_space<vmem>>, vector<16xf32>,
    %broadcast_in_dim3A_47 = arith.constant 0.000000e+00 : f32
    %broadcast_in_dim3A_48 = vector.broadcast %broadcast_in_dim3A_47 : f32 to vector<16xf32>
    %swap3A_49 = arith.constant 128 : index
    %swap3A_50 = tpu.vector_load %arg7[%swap3A_49] {strides = array<i32>} : memref<640xf32, #tpu.memory_space<vmem>>, vector<16xf32>,
    %swap3A_51 = vector.shape_cast %swap3A_50 : vector<16xf32> to vector<16xf32>
    %swap3A_52 = vector.shape_cast %broadcast_in_dim3A_48 : vector<16xf32> to vector<16xf32>
    tpu.vector_store %arg7[%swap3A_49], %swap3A_52 {strides = array<i32>} : memref<640xf32, #tpu.memory_space<vmem>>, vector<16xf32>,
    %broadcast_in_dim3A_53 = arith.constant 0.000000e+00 : f32
    %broadcast_in_dim3A_54 = vector.broadcast %broadcast_in_dim3A_53 : f32 to vector<16xf32>
    %swap3A_55 = arith.constant 144 : index
    %swap3A_56 = tpu.vector_load %arg7[%swap3A_55] {strides = array<i32>} : memref<640xf32, #tpu.memory_space<vmem>>, vector<16xf32>,
    %swap3A_57 = vector.shape_cast %swap3A_56 : vector<16xf32> to vector<16xf32>
    %swap3A_58 = vector.shape_cast %broadcast_in_dim3A_54 : vector<16xf32> to vector<16xf32>
    tpu.vector_store %arg7[%swap3A_55], %swap3A_58 {strides = array<i32>} : memref<640xf32, #tpu.memory_space<vmem>>, vector<16xf32>,
    %broadcast_in_dim3A_59 = arith.constant 0.000000e+00 : f32
    %broadcast_in_dim3A_60 = vector.broadcast %broadcast_in_dim3A_59 : f32 to vector<16xf32>
    %swap3A_61 = arith.constant 160 : index
    %swap3A_62 = tpu.vector_load %arg7[%swap3A_61] {strides = array<i32>} : memref<640xf32, #tpu.memory_space<vmem>>, vector<16xf32>,
    %swap3A_63 = vector.shape_cast %swap3A_62 : vector<16xf32> to vector<16xf32>
    %swap3A_64 = vector.shape_cast %broadcast_in_dim3A_60 : vector<16xf32> to vector<16xf32>
    tpu.vector_store %arg7[%swap3A_61], %swap3A_64 {strides = array<i32>} : memref<640xf32, #tpu.memory_space<vmem>>, vector<16xf32>,
    %broadcast_in_dim3A_65 = arith.constant 0.000000e+00 : f32
    %broadcast_in_dim3A_66 = vector.broadcast %broadcast_in_dim3A_65 : f32 to vector<16xf32>
    %swap3A_67 = arith.constant 176 : index
    %swap3A_68 = tpu.vector_load %arg7[%swap3A_67] {strides = array<i32>} : memref<640xf32, #tpu.memory_space<vmem>>, vector<16xf32>,
    %swap3A_69 = vector.shape_cast %swap3A_68 : vector<16xf32> to vector<16xf32>
    %swap3A_70 = vector.shape_cast %broadcast_in_dim3A_66 : vector<16xf32> to vector<16xf32>
    tpu.vector_store %arg7[%swap3A_67], %swap3A_70 {strides = array<i32>} : memref<640xf32, #tpu.memory_space<vmem>>, vector<16xf32>,
    %broadcast_in_dim3A_71 = arith.constant 0.000000e+00 : f32
    %broadcast_in_dim3A_72 = vector.broadcast %broadcast_in_dim3A_71 : f32 to vector<16xf32>
    %swap3A_73 = arith.constant 192 : index
    %swap3A_74 = tpu.vector_load %arg7[%swap3A_73] {strides = array<i32>} : memref<640xf32, #tpu.memory_space<vmem>>, vector<16xf32>,
    %swap3A_75 = vector.shape_cast %swap3A_74 : vector<16xf32> to vector<16xf32>
    %swap3A_76 = vector.shape_cast %broadcast_in_dim3A_72 : vector<16xf32> to vector<16xf32>
    tpu.vector_store %arg7[%swap3A_73], %swap3A_76 {strides = array<i32>} : memref<640xf32, #tpu.memory_space<vmem>>, vector<16xf32>,
    %broadcast_in_dim3A_77 = arith.constant 0.000000e+00 : f32
    %broadcast_in_dim3A_78 = vector.broadcast %broadcast_in_dim3A_77 : f32 to vector<16xf32>
    %swap3A_79 = arith.constant 208 : index
    %swap3A_80 = tpu.vector_load %arg7[%swap3A_79] {strides = array<i32>} : memref<640xf32, #tpu.memory_space<vmem>>, vector<16xf32>,
    %swap3A_81 = vector.shape_cast %swap3A_80 : vector<16xf32> to vector<16xf32>
    %swap3A_82 = vector.shape_cast %broadcast_in_dim3A_78 : vector<16xf32> to vector<16xf32>
    tpu.vector_store %arg7[%swap3A_79], %swap3A_82 {strides = array<i32>} : memref<640xf32, #tpu.memory_space<vmem>>, vector<16xf32>,
    %broadcast_in_dim3A_83 = arith.constant 0.000000e+00 : f32
    %broadcast_in_dim3A_84 = vector.broadcast %broadcast_in_dim3A_83 : f32 to vector<16xf32>
    %swap3A_85 = arith.constant 224 : index
    %swap3A_86 = tpu.vector_load %arg7[%swap3A_85] {strides = array<i32>} : memref<640xf32, #tpu.memory_space<vmem>>, vector<16xf32>,
    %swap3A_87 = vector.shape_cast %swap3A_86 : vector<16xf32> to vector<16xf32>
    %swap3A_88 = vector.shape_cast %broadcast_in_dim3A_84 : vector<16xf32> to vector<16xf32>
    tpu.vector_store %arg7[%swap3A_85], %swap3A_88 {strides = array<i32>} : memref<640xf32, #tpu.memory_space<vmem>>, vector<16xf32>,
    %broadcast_in_dim3A_89 = arith.constant 0.000000e+00 : f32
    %broadcast_in_dim3A_90 = vector.broadcast %broadcast_in_dim3A_89 : f32 to vector<16xf32>
    %swap3A_91 = arith.constant 240 : index
    %swap3A_92 = tpu.vector_load %arg7[%swap3A_91] {strides = array<i32>} : memref<640xf32, #tpu.memory_space<vmem>>, vector<16xf32>,
    %swap3A_93 = vector.shape_cast %swap3A_92 : vector<16xf32> to vector<16xf32>
    %swap3A_94 = vector.shape_cast %broadcast_in_dim3A_90 : vector<16xf32> to vector<16xf32>
    tpu.vector_store %arg7[%swap3A_91], %swap3A_94 {strides = array<i32>} : memref<640xf32, #tpu.memory_space<vmem>>, vector<16xf32>,
    %broadcast_in_dim3A_95 = arith.constant 0.000000e+00 : f32
    %broadcast_in_dim3A_96 = vector.broadcast %broadcast_in_dim3A_95 : f32 to vector<16xf32>
    %swap3A_97 = arith.constant 256 : index
    %swap3A_98 = tpu.vector_load %arg7[%swap3A_97] {strides = array<i32>} : memref<640xf32, #tpu.memory_space<vmem>>, vector<16xf32>,
    %swap3A_99 = vector.shape_cast %swap3A_98 : vector<16xf32> to vector<16xf32>
    %swap3A_100 = vector.shape_cast %broadcast_in_dim3A_96 : vector<16xf32> to vector<16xf32>
    tpu.vector_store %arg7[%swap3A_97], %swap3A_100 {strides = array<i32>} : memref<640xf32, #tpu.memory_space<vmem>>, vector<16xf32>,
    %broadcast_in_dim3A_101 = arith.constant 0.000000e+00 : f32
    %broadcast_in_dim3A_102 = vector.broadcast %broadcast_in_dim3A_101 : f32 to vector<16xf32>
    %swap3A_103 = arith.constant 272 : index
    %swap3A_104 = tpu.vector_load %arg7[%swap3A_103] {strides = array<i32>} : memref<640xf32, #tpu.memory_space<vmem>>, vector<16xf32>,
    %swap3A_105 = vector.shape_cast %swap3A_104 : vector<16xf32> to vector<16xf32>
    %swap3A_106 = vector.shape_cast %broadcast_in_dim3A_102 : vector<16xf32> to vector<16xf32>
    tpu.vector_store %arg7[%swap3A_103], %swap3A_106 {strides = array<i32>} : memref<640xf32, #tpu.memory_space<vmem>>, vector<16xf32>,
    %broadcast_in_dim3A_107 = arith.constant 0.000000e+00 : f32
    %broadcast_in_dim3A_108 = vector.broadcast %broadcast_in_dim3A_107 : f32 to vector<16xf32>
    %swap3A_109 = arith.constant 288 : index
    %swap3A_110 = tpu.vector_load %arg7[%swap3A_109] {strides = array<i32>} : memref<640xf32, #tpu.memory_space<vmem>>, vector<16xf32>,
    %swap3A_111 = vector.shape_cast %swap3A_110 : vector<16xf32> to vector<16xf32>
    %swap3A_112 = vector.shape_cast %broadcast_in_dim3A_108 : vector<16xf32> to vector<16xf32>
    tpu.vector_store %arg7[%swap3A_109], %swap3A_112 {strides = array<i32>} : memref<640xf32, #tpu.memory_space<vmem>>, vector<16xf32>,
    %broadcast_in_dim3A_113 = arith.constant 0.000000e+00 : f32
    %broadcast_in_dim3A_114 = vector.broadcast %broadcast_in_dim3A_113 : f32 to vector<16xf32>
    %swap3A_115 = arith.constant 304 : index
    %swap3A_116 = tpu.vector_load %arg7[%swap3A_115] {strides = array<i32>} : memref<640xf32, #tpu.memory_space<vmem>>, vector<16xf32>,
    %swap3A_117 = vector.shape_cast %swap3A_116 : vector<16xf32> to vector<16xf32>
    %swap3A_118 = vector.shape_cast %broadcast_in_dim3A_114 : vector<16xf32> to vector<16xf32>
    tpu.vector_store %arg7[%swap3A_115], %swap3A_118 {strides = array<i32>} : memref<640xf32, #tpu.memory_space<vmem>>, vector<16xf32>,
    %broadcast_in_dim3A_119 = arith.constant 0.000000e+00 : f32
    %broadcast_in_dim3A_120 = vector.broadcast %broadcast_in_dim3A_119 : f32 to vector<16xf32>
    %swap3A_121 = arith.constant 320 : index
    %swap3A_122 = tpu.vector_load %arg7[%swap3A_121] {strides = array<i32>} : memref<640xf32, #tpu.memory_space<vmem>>, vector<16xf32>,
    %swap3A_123 = vector.shape_cast %swap3A_122 : vector<16xf32> to vector<16xf32>
    %swap3A_124 = vector.shape_cast %broadcast_in_dim3A_120 : vector<16xf32> to vector<16xf32>
    tpu.vector_store %arg7[%swap3A_121], %swap3A_124 {strides = array<i32>} : memref<640xf32, #tpu.memory_space<vmem>>, vector<16xf32>,
    %broadcast_in_dim3A_125 = arith.constant 0.000000e+00 : f32
    %broadcast_in_dim3A_126 = vector.broadcast %broadcast_in_dim3A_125 : f32 to vector<16xf32>
    %swap3A_127 = arith.constant 336 : index
    %swap3A_128 = tpu.vector_load %arg7[%swap3A_127] {strides = array<i32>} : memref<640xf32, #tpu.memory_space<vmem>>, vector<16xf32>,
    %swap3A_129 = vector.shape_cast %swap3A_128 : vector<16xf32> to vector<16xf32>
    %swap3A_130 = vector.shape_cast %broadcast_in_dim3A_126 : vector<16xf32> to vector<16xf32>
    tpu.vector_store %arg7[%swap3A_127], %swap3A_130 {strides = array<i32>} : memref<640xf32, #tpu.memory_space<vmem>>, vector<16xf32>,
    %broadcast_in_dim3A_131 = arith.constant 0.000000e+00 : f32
    %broadcast_in_dim3A_132 = vector.broadcast %broadcast_in_dim3A_131 : f32 to vector<16xf32>
    %swap3A_133 = arith.constant 352 : index
    %swap3A_134 = tpu.vector_load %arg7[%swap3A_133] {strides = array<i32>} : memref<640xf32, #tpu.memory_space<vmem>>, vector<16xf32>,
    %swap3A_135 = vector.shape_cast %swap3A_134 : vector<16xf32> to vector<16xf32>
    %swap3A_136 = vector.shape_cast %broadcast_in_dim3A_132 : vector<16xf32> to vector<16xf32>
    tpu.vector_store %arg7[%swap3A_133], %swap3A_136 {strides = array<i32>} : memref<640xf32, #tpu.memory_space<vmem>>, vector<16xf32>,
    %broadcast_in_dim3A_137 = arith.constant 0.000000e+00 : f32
    %broadcast_in_dim3A_138 = vector.broadcast %broadcast_in_dim3A_137 : f32 to vector<16xf32>
    %swap3A_139 = arith.constant 368 : index
    %swap3A_140 = tpu.vector_load %arg7[%swap3A_139] {strides = array<i32>} : memref<640xf32, #tpu.memory_space<vmem>>, vector<16xf32>,
    %swap3A_141 = vector.shape_cast %swap3A_140 : vector<16xf32> to vector<16xf32>
    %swap3A_142 = vector.shape_cast %broadcast_in_dim3A_138 : vector<16xf32> to vector<16xf32>
    tpu.vector_store %arg7[%swap3A_139], %swap3A_142 {strides = array<i32>} : memref<640xf32, #tpu.memory_space<vmem>>, vector<16xf32>,
    %broadcast_in_dim3A_143 = arith.constant 0.000000e+00 : f32
    %broadcast_in_dim3A_144 = vector.broadcast %broadcast_in_dim3A_143 : f32 to vector<16xf32>
    %swap3A_145 = arith.constant 384 : index
    %swap3A_146 = tpu.vector_load %arg7[%swap3A_145] {strides = array<i32>} : memref<640xf32, #tpu.memory_space<vmem>>, vector<16xf32>,
    %swap3A_147 = vector.shape_cast %swap3A_146 : vector<16xf32> to vector<16xf32>
    %swap3A_148 = vector.shape_cast %broadcast_in_dim3A_144 : vector<16xf32> to vector<16xf32>
    tpu.vector_store %arg7[%swap3A_145], %swap3A_148 {strides = array<i32>} : memref<640xf32, #tpu.memory_space<vmem>>, vector<16xf32>,
    %broadcast_in_dim3A_149 = arith.constant 0.000000e+00 : f32
    %broadcast_in_dim3A_150 = vector.broadcast %broadcast_in_dim3A_149 : f32 to vector<16xf32>
    %swap3A_151 = arith.constant 400 : index
    %swap3A_152 = tpu.vector_load %arg7[%swap3A_151] {strides = array<i32>} : memref<640xf32, #tpu.memory_space<vmem>>, vector<16xf32>,
    %swap3A_153 = vector.shape_cast %swap3A_152 : vector<16xf32> to vector<16xf32>
    %swap3A_154 = vector.shape_cast %broadcast_in_dim3A_150 : vector<16xf32> to vector<16xf32>
    tpu.vector_store %arg7[%swap3A_151], %swap3A_154 {strides = array<i32>} : memref<640xf32, #tpu.memory_space<vmem>>, vector<16xf32>,
    %broadcast_in_dim3A_155 = arith.constant 0.000000e+00 : f32
    %broadcast_in_dim3A_156 = vector.broadcast %broadcast_in_dim3A_155 : f32 to vector<16xf32>
    %swap3A_157 = arith.constant 416 : index
    %swap3A_158 = tpu.vector_load %arg7[%swap3A_157] {strides = array<i32>} : memref<640xf32, #tpu.memory_space<vmem>>, vector<16xf32>,
    %swap3A_159 = vector.shape_cast %swap3A_158 : vector<16xf32> to vector<16xf32>
    %swap3A_160 = vector.shape_cast %broadcast_in_dim3A_156 : vector<16xf32> to vector<16xf32>
    tpu.vector_store %arg7[%swap3A_157], %swap3A_160 {strides = array<i32>} : memref<640xf32, #tpu.memory_space<vmem>>, vector<16xf32>,
    %broadcast_in_dim3A_161 = arith.constant 0.000000e+00 : f32
    %broadcast_in_dim3A_162 = vector.broadcast %broadcast_in_dim3A_161 : f32 to vector<16xf32>
    %swap3A_163 = arith.constant 432 : index
    %swap3A_164 = tpu.vector_load %arg7[%swap3A_163] {strides = array<i32>} : memref<640xf32, #tpu.memory_space<vmem>>, vector<16xf32>,
    %swap3A_165 = vector.shape_cast %swap3A_164 : vector<16xf32> to vector<16xf32>
    %swap3A_166 = vector.shape_cast %broadcast_in_dim3A_162 : vector<16xf32> to vector<16xf32>
    tpu.vector_store %arg7[%swap3A_163], %swap3A_166 {strides = array<i32>} : memref<640xf32, #tpu.memory_space<vmem>>, vector<16xf32>,
    %broadcast_in_dim3A_167 = arith.constant 0.000000e+00 : f32
    %broadcast_in_dim3A_168 = vector.broadcast %broadcast_in_dim3A_167 : f32 to vector<16xf32>
    %swap3A_169 = arith.constant 448 : index
    %swap3A_170 = tpu.vector_load %arg7[%swap3A_169] {strides = array<i32>} : memref<640xf32, #tpu.memory_space<vmem>>, vector<16xf32>,
    %swap3A_171 = vector.shape_cast %swap3A_170 : vector<16xf32> to vector<16xf32>
    %swap3A_172 = vector.shape_cast %broadcast_in_dim3A_168 : vector<16xf32> to vector<16xf32>
    tpu.vector_store %arg7[%swap3A_169], %swap3A_172 {strides = array<i32>} : memref<640xf32, #tpu.memory_space<vmem>>, vector<16xf32>,
    %broadcast_in_dim3A_173 = arith.constant 0.000000e+00 : f32
    %broadcast_in_dim3A_174 = vector.broadcast %broadcast_in_dim3A_173 : f32 to vector<16xf32>
    %swap3A_175 = arith.constant 464 : index
    %swap3A_176 = tpu.vector_load %arg7[%swap3A_175] {strides = array<i32>} : memref<640xf32, #tpu.memory_space<vmem>>, vector<16xf32>,
    %swap3A_177 = vector.shape_cast %swap3A_176 : vector<16xf32> to vector<16xf32>
    %swap3A_178 = vector.shape_cast %broadcast_in_dim3A_174 : vector<16xf32> to vector<16xf32>
    tpu.vector_store %arg7[%swap3A_175], %swap3A_178 {strides = array<i32>} : memref<640xf32, #tpu.memory_space<vmem>>, vector<16xf32>,
    %broadcast_in_dim3A_179 = arith.constant 0.000000e+00 : f32
    %broadcast_in_dim3A_180 = vector.broadcast %broadcast_in_dim3A_179 : f32 to vector<16xf32>
    %swap3A_181 = arith.constant 480 : index
    %swap3A_182 = tpu.vector_load %arg7[%swap3A_181] {strides = array<i32>} : memref<640xf32, #tpu.memory_space<vmem>>, vector<16xf32>,
    %swap3A_183 = vector.shape_cast %swap3A_182 : vector<16xf32> to vector<16xf32>
    %swap3A_184 = vector.shape_cast %broadcast_in_dim3A_180 : vector<16xf32> to vector<16xf32>
    tpu.vector_store %arg7[%swap3A_181], %swap3A_184 {strides = array<i32>} : memref<640xf32, #tpu.memory_space<vmem>>, vector<16xf32>,
    %broadcast_in_dim3A_185 = arith.constant 0.000000e+00 : f32
    %broadcast_in_dim3A_186 = vector.broadcast %broadcast_in_dim3A_185 : f32 to vector<16xf32>
    %swap3A_187 = arith.constant 496 : index
    %swap3A_188 = tpu.vector_load %arg7[%swap3A_187] {strides = array<i32>} : memref<640xf32, #tpu.memory_space<vmem>>, vector<16xf32>,
    %swap3A_189 = vector.shape_cast %swap3A_188 : vector<16xf32> to vector<16xf32>
    %swap3A_190 = vector.shape_cast %broadcast_in_dim3A_186 : vector<16xf32> to vector<16xf32>
    tpu.vector_store %arg7[%swap3A_187], %swap3A_190 {strides = array<i32>} : memref<640xf32, #tpu.memory_space<vmem>>, vector<16xf32>,
    %broadcast_in_dim3A_191 = arith.constant 0.000000e+00 : f32
    %broadcast_in_dim3A_192 = vector.broadcast %broadcast_in_dim3A_191 : f32 to vector<16xf32>
    %swap3A_193 = arith.constant 512 : index
    %swap3A_194 = tpu.vector_load %arg7[%swap3A_193] {strides = array<i32>} : memref<640xf32, #tpu.memory_space<vmem>>, vector<16xf32>,
    %swap3A_195 = vector.shape_cast %swap3A_194 : vector<16xf32> to vector<16xf32>
    %swap3A_196 = vector.shape_cast %broadcast_in_dim3A_192 : vector<16xf32> to vector<16xf32>
    tpu.vector_store %arg7[%swap3A_193], %swap3A_196 {strides = array<i32>} : memref<640xf32, #tpu.memory_space<vmem>>, vector<16xf32>,
    %broadcast_in_dim3A_197 = arith.constant 0.000000e+00 : f32
    %broadcast_in_dim3A_198 = vector.broadcast %broadcast_in_dim3A_197 : f32 to vector<16xf32>
    %swap3A_199 = arith.constant 528 : index
    %swap3A_200 = tpu.vector_load %arg7[%swap3A_199] {strides = array<i32>} : memref<640xf32, #tpu.memory_space<vmem>>, vector<16xf32>,
    %swap3A_201 = vector.shape_cast %swap3A_200 : vector<16xf32> to vector<16xf32>
    %swap3A_202 = vector.shape_cast %broadcast_in_dim3A_198 : vector<16xf32> to vector<16xf32>
    tpu.vector_store %arg7[%swap3A_199], %swap3A_202 {strides = array<i32>} : memref<640xf32, #tpu.memory_space<vmem>>, vector<16xf32>,
    %broadcast_in_dim3A_203 = arith.constant 0.000000e+00 : f32
    %broadcast_in_dim3A_204 = vector.broadcast %broadcast_in_dim3A_203 : f32 to vector<16xf32>
    %swap3A_205 = arith.constant 544 : index
    %swap3A_206 = tpu.vector_load %arg7[%swap3A_205] {strides = array<i32>} : memref<640xf32, #tpu.memory_space<vmem>>, vector<16xf32>,
    %swap3A_207 = vector.shape_cast %swap3A_206 : vector<16xf32> to vector<16xf32>
    %swap3A_208 = vector.shape_cast %broadcast_in_dim3A_204 : vector<16xf32> to vector<16xf32>
    tpu.vector_store %arg7[%swap3A_205], %swap3A_208 {strides = array<i32>} : memref<640xf32, #tpu.memory_space<vmem>>, vector<16xf32>,
    %broadcast_in_dim3A_209 = arith.constant 0.000000e+00 : f32
    %broadcast_in_dim3A_210 = vector.broadcast %broadcast_in_dim3A_209 : f32 to vector<16xf32>
    %swap3A_211 = arith.constant 560 : index
    %swap3A_212 = tpu.vector_load %arg7[%swap3A_211] {strides = array<i32>} : memref<640xf32, #tpu.memory_space<vmem>>, vector<16xf32>,
    %swap3A_213 = vector.shape_cast %swap3A_212 : vector<16xf32> to vector<16xf32>
    %swap3A_214 = vector.shape_cast %broadcast_in_dim3A_210 : vector<16xf32> to vector<16xf32>
    tpu.vector_store %arg7[%swap3A_211], %swap3A_214 {strides = array<i32>} : memref<640xf32, #tpu.memory_space<vmem>>, vector<16xf32>,
    %broadcast_in_dim3A_215 = arith.constant 0.000000e+00 : f32
    %broadcast_in_dim3A_216 = vector.broadcast %broadcast_in_dim3A_215 : f32 to vector<16xf32>
    %swap3A_217 = arith.constant 576 : index
    %swap3A_218 = tpu.vector_load %arg7[%swap3A_217] {strides = array<i32>} : memref<640xf32, #tpu.memory_space<vmem>>, vector<16xf32>,
    %swap3A_219 = vector.shape_cast %swap3A_218 : vector<16xf32> to vector<16xf32>
    %swap3A_220 = vector.shape_cast %broadcast_in_dim3A_216 : vector<16xf32> to vector<16xf32>
    tpu.vector_store %arg7[%swap3A_217], %swap3A_220 {strides = array<i32>} : memref<640xf32, #tpu.memory_space<vmem>>, vector<16xf32>,
    %broadcast_in_dim3A_221 = arith.constant 0.000000e+00 : f32
    %broadcast_in_dim3A_222 = vector.broadcast %broadcast_in_dim3A_221 : f32 to vector<16xf32>
    %swap3A_223 = arith.constant 592 : index
    %swap3A_224 = tpu.vector_load %arg7[%swap3A_223] {strides = array<i32>} : memref<640xf32, #tpu.memory_space<vmem>>, vector<16xf32>,
    %swap3A_225 = vector.shape_cast %swap3A_224 : vector<16xf32> to vector<16xf32>
    %swap3A_226 = vector.shape_cast %broadcast_in_dim3A_222 : vector<16xf32> to vector<16xf32>
    tpu.vector_store %arg7[%swap3A_223], %swap3A_226 {strides = array<i32>} : memref<640xf32, #tpu.memory_space<vmem>>, vector<16xf32>,
    %broadcast_in_dim3A_227 = arith.constant 0.000000e+00 : f32
    %broadcast_in_dim3A_228 = vector.broadcast %broadcast_in_dim3A_227 : f32 to vector<16xf32>
    %swap3A_229 = arith.constant 608 : index
    %swap3A_230 = tpu.vector_load %arg7[%swap3A_229] {strides = array<i32>} : memref<640xf32, #tpu.memory_space<vmem>>, vector<16xf32>,
    %swap3A_231 = vector.shape_cast %swap3A_230 : vector<16xf32> to vector<16xf32>
    %swap3A_232 = vector.shape_cast %broadcast_in_dim3A_228 : vector<16xf32> to vector<16xf32>
    tpu.vector_store %arg7[%swap3A_229], %swap3A_232 {strides = array<i32>} : memref<640xf32, #tpu.memory_space<vmem>>, vector<16xf32>,
    %broadcast_in_dim3A_233 = arith.constant 0.000000e+00 : f32
    %broadcast_in_dim3A_234 = vector.broadcast %broadcast_in_dim3A_233 : f32 to vector<16xf32>
    %swap3A_235 = arith.constant 624 : index
    %swap3A_236 = tpu.vector_load %arg7[%swap3A_235] {strides = array<i32>} : memref<640xf32, #tpu.memory_space<vmem>>, vector<16xf32>,
    %swap3A_237 = vector.shape_cast %swap3A_236 : vector<16xf32> to vector<16xf32>
    %swap3A_238 = vector.shape_cast %broadcast_in_dim3A_234 : vector<16xf32> to vector<16xf32>
    tpu.vector_store %arg7[%swap3A_235], %swap3A_238 {strides = array<i32>} : memref<640xf32, #tpu.memory_space<vmem>>, vector<16xf32>,
    %broadcast_in_dim3A_239 = arith.constant 1.000000e+00 : f32
    %broadcast_in_dim3A_240 = vector.broadcast %broadcast_in_dim3A_239 : f32 to vector<16xf32>
    %swap3A_241 = arith.constant 0 : index
    %swap3A_242 = tpu.vector_load %arg6[%swap3A_241] {strides = array<i32>} : memref<128xf32, #tpu.memory_space<vmem>>, vector<16xf32>,
    %swap3A_243 = vector.shape_cast %swap3A_242 : vector<16xf32> to vector<16xf32>
    %swap3A_244 = vector.shape_cast %broadcast_in_dim3A_240 : vector<16xf32> to vector<16xf32>
    tpu.vector_store %arg6[%swap3A_241], %swap3A_244 {strides = array<i32>} : memref<128xf32, #tpu.memory_space<vmem>>, vector<16xf32>,
    %broadcast_in_dim3A_245 = arith.constant 1.000000e+00 : f32
    %broadcast_in_dim3A_246 = vector.broadcast %broadcast_in_dim3A_245 : f32 to vector<16xf32>
    %swap3A_247 = arith.constant 16 : index
    %swap3A_248 = tpu.vector_load %arg6[%swap3A_247] {strides = array<i32>} : memref<128xf32, #tpu.memory_space<vmem>>, vector<16xf32>,
    %swap3A_249 = vector.shape_cast %swap3A_248 : vector<16xf32> to vector<16xf32>
    %swap3A_250 = vector.shape_cast %broadcast_in_dim3A_246 : vector<16xf32> to vector<16xf32>
    tpu.vector_store %arg6[%swap3A_247], %swap3A_250 {strides = array<i32>} : memref<128xf32, #tpu.memory_space<vmem>>, vector<16xf32>,
    %broadcast_in_dim3A_251 = arith.constant 1.000000e+00 : f32
    %broadcast_in_dim3A_252 = vector.broadcast %broadcast_in_dim3A_251 : f32 to vector<16xf32>
    %swap3A_253 = arith.constant 32 : index
    %swap3A_254 = tpu.vector_load %arg6[%swap3A_253] {strides = array<i32>} : memref<128xf32, #tpu.memory_space<vmem>>, vector<16xf32>,
    %swap3A_255 = vector.shape_cast %swap3A_254 : vector<16xf32> to vector<16xf32>
    %swap3A_256 = vector.shape_cast %broadcast_in_dim3A_252 : vector<16xf32> to vector<16xf32>
    tpu.vector_store %arg6[%swap3A_253], %swap3A_256 {strides = array<i32>} : memref<128xf32, #tpu.memory_space<vmem>>, vector<16xf32>,
    %broadcast_in_dim3A_257 = arith.constant 1.000000e+00 : f32
    %broadcast_in_dim3A_258 = vector.broadcast %broadcast_in_dim3A_257 : f32 to vector<16xf32>
    %swap3A_259 = arith.constant 48 : index
    %swap3A_260 = tpu.vector_load %arg6[%swap3A_259] {strides = array<i32>} : memref<128xf32, #tpu.memory_space<vmem>>, vector<16xf32>,
    %swap3A_261 = vector.shape_cast %swap3A_260 : vector<16xf32> to vector<16xf32>
    %swap3A_262 = vector.shape_cast %broadcast_in_dim3A_258 : vector<16xf32> to vector<16xf32>
    tpu.vector_store %arg6[%swap3A_259], %swap3A_262 {strides = array<i32>} : memref<128xf32, #tpu.memory_space<vmem>>, vector<16xf32>,
    %broadcast_in_dim3A_263 = arith.constant 1.000000e+00 : f32
    %broadcast_in_dim3A_264 = vector.broadcast %broadcast_in_dim3A_263 : f32 to vector<16xf32>
    %swap3A_265 = arith.constant 64 : index
    %swap3A_266 = tpu.vector_load %arg6[%swap3A_265] {strides = array<i32>} : memref<128xf32, #tpu.memory_space<vmem>>, vector<16xf32>,
    %swap3A_267 = vector.shape_cast %swap3A_266 : vector<16xf32> to vector<16xf32>
    %swap3A_268 = vector.shape_cast %broadcast_in_dim3A_264 : vector<16xf32> to vector<16xf32>
    tpu.vector_store %arg6[%swap3A_265], %swap3A_268 {strides = array<i32>} : memref<128xf32, #tpu.memory_space<vmem>>, vector<16xf32>,
    %broadcast_in_dim3A_269 = arith.constant 1.000000e+00 : f32
    %broadcast_in_dim3A_270 = vector.broadcast %broadcast_in_dim3A_269 : f32 to vector<16xf32>
    %swap3A_271 = arith.constant 80 : index
    %swap3A_272 = tpu.vector_load %arg6[%swap3A_271] {strides = array<i32>} : memref<128xf32, #tpu.memory_space<vmem>>, vector<16xf32>,
    %swap3A_273 = vector.shape_cast %swap3A_272 : vector<16xf32> to vector<16xf32>
    %swap3A_274 = vector.shape_cast %broadcast_in_dim3A_270 : vector<16xf32> to vector<16xf32>
    tpu.vector_store %arg6[%swap3A_271], %swap3A_274 {strides = array<i32>} : memref<128xf32, #tpu.memory_space<vmem>>, vector<16xf32>,
    %broadcast_in_dim3A_275 = arith.constant 1.000000e+00 : f32
    %broadcast_in_dim3A_276 = vector.broadcast %broadcast_in_dim3A_275 : f32 to vector<16xf32>
    %swap3A_277 = arith.constant 96 : index
    %swap3A_278 = tpu.vector_load %arg6[%swap3A_277] {strides = array<i32>} : memref<128xf32, #tpu.memory_space<vmem>>, vector<16xf32>,
    %swap3A_279 = vector.shape_cast %swap3A_278 : vector<16xf32> to vector<16xf32>
    %swap3A_280 = vector.shape_cast %broadcast_in_dim3A_276 : vector<16xf32> to vector<16xf32>
    tpu.vector_store %arg6[%swap3A_277], %swap3A_280 {strides = array<i32>} : memref<128xf32, #tpu.memory_space<vmem>>, vector<16xf32>,
    %broadcast_in_dim3A_281 = arith.constant 1.000000e+00 : f32
    %broadcast_in_dim3A_282 = vector.broadcast %broadcast_in_dim3A_281 : f32 to vector<16xf32>
    %swap3A_283 = arith.constant 112 : index
    %swap3A_284 = tpu.vector_load %arg6[%swap3A_283] {strides = array<i32>} : memref<128xf32, #tpu.memory_space<vmem>>, vector<16xf32>,
    %swap3A_285 = vector.shape_cast %swap3A_284 : vector<16xf32> to vector<16xf32>
    %swap3A_286 = vector.shape_cast %broadcast_in_dim3A_282 : vector<16xf32> to vector<16xf32>
    tpu.vector_store %arg6[%swap3A_283], %swap3A_286 {strides = array<i32>} : memref<128xf32, #tpu.memory_space<vmem>>, vector<16xf32>,
    %mul3A_287 = arith.constant 632 : i32
    %mul3A_288 = arith.muli %arg1, %mul3A_287 : i32
    "tpu.region"() ({
      %run_scoped3A = tpu.sem_alloc : memref<!tpu.dma_semaphore, #tpu.memory_space<semaphore_mem>>
      %dma_start3A = arith.constant 0 : i32
      %dma_start3A_308 = tpu.memref_slice %arg7[%dma_start3A] : memref<640xf32, #tpu.memory_space<vmem>> -> memref<632xf32, #tpu.memory_space<vmem>>
      %dma_start3A_309 = tpu.memref_slice %arg8[%mul3A_288] : memref<10112xf32, #tpu.memory_space<vmem_shared>> -> memref<632xf32, #tpu.memory_space<vmem_shared>>
      %dma_start3A_310 = tpu.memref_slice %arg8[%mul3A_288] : memref<10112xf32, #tpu.memory_space<vmem_shared>> -> memref<632xf32, #tpu.memory_space<vmem_shared>>
      %dma_start3A_311 = arith.constant 0 : i32
      %dma_start3A_312 = tpu.memref_slice %arg7[%dma_start3A_311] : memref<640xf32, #tpu.memory_space<vmem>> -> memref<632xf32, #tpu.memory_space<vmem>>
      tpu.enqueue_dma source(%dma_start3A_312 : memref<632xf32, #tpu.memory_space<vmem>>) target(%dma_start3A_310 : memref<632xf32, #tpu.memory_space<vmem_shared>>) target_semaphore(%run_scoped3A : memref<!tpu.dma_semaphore, #tpu.memory_space<semaphore_mem>>)
      %dma_wait3A = arith.constant 0 : i32
      %dma_wait3A_313 = tpu.memref_slice %arg7[%dma_wait3A] : memref<640xf32, #tpu.memory_space<vmem>> -> memref<632xf32, #tpu.memory_space<vmem>>
      %dma_wait3A_314 = tpu.memref_slice %arg8[%mul3A_288] : memref<10112xf32, #tpu.memory_space<vmem_shared>> -> memref<632xf32, #tpu.memory_space<vmem_shared>>
      %dma_wait3A_315 = tpu.memref_slice %arg8[%mul3A_288] : memref<10112xf32, #tpu.memory_space<vmem_shared>> -> memref<632xf32, #tpu.memory_space<vmem_shared>>
      %dma_wait3A_316 = arith.constant 0 : i32
      %dma_wait3A_317 = tpu.memref_slice %arg7[%dma_wait3A_316] : memref<640xf32, #tpu.memory_space<vmem>> -> memref<632xf32, #tpu.memory_space<vmem>>
      tpu.wait_dma2 semaphore(%run_scoped3A : memref<!tpu.dma_semaphore, #tpu.memory_space<semaphore_mem>>) src(%dma_wait3A_317 : memref<632xf32, #tpu.memory_space<vmem>>) dst(%dma_wait3A_315 : memref<632xf32, #tpu.memory_space<vmem_shared>>)
      tpu.yield
    }) : () -> ()
    "tpu.region"() ({
      %run_scoped3A = tpu.sem_alloc : memref<!tpu.dma_semaphore, #tpu.memory_space<semaphore_mem>>
      %dma_start3A = arith.constant 0 : i32
      %dma_start3A_308 = arith.constant 0 : i32
      %dma_start3A_309 = tpu.memref_slice %arg2[%add3A, %dma_start3A, %dma_start3A_308] : memref<32x84x128xi32, #tpu.memory_space<hbm>> -> memref<1x84x128xi32, #tpu.memory_space<hbm>>
      %dma_start3A_310 = tpu.memref_squeeze %dma_start3A_309 : memref<1x84x128xi32, #tpu.memory_space<hbm>> -> memref<84x128xi32, #tpu.memory_space<hbm>>
      %dma_start3A_311 = arith.constant 0 : i32
      %dma_start3A_312 = arith.constant 0 : i32
      %dma_start3A_313 = tpu.memref_slice %arg2[%add3A, %dma_start3A_311, %dma_start3A_312] : memref<32x84x128xi32, #tpu.memory_space<hbm>> -> memref<1x84x128xi32, #tpu.memory_space<hbm>>
      %dma_start3A_314 = tpu.memref_squeeze %dma_start3A_313 : memref<1x84x128xi32, #tpu.memory_space<hbm>> -> memref<84x128xi32, #tpu.memory_space<hbm>>
      tpu.enqueue_dma source(%dma_start3A_314 : memref<84x128xi32, #tpu.memory_space<hbm>>) target(%arg5 : memref<84x128xi32, #tpu.memory_space<vmem>>) target_semaphore(%run_scoped3A : memref<!tpu.dma_semaphore, #tpu.memory_space<semaphore_mem>>)
      %dma_wait3A = arith.constant 0 : i32
      %dma_wait3A_315 = arith.constant 0 : i32
      %dma_wait3A_316 = tpu.memref_slice %arg2[%add3A, %dma_wait3A, %dma_wait3A_315] : memref<32x84x128xi32, #tpu.memory_space<hbm>> -> memref<1x84x128xi32, #tpu.memory_space<hbm>>
      %dma_wait3A_317 = tpu.memref_squeeze %dma_wait3A_316 : memref<1x84x128xi32, #tpu.memory_space<hbm>> -> memref<84x128xi32, #tpu.memory_space<hbm>>
      %dma_wait3A_318 = arith.constant 0 : i32
      %dma_wait3A_319 = arith.constant 0 : i32
      %dma_wait3A_320 = tpu.memref_slice %arg2[%add3A, %dma_wait3A_318, %dma_wait3A_319] : memref<32x84x128xi32, #tpu.memory_space<hbm>> -> memref<1x84x128xi32, #tpu.memory_space<hbm>>
      %dma_wait3A_321 = tpu.memref_squeeze %dma_wait3A_320 : memref<1x84x128xi32, #tpu.memory_space<hbm>> -> memref<84x128xi32, #tpu.memory_space<hbm>>
      tpu.wait_dma2 semaphore(%run_scoped3A : memref<!tpu.dma_semaphore, #tpu.memory_space<semaphore_mem>>) src(%dma_wait3A_321 : memref<84x128xi32, #tpu.memory_space<hbm>>) dst(%arg5 : memref<84x128xi32, #tpu.memory_space<vmem>>)
      tpu.yield
    }) : () -> ()
    %barrier3A = arith.constant 0 : index
    tpu.barrier barrier_id(%barrier3A)
    %scan3A = arith.constant 0 : i32
    %scan3A_289 = arith.constant 84 : i32
    %scan3A_290 = arith.addi %scan3A, %scan3A_289 : i32
    %scan3A_291 = arith.constant 1 : i32
    scf.for %scan3A_308 = %scan3A to %scan3A_290 step %scan3A_291  : i32 {
      %mul3A_309 = arith.constant 1 : i32
      %mul3A_310 = arith.muli %scan3A_308, %mul3A_309 : i32
      %add3A_311 = arith.constant 0 : i32
      %add3A_312 = arith.addi %add3A_311, %mul3A_310 : i32
      %dma_start3A = arith.constant 0 : i32
      %dma_start3A_313 = tpu.memref_slice %arg5[%add3A_312, %dma_start3A] : memref<84x128xi32, #tpu.memory_space<vmem>> -> memref<1x128xi32, #tpu.memory_space<vmem>>
      %dma_start3A_314 = tpu.memref_squeeze %dma_start3A_313 : memref<1x128xi32, #tpu.memory_space<vmem>> -> memref<128xi32, #tpu.memory_space<vmem>>
      %dma_start3A_315 = arith.constant 0 : i32
      %dma_start3A_316 = tpu.memref_slice %arg8[%dma_start3A_315] : memref<10112xf32, #tpu.memory_space<vmem_shared>> -> memref<10112xf32, #tpu.memory_space<vmem_shared>>
      tpu.enqueue_indirect_dma source(%arg6 : memref<128xf32, #tpu.memory_space<vmem>>) target(%dma_start3A_316 : memref<10112xf32, #tpu.memory_space<vmem_shared>>) offsets(%dma_start3A_314 : memref<128xi32, #tpu.memory_space<vmem>>) semaphore(%arg9 : memref<!tpu.dma_semaphore, #tpu.memory_space<semaphore_mem>>) {add = true}
    }
    %scan3A_292 = arith.constant 84 : i32
    %scan3A_293 = arith.constant 0 : i32
    %scan3A_294 = arith.constant 84 : i32
    %scan3A_295 = arith.addi %scan3A_293, %scan3A_294 : i32
    %scan3A_296 = arith.constant 1 : i32
    scf.for %scan3A_308 = %scan3A_293 to %scan3A_295 step %scan3A_296  : i32 {
      %mul3A_309 = arith.constant 1 : i32
      %mul3A_310 = arith.muli %scan3A_308, %mul3A_309 : i32
      %add3A_311 = arith.constant 0 : i32
      %add3A_312 = arith.addi %add3A_311, %mul3A_310 : i32
      %dma_wait3A = arith.constant 0 : i32
      %dma_wait3A_313 = arith.constant 0 : i32
      %dma_wait3A_314 = tpu.memref_slice %arg5[%dma_wait3A, %dma_wait3A_313] : memref<84x128xi32, #tpu.memory_space<vmem>> -> memref<1x128xi32, #tpu.memory_space<vmem>>
      %dma_wait3A_315 = tpu.memref_squeeze %dma_wait3A_314 : memref<1x128xi32, #tpu.memory_space<vmem>> -> memref<128xi32, #tpu.memory_space<vmem>>
      %dma_wait3A_316 = arith.constant 0 : i32
      %dma_wait3A_317 = tpu.memref_slice %arg8[%dma_wait3A_316] : memref<10112xf32, #tpu.memory_space<vmem_shared>> -> memref<10112xf32, #tpu.memory_space<vmem_shared>>
      tpu.wait_indirect_dma semaphore(%arg9 : memref<!tpu.dma_semaphore, #tpu.memory_space<semaphore_mem>>) src(%arg6 : memref<128xf32, #tpu.memory_space<vmem>>) dst(%dma_wait3A_317 : memref<10112xf32, #tpu.memory_space<vmem_shared>>)
    }
    %scan3A_297 = arith.constant 84 : i32
    %barrier3A_298 = arith.constant 0 : index
    tpu.barrier barrier_id(%barrier3A_298)
    %mul3A_299 = arith.constant 632 : i32
    %mul3A_300 = arith.muli %arg1, %mul3A_299 : i32
    "tpu.region"() ({
      %run_scoped3A = tpu.sem_alloc : memref<!tpu.dma_semaphore, #tpu.memory_space<semaphore_mem>>
      %dma_start3A = arith.constant 0 : i32
      %dma_start3A_308 = tpu.memref_slice %arg7[%dma_start3A] : memref<640xf32, #tpu.memory_space<vmem>> -> memref<632xf32, #tpu.memory_space<vmem>>
      %dma_start3A_309 = tpu.memref_slice %arg8[%mul3A_300] : memref<10112xf32, #tpu.memory_space<vmem_shared>> -> memref<632xf32, #tpu.memory_space<vmem_shared>>
      %dma_start3A_310 = arith.constant 0 : i32
      %dma_start3A_311 = tpu.memref_slice %arg7[%dma_start3A_310] : memref<640xf32, #tpu.memory_space<vmem>> -> memref<632xf32, #tpu.memory_space<vmem>>
      %dma_start3A_312 = tpu.memref_slice %arg8[%mul3A_300] : memref<10112xf32, #tpu.memory_space<vmem_shared>> -> memref<632xf32, #tpu.memory_space<vmem_shared>>
      tpu.enqueue_dma source(%dma_start3A_312 : memref<632xf32, #tpu.memory_space<vmem_shared>>) target(%dma_start3A_311 : memref<632xf32, #tpu.memory_space<vmem>>) target_semaphore(%run_scoped3A : memref<!tpu.dma_semaphore, #tpu.memory_space<semaphore_mem>>)
      %dma_wait3A = arith.constant 0 : i32
      %dma_wait3A_313 = tpu.memref_slice %arg7[%dma_wait3A] : memref<640xf32, #tpu.memory_space<vmem>> -> memref<632xf32, #tpu.memory_space<vmem>>
      %dma_wait3A_314 = tpu.memref_slice %arg8[%mul3A_300] : memref<10112xf32, #tpu.memory_space<vmem_shared>> -> memref<632xf32, #tpu.memory_space<vmem_shared>>
      %dma_wait3A_315 = arith.constant 0 : i32
      %dma_wait3A_316 = tpu.memref_slice %arg7[%dma_wait3A_315] : memref<640xf32, #tpu.memory_space<vmem>> -> memref<632xf32, #tpu.memory_space<vmem>>
      %dma_wait3A_317 = tpu.memref_slice %arg8[%mul3A_300] : memref<10112xf32, #tpu.memory_space<vmem_shared>> -> memref<632xf32, #tpu.memory_space<vmem_shared>>
      tpu.wait_dma2 semaphore(%run_scoped3A : memref<!tpu.dma_semaphore, #tpu.memory_space<semaphore_mem>>) src(%dma_wait3A_317 : memref<632xf32, #tpu.memory_space<vmem_shared>>) dst(%dma_wait3A_316 : memref<632xf32, #tpu.memory_space<vmem>>)
      tpu.yield
    }) : () -> ()
    %eq3A = arith.constant 0 : i32
    %eq3A_301 = arith.cmpi eq, %arg0, %eq3A : i32
    %convert_element_type3A = arith.extui %eq3A_301 : i1 to i32
    %cond3A = arith.constant 0 : i32
    %cond3A_302 = arith.cmpi ne, %convert_element_type3A, %cond3A : i32
    scf.if %cond3A_302 {
      %mul3A_308 = arith.constant 632 : i32
      %mul3A_309 = arith.muli %arg1, %mul3A_308 : i32
      "tpu.region"() ({
        %run_scoped3A = tpu.sem_alloc : memref<!tpu.dma_semaphore, #tpu.memory_space<semaphore_mem>>
        %dma_start3A = arith.constant 0 : i32
        %dma_start3A_310 = tpu.memref_slice %arg7[%dma_start3A] : memref<640xf32, #tpu.memory_space<vmem>> -> memref<632xf32, #tpu.memory_space<vmem>>
        %dma_start3A_311 = tpu.memref_slice %arg3[%mul3A_309] : memref<10112xf32, #tpu.memory_space<hbm>> -> memref<632xf32, #tpu.memory_space<hbm>>
        %dma_start3A_312 = tpu.memref_slice %arg3[%mul3A_309] : memref<10112xf32, #tpu.memory_space<hbm>> -> memref<632xf32, #tpu.memory_space<hbm>>
        %dma_start3A_313 = arith.constant 0 : i32
        %dma_start3A_314 = tpu.memref_slice %arg7[%dma_start3A_313] : memref<640xf32, #tpu.memory_space<vmem>> -> memref<632xf32, #tpu.memory_space<vmem>>
        tpu.enqueue_dma source(%dma_start3A_314 : memref<632xf32, #tpu.memory_space<vmem>>) target(%dma_start3A_312 : memref<632xf32, #tpu.memory_space<hbm>>) target_semaphore(%run_scoped3A : memref<!tpu.dma_semaphore, #tpu.memory_space<semaphore_mem>>)
        %dma_wait3A = arith.constant 0 : i32
        %dma_wait3A_315 = tpu.memref_slice %arg7[%dma_wait3A] : memref<640xf32, #tpu.memory_space<vmem>> -> memref<632xf32, #tpu.memory_space<vmem>>
        %dma_wait3A_316 = tpu.memref_slice %arg3[%mul3A_309] : memref<10112xf32, #tpu.memory_space<hbm>> -> memref<632xf32, #tpu.memory_space<hbm>>
        %dma_wait3A_317 = tpu.memref_slice %arg3[%mul3A_309] : memref<10112xf32, #tpu.memory_space<hbm>> -> memref<632xf32, #tpu.memory_space<hbm>>
        %dma_wait3A_318 = arith.constant 0 : i32
        %dma_wait3A_319 = tpu.memref_slice %arg7[%dma_wait3A_318] : memref<640xf32, #tpu.memory_space<vmem>> -> memref<632xf32, #tpu.memory_space<vmem>>
        tpu.wait_dma2 semaphore(%run_scoped3A : memref<!tpu.dma_semaphore, #tpu.memory_space<semaphore_mem>>) src(%dma_wait3A_319 : memref<632xf32, #tpu.memory_space<vmem>>) dst(%dma_wait3A_317 : memref<632xf32, #tpu.memory_space<hbm>>)
        tpu.yield
      }) : () -> ()
    } else {
    }
    %eq3A_303 = arith.constant 1 : i32
    %eq3A_304 = arith.cmpi eq, %arg0, %eq3A_303 : i32
    %convert_element_type3A_305 = arith.extui %eq3A_304 : i1 to i32
    %cond3A_306 = arith.constant 0 : i32
    %cond3A_307 = arith.cmpi ne, %convert_element_type3A_305, %cond3A_306 : i32
    scf.if %cond3A_307 {
      %mul3A_308 = arith.constant 632 : i32
      %mul3A_309 = arith.muli %arg1, %mul3A_308 : i32
      "tpu.region"() ({
        %run_scoped3A = tpu.sem_alloc : memref<!tpu.dma_semaphore, #tpu.memory_space<semaphore_mem>>
        %dma_start3A = arith.constant 0 : i32
        %dma_start3A_310 = tpu.memref_slice %arg7[%dma_start3A] : memref<640xf32, #tpu.memory_space<vmem>> -> memref<632xf32, #tpu.memory_space<vmem>>
        %dma_start3A_311 = tpu.memref_slice %arg4[%mul3A_309] : memref<10112xf32, #tpu.memory_space<hbm>> -> memref<632xf32, #tpu.memory_space<hbm>>
        %dma_start3A_312 = tpu.memref_slice %arg4[%mul3A_309] : memref<10112xf32, #tpu.memory_space<hbm>> -> memref<632xf32, #tpu.memory_space<hbm>>
        %dma_start3A_313 = arith.constant 0 : i32
        %dma_start3A_314 = tpu.memref_slice %arg7[%dma_start3A_313] : memref<640xf32, #tpu.memory_space<vmem>> -> memref<632xf32, #tpu.memory_space<vmem>>
        tpu.enqueue_dma source(%dma_start3A_314 : memref<632xf32, #tpu.memory_space<vmem>>) target(%dma_start3A_312 : memref<632xf32, #tpu.memory_space<hbm>>) target_semaphore(%run_scoped3A : memref<!tpu.dma_semaphore, #tpu.memory_space<semaphore_mem>>)
        %dma_wait3A = arith.constant 0 : i32
        %dma_wait3A_315 = tpu.memref_slice %arg7[%dma_wait3A] : memref<640xf32, #tpu.memory_space<vmem>> -> memref<632xf32, #tpu.memory_space<vmem>>
        %dma_wait3A_316 = tpu.memref_slice %arg4[%mul3A_309] : memref<10112xf32, #tpu.memory_space<hbm>> -> memref<632xf32, #tpu.memory_space<hbm>>
        %dma_wait3A_317 = tpu.memref_slice %arg4[%mul3A_309] : memref<10112xf32, #tpu.memory_space<hbm>> -> memref<632xf32, #tpu.memory_space<hbm>>
        %dma_wait3A_318 = arith.constant 0 : i32
        %dma_wait3A_319 = tpu.memref_slice %arg7[%dma_wait3A_318] : memref<640xf32, #tpu.memory_space<vmem>> -> memref<632xf32, #tpu.memory_space<vmem>>
        tpu.wait_dma2 semaphore(%run_scoped3A : memref<!tpu.dma_semaphore, #tpu.memory_space<semaphore_mem>>) src(%dma_wait3A_319 : memref<632xf32, #tpu.memory_space<vmem>>) dst(%dma_wait3A_317 : memref<632xf32, #tpu.memory_space<hbm>>)
        tpu.yield
      }) : () -> ()
    } else {
    }
    return
  }
}

module attributes {stable_mosaic.version = 14 : i64} {
  func.func @_mm_body(%arg0: memref<10000x128xf32, #tpu.memory_space<vmem>>, %arg1: memref<128x128xf32, #tpu.memory_space<vmem>>, %arg2: memref<10000x1xf32, #tpu.memory_space<vmem>>, %arg3: memref<10000x1xf32, #tpu.memory_space<vmem>>, %arg4: memref<10000x128xf32, #tpu.memory_space<vmem>>) attributes {dimension_semantics = [], scalar_prefetch = 0 : i64, scratch_operands = 0 : i64, tpu.core_type = #tpu.core_type<tc>} {
    %get3A = arith.constant 0 : index
    %get3A_0 = arith.constant 0 : index
    %get3A_1 = vector.load %arg2[%get3A, %get3A_0] : memref<10000x1xf32, #tpu.memory_space<vmem>>, vector<10000x1xf32>
    %get3A_2 = arith.constant 0 : index
    %get3A_3 = arith.constant 0 : index
    %get3A_4 = vector.load %arg3[%get3A_2, %get3A_3] : memref<10000x1xf32, #tpu.memory_space<vmem>>, vector<10000x1xf32>
    %add3A = arith.addf %get3A_1, %get3A_4 : vector<10000x1xf32>
    %add3A_5 = arith.constant 1.000000e+00 : f32
    %add3A_6 = vector.broadcast %add3A_5 : f32 to vector<10000x1xf32>
    %add3A_7 = arith.addf %add3A, %add3A_6 : vector<10000x1xf32>
    %rsqrt3A = math.rsqrt %add3A_7 : vector<10000x1xf32>
    %get3A_8 = arith.constant 0 : index
    %get3A_9 = arith.constant 0 : index
    %get3A_10 = vector.load %arg0[%get3A_8, %get3A_9] : memref<10000x128xf32, #tpu.memory_space<vmem>>, vector<10000x128xf32>
    %get3A_11 = arith.constant 0 : index
    %get3A_12 = arith.constant 0 : index
    %get3A_13 = vector.load %arg1[%get3A_11, %get3A_12] : memref<128x128xf32, #tpu.memory_space<vmem>>, vector<128x128xf32>
    %dot_general3A = arith.constant dense<0.000000e+00> : vector<10000x128xf32>
    %dot_general3A_14 = tpu.matmul %get3A_10, %get3A_13, %dot_general3A {dimension_numbers = #tpu.dot_dimension_numbers<[1], [0], [0], [1], [0, 0, 1, 1], [], []>, transpose_lhs_hint = false} : vector<10000x128xf32>, vector<128x128xf32>, vector<10000x128xf32> -> vector<10000x128xf32>
    %mul3A = vector.broadcast %rsqrt3A : vector<10000x1xf32> to vector<10000x128xf32>
    %mul3A_15 = arith.mulf %mul3A, %dot_general3A_14 : vector<10000x128xf32>
    %swap3A = arith.constant 0 : index
    %swap3A_16 = arith.constant 0 : index
    %swap3A_17 = vector.load %arg4[%swap3A, %swap3A_16] : memref<10000x128xf32, #tpu.memory_space<vmem>>, vector<10000x128xf32>
    tpu.vector_store %arg4[%swap3A, %swap3A_16], %mul3A_15 {strides = array<i32>} : memref<10000x128xf32, #tpu.memory_space<vmem>>, vector<10000x128xf32>,
    return
  }
}

module attributes {stable_mosaic.version = 14 : i64} {
  func.func @_out_body(%arg0: memref<2x10000x128xf32, #tpu.memory_space<vmem>>, %arg1: memref<10000x128xf32, #tpu.memory_space<vmem>>, %arg2: memref<10000x1xf32, #tpu.memory_space<vmem>>, %arg3: memref<10000x1xf32, #tpu.memory_space<vmem>>, %arg4: memref<128xf32, #tpu.memory_space<vmem>>, %arg5: memref<10000x128xf32, #tpu.memory_space<vmem>>) attributes {dimension_semantics = [], scalar_prefetch = 0 : i64, scratch_operands = 0 : i64, tpu.core_type = #tpu.core_type<tc>} {
    %get3A = arith.constant 0 : index
    %get3A_0 = arith.constant 0 : index
    %get3A_1 = vector.load %arg2[%get3A, %get3A_0] : memref<10000x1xf32, #tpu.memory_space<vmem>>, vector<10000x1xf32>
    %get3A_2 = arith.constant 0 : index
    %get3A_3 = arith.constant 0 : index
    %get3A_4 = vector.load %arg3[%get3A_2, %get3A_3] : memref<10000x1xf32, #tpu.memory_space<vmem>>, vector<10000x1xf32>
    %add3A = arith.addf %get3A_1, %get3A_4 : vector<10000x1xf32>
    %add3A_5 = arith.constant 1.000000e+00 : f32
    %add3A_6 = vector.broadcast %add3A_5 : f32 to vector<10000x1xf32>
    %add3A_7 = arith.addf %add3A, %add3A_6 : vector<10000x1xf32>
    %rsqrt3A = math.rsqrt %add3A_7 : vector<10000x1xf32>
    %get3A_8 = arith.constant 0 : index
    %get3A_9 = arith.constant 0 : index
    %get3A_10 = arith.constant 0 : index
    %get3A_11 = vector.load %arg0[%get3A_8, %get3A_9, %get3A_10] : memref<2x10000x128xf32, #tpu.memory_space<vmem>>, vector<1x10000x128xf32>
    %get3A_12 = vector.shape_cast %get3A_11 : vector<1x10000x128xf32> to vector<10000x128xf32>
    %get3A_13 = arith.constant 1 : index
    %get3A_14 = arith.constant 0 : index
    %get3A_15 = arith.constant 0 : index
    %get3A_16 = vector.load %arg0[%get3A_13, %get3A_14, %get3A_15] : memref<2x10000x128xf32, #tpu.memory_space<vmem>>, vector<1x10000x128xf32>
    %get3A_17 = vector.shape_cast %get3A_16 : vector<1x10000x128xf32> to vector<10000x128xf32>
    %add3A_18 = arith.addf %get3A_12, %get3A_17 : vector<10000x128xf32>
    %get3A_19 = arith.constant 0 : index
    %get3A_20 = arith.constant 0 : index
    %get3A_21 = vector.load %arg1[%get3A_19, %get3A_20] : memref<10000x128xf32, #tpu.memory_space<vmem>>, vector<10000x128xf32>
    %add3A_22 = arith.addf %add3A_18, %get3A_21 : vector<10000x128xf32>
    %mul3A = vector.broadcast %rsqrt3A : vector<10000x1xf32> to vector<10000x128xf32>
    %mul3A_23 = arith.mulf %mul3A, %add3A_22 : vector<10000x128xf32>
    %get3A_24 = arith.constant 0 : index
    %get3A_25 = vector.load %arg4[%get3A_24] : memref<128xf32, #tpu.memory_space<vmem>>, vector<128xf32>
    %broadcast_in_dim3A = vector.shape_cast %get3A_25 : vector<128xf32> to vector<1x128xf32>
    %add3A_26 = vector.broadcast %broadcast_in_dim3A : vector<1x128xf32> to vector<10000x128xf32>
    %add3A_27 = arith.addf %mul3A_23, %add3A_26 : vector<10000x128xf32>
    %swap3A = arith.constant 0 : index
    %swap3A_28 = arith.constant 0 : index
    %swap3A_29 = vector.load %arg5[%swap3A, %swap3A_28] : memref<10000x128xf32, #tpu.memory_space<vmem>>, vector<10000x128xf32>
    tpu.vector_store %arg5[%swap3A, %swap3A_28], %add3A_27 {strides = array<i32>} : memref<10000x128xf32, #tpu.memory_space<vmem>>, vector<10000x128xf32>,
    return
  }
}

</mosaic_0001>

<sc_bundles>
// kernel: kernel.6.cloned.1.call-start
scs
__scs_entry_jumppad:
0x0: {  	(pc) =	sbr.rel $0x88, $3  }
0x1: {  	(tag) =	ssettag $0x0;
	lr =	simm.s32 $0x1  }
0x2: {  	[smem:$0x3F9D] =	sst lr;
	_ =	strace $0xD0000000  }
0x3: {  	_ = 	snop  }
0x4: {  	_ = 	snop  }
0x5: {  	_ = 	snop  }
0x6: {  	_ = 	snop  }
0x7: {  	_ = 	snop  }
__scs_overlays_trampoline_lowered:
0x8: {  	[smem:$0x3FAC] =	sst s0  }
0x9: {  	[smem:$0x3FAD] =	sst s1  }
0xa: {  	[smem:$0x3FAE] =	sst s2  }
0xb: {  	[smem:$0x3FAF] =	sst s3  }
0xc: {  	[smem:$0x3FB0] =	sst s4  }
0xd: {  	[smem:$0x3FB1] =	sst s5  }
0xe: {  	[smem:$0x3FB2] =	sst s6  }
0xf: {  	[smem:$0x3FB3] =	sst s7  }
0x10: {  	[smem:$0x3FB4] =	sst s8  }
0x11: {  	[smem:$0x3FB5] =	sst s9;
	s0 =	simm.s32 @!p0 $0x0  }
0x12: {  	s1 =	sld [smem:$0x3F9B];
	s0 =	simm.s32 @p0 $0x1  }
0x13: {  	[smem:$0x3FB6] =	sst s0;
	s0 =	simm.s32 @!p1 $0x0  }
0x14: {  	s2 =	sld [smem:$0x3F9A];
	s0 =	simm.s32 @p1 $0x1  }
0x15: {  	[smem:$0x3FB7] =	sst s0;
	s0 =	simm.s32 @!p2 $0x0  }
0x16: {  	s3 =	sld [smem:$0x3FDB];
	s0 =	simm.s32 @p2 $0x1  }
0x17: {  	s4 =	simm.s32 $0x1BF5;
	[smem:$0x3FB9] =	sst s0  }
0x18: {  	s0 =	sld [smem:$0x3F9C];
	_ =	swait.ge [sflag:s4], $0x0  }
0x19: {  	s7 =	sld [smem:$0x3F9D]  }
0x1a: {  	s8 =	sadd.s32 $0xFFFFE003, lr  }
0x1b: {  	s9 =	sadd.s32 $0xFFFFFEF7, lr;
	s5 =	simm.s32 $0xFFFFFFFF;
	p2 =	slt.u32 s8, $0xFFFFF086  }
0x1c: {  	p1 =	slt.u32 s9, $0xF7A;
	s5 =	simm.s32 @!p2 $0x0  }
0x1d: {  	s5 =	simm.s32 @p1 $0x1;
	p0 =	seq.s32 s7, s2  }
0x1e: {  	s7 =	smul.u32 @!p0 $0xF7A, s2;
	p2 =	seq.s32 @!p0 s5, $0x0  }
0x1f: {  	s9 =	smul.u32 $0xF7A, s1;
	s8 =	simm.s32 @!p0 $0x1BF5;
	p2 =	por !p2, p0  }
0x20: {  	[sflag:s8] =	ssyncset.s32 @!p0 $0xFFFFF086;
	s6 =	sadd.s32 @!p0 s3, s7;
	s7 =	simm.s32 @!p0 $0x108  }
0x21: {  	s3 =	sadd.s32 s3, s9;
	s6 =	sadd.s32 @!p0 $0x88, s6;
	s7 =	simm.s32 @p2 $0x1082  }
0x22: {  	[simem:s7], [sflag:s8] =	dma.local @!p0 [hbm:s6], $0xF7A  }
0x23: {  	s9 =	sor.u32 $0xD0000000, s2;
	s6 =	simm.s32 $0x108;
	_ =	swait.ge @!p0 [sflag:s8], $0x0  }
0x24: {  	s3 =	sadd.s32 $0x88, s3;
	s6 =	simm.s32 @!p1 $0x1082;
	[sflag:s4] =	ssyncset.s32 $0xFFFFF086  }
0x25: {  	[simem:s6], [sflag:s4] =	dma.local [hbm:s3], $0xF7A  }
0x26: {  	[smem:$0x3F9D] =	sst s1;
	(tag) =	ssettag s2;
	_ =	strace s9  }
0x27: {  	s1 =	sld [smem:$0x3FAD]  }
0x28: {  	s2 =	sld [smem:$0x3FAE]  }
0x29: {  	s4 =	sld [smem:$0x3FB0]  }
0x2a: {  	p0 =	seq.s32 s5, $0x0;
	s5 =	sld [smem:$0x3FB1]  }
0x2b: {  	s6 =	sld [smem:$0x3FB2]  }
0x2c: {  	s7 =	sld [smem:$0x3FB3]  }
0x2d: {  	s3 =	simm.s32 $0x108;
	s8 =	sld [smem:$0x3FB4]  }
0x2e: {  	s3 =	simm.s32 @!p0 $0x1082;
	s9 =	sld [smem:$0x3FB5]  }
0x2f: {  	lr =	sadd.s32 s0, s3;
	s0 =	sld [smem:$0x3FAC]  }
0x30: {  	s3 =	sld [smem:$0x3FAF]  }
0x31: {  	[smem:$0x3FB8] =	sst s10  }
0x32: {  	s10 =	sld [smem:$0x3FB6];
	_ =	sdelay $0x3  }
0x33: {  	p0 =	seq.s32 s10, $0x1;
	s10 =	sld [smem:$0x3FB8];
	_ =	sdelay $0x3  }
0x34: {  	[smem:$0x3FB8] =	sst s10  }
0x35: {  	s10 =	sld [smem:$0x3FB7];
	_ =	sdelay $0x3  }
0x36: {  	p1 =	seq.s32 s10, $0x1;
	s10 =	sld [smem:$0x3FB8];
	_ =	sdelay $0x3  }
0x37: {  	[smem:$0x3FB8] =	sst s10  }
0x38: {  	s10 =	sld [smem:$0x3FB9]  }
0x39: {  	_ = 	snop;
	(pc) =	sbr.ind lr, $3  }
0x3a: {  	_ = 	snop  }
0x3b: {  	_ = 	snop  }
0x3c: {  	p2 =	seq.s32 s10, $0x1;
	s10 =	sld [smem:$0x3FB8]  }
0x3d: {  	_ =	shalt  }
0x3e: {  	_ =	shalt  }
0x3f: {  	_ =	shalt  }
0x40: {  	_ =	shalt  }
0x41: {  	_ =	shalt  }
0x42: {  	_ =	shalt  }
0x43: {  	_ =	shalt  }
0x44: {  	_ =	shalt  }
0x45: {  	_ =	shalt  }
0x46: {  	_ =	shalt  }
0x47: {  	_ =	shalt  }
0x48: {  	_ =	shalt  }
0x49: {  	_ =	shalt  }
0x4a: {  	_ =	shalt  }
0x4b: {  	_ =	shalt  }
0x4c: {  	_ =	shalt  }
0x4d: {  	_ =	shalt  }
0x4e: {  	_ =	shalt  }
0x4f: {  	_ =	shalt  }
0x50: {  	_ =	shalt  }
0x51: {  	_ =	shalt  }
0x52: {  	_ =	shalt  }
0x53: {  	_ =	shalt  }
0x54: {  	_ =	shalt  }
0x55: {  	_ =	shalt  }
0x56: {  	_ =	shalt  }
0x57: {  	_ =	shalt  }
0x58: {  	_ =	shalt  }
0x59: {  	_ =	shalt  }
0x5a: {  	_ =	shalt  }
0x5b: {  	_ =	shalt  }
0x5c: {  	_ =	shalt  }
0x5d: {  	_ =	shalt  }
0x5e: {  	_ =	shalt  }
0x5f: {  	_ =	shalt  }
0x60: {  	_ =	shalt  }
0x61: {  	_ =	shalt  }
0x62: {  	_ =	shalt  }
0x63: {  	_ =	shalt  }
0x64: {  	_ =	shalt  }
0x65: {  	_ =	shalt  }
0x66: {  	_ =	shalt  }
0x67: {  	_ =	shalt  }
0x68: {  	_ =	shalt  }
0x69: {  	_ =	shalt  }
0x6a: {  	_ =	shalt  }
0x6b: {  	_ =	shalt  }
0x6c: {  	_ =	shalt  }
0x6d: {  	_ =	shalt  }
0x6e: {  	_ =	shalt  }
0x6f: {  	_ =	shalt  }
0x70: {  	_ =	shalt  }
0x71: {  	_ =	shalt  }
0x72: {  	_ =	shalt  }
0x73: {  	_ =	shalt  }
0x74: {  	_ =	shalt  }
0x75: {  	_ =	shalt  }
0x76: {  	_ =	shalt  }
0x77: {  	_ =	shalt  }
0x78: {  	_ =	shalt  }
0x79: {  	_ =	shalt  }
0x7a: {  	_ =	shalt  }
0x7b: {  	_ =	shalt  }
0x7c: {  	_ =	shalt  }
0x7d: {  	_ =	shalt  }
0x7e: {  	_ =	shalt  }
0x7f: {  	_ =	shalt  }
0x80: {  	_ =	shalt  }
0x81: {  	_ =	shalt  }
0x82: {  	_ =	shalt  }
0x83: {  	_ =	shalt  }
0x84: {  	_ =	shalt  }
0x85: {  	_ =	shalt  }
0x86: {  	_ =	shalt  }
0x87: {  	_ =	shalt  }
.Lfunc_end0:
.L_simem_size_0:
called_computation_lowered:
.L_overlay_start_0:
0x88: {  	s2 =	sld [smem:$0x3FD9]  }
0x89: {  	s3 =	sld [smem:$0x3FFE];
	_ =	sdelay $0x1  }
0x8a: {  	s1 =	srdreg.scid  }
0x8b: {  	s0 =	sand.u32 $0x1, s1  }
0x8c: {  	s17 =	sshll.u32 s0, $0xA;
	s2 =	sadd.s32 s3, s2  }
0x8d: {  	s2 =	sadd.s32 s2, s17  }
0x8e: {  	[smem:$0x3FC4] =	sst s2  }
0x8f: {  	_ = 	snop  }
0x90: {  	s2 =	sld [smem:$0x3FD0];
	(tm) =	ssettm $0x1  }
0x91: {  	s18 =	sld [smem:$0x3FFB];
	_ =	sdelay $0x3  }
0x92: {  	_ =	strace s18  }
0x93: {  	s3 =	sld [smem:$0x3FFC];
	_ =	sdelay $0x3  }
0x94: {  	_ =	strace s3  }
0x95: {  	s3 =	sld [smem:$0x3FFD];
	_ =	sdelay $0x3  }
0x96: {  	_ =	strace s3  }
0x97: {  	_ =	strace $0x8FFFFFFF  }
0x98: {  	s19 =	sld [smem:$0x3FDB];
	_ =	sdelay $0x1  }
0x99: {  	s4 =	simm.s32 $_scs_section_size  }
0x9a: {  	s5 =	simm.s32 $_size__tile_overlayer_lowered;
	s6 =	simm.s32 $_tile_overlayer_lowered  }
0x9b: {  	s22 =	simm.s32 $0x1BFF;
	s21 =	sshll.u32 s6, $0x1;
	s3 =	sadd.s32 s4, s19  }
0x9c: {  	s7 =	simm.s32 $0x0;
	s20 =	sshll.u32 s5, $0x1;
	s5 =	sadd.s32 s21, s3  }
0x9d: {  	[timem:s7], [sflag:s22] =	dma.local [hbm:s5], s20  }
0x9e: {  	_ =	swait.ge [sflag:s22], s20  }
0x9f: {  	s4 =	ssub.s32 $0x0, s20;
	[sflag:s22] =	ssyncset.done $0x0  }
0xa0: {  	[sflag:s22] =	ssyncadd.s32 s4;
	_ =	sdelay $0x1  }
0xa1: {  	s23 =	simm.s32 $0x1B8B  }
0xa2: {  	_ =	swait.ge [sflag:s23], $0x1  }
0xa3: {  	[sflag:s23] =	ssyncset.done $0x0  }
0xa4: {  	s25 =	simm.s32 $0x1B8E;
	s24 =	sld [smem:$0x3FFE];
	[sflag:s23] =	ssyncadd.s32 $0xFFFFFFFF  }
0xa5: {  	s26 =	simm.s32 $execute0_lowered;
	[smem:$0x3FD2] =	sst s25  }
0xa6: {  	s5 =	sshll.u32 s26, $0x1;
	_ =	strace $0x80000046;
	[dreg:$0x1] =	wrdreg $0xFFFFFFFF  }
0xa7: {  	s28 =	simm.s32 $_size_execute0_lowered;
	s3 =	sadd.s32 s3, s5;
	[dreg:$0x0] =	wrdreg $0x0  }
0xa8: {  	s5 =	sshll.u32 s28, $0x1;
	[dreg:$0x2] =	wrdreg s3  }
0xa9: {  	[dreg:$0x3] =	wrdreg s5  }
0xaa: {  	[dreg:$0x4] =	wrdreg $0xC0  }
0xab: {  	_ =	task [dreg:s7], $0x5FFFF  }
0xac: {  	[dreg:$0x1] =	wrdreg $0xFFFFFFFF  }
0xad: {  	[dreg:$0x0] =	wrdreg $0x60  }
0xae: {  	[dreg:$0x2] =	wrdreg s2  }
0xaf: {  	[dreg:$0x3] =	wrdreg s24  }
0xb0: {  	[dreg:$0x4] =	wrdreg $0x2F000  }
0xb1: {  	[dreg:$0x5] =	wrdreg $0x9  }
0xb2: {  	_ =	task.clear_ibuf [dreg:s7], $0x6FFFF;
	_ =	strace $0x90000046  }
0xb3: {  	s29 =	simm.s32 $0x9;
	_ =	strace $0x80000048  }
0xb4: {  	_ =	swait.ge [sflag:s29], $0x1  }
0xb5: {  	[sflag:s29] =	ssyncadd.s32 $0xFFFFFFFF  }
0xb6: {  	_ =	strace $0x90000048  }
0xb7: {  	_ =	sfence  }
0xb8: {  	s30 =	sld [smem:$0x0];
	_ =	sdelay $0x2  }
0xb9: {  	s31 =	sshll.u32 s1, $0xD;
	s1 =	sshrl.u32 s1, $0x2  }
0xba: {  	s3 =	sand.u32 $0x4000, s31;
	s1 =	sadd.s32 s1, s30  }
0xbb: {  	s0 =	sor.u32 s3, s0;
	s1 =	sshll.u32 s1, $0x11  }
0xbc: {  	s0 =	sor.u32 s1, s0  }
0xbd: {  	s0 =	sadd.s32 $0x8F2B, s0  }
0xbe: {  	[sflag:s0] =	ssyncadd.remote.s32 $0x1  }
0xbf: {  	_ =	sfence.sel $0xFFFF  }
0xc0: {  	[dreg:$0x0] =	wrdreg $0xFFFFFFFF;
	(pc) =	sbr.abs _section_cstart, $3  }
0xc1: {  	[dreg:$0x1] =	wrdreg $0xFFFFFFFF  }
0xc2: {  	_ =	task.clear_ibuf [dreg:s7], $0x2FFFF;
	_ =	strace $0x9FFFFFFF  }
0xc3: {  	(tm) =	ssettm $0x7FFFFFFF  }
tec
execute0_lowered:
.L_overlay_start_1:
0x0: {  	(tag) =	ssettag $0x1  }
0x1: {  	s5 =	rddreg [dreg:$0x0]  }
0x2: {  	s6 =	rddreg [dreg:$0x1]  }
0x3: {  	s1 =	rddreg [dreg:$0x2]  }
0x4: {  	s0 =	rddreg [dreg:$0x3];
	s2 =	simm.s32 $0x0  }
0x5: {  	s3 =	srdreg.scid;
	s11 =	simm.s32 $0xDA00;
	s12 =	simm.s32 $0x1  }
0x6: {  	s13 =	simm.s32 $0x0;
	[smem:$0x7FF] =	sst s2;
	s4 =	sand.u32 $0x1, s3  }
0x7: {  	s3 =	stileid.u32;
	_ =	strace $0x80000047;
	s7 =	ssub.s32 $0x2, s4  }
0x8: {  	s9 =	smul.u32 $0x278, s3;
	s10 =	sshll.u32 s4, $0x4;
	p0 =	seq.s32 s4, $0x1  }
0x9: {  	s8 =	sshrl.u32 s7, $0x1;
	s10 =	sor.u32 s3, s10;
	s11 =	simm.s32 @!p0 $0xE000  }
0xa: {  	s7 =	ssub.s32 s7, s8;
	s30 =	smul.u32 $0x580, s10;
	s4 =	sadd.s32 s9, s1  }
0xb: {  	s9 =	sshrl.u32 s9, $0x3;
	s31 =	sadd.s32 s11, s6;
	s8 =	simm.s32 $0x2C80  }
0xc: {  	s10 =	simm.s32 $0x80;
	s11 =	simm.s32 $0x2C00;
	s6 =	smax.u32 s7, $0x1  }
0xd: {  	v0 =	vimm.f32 $0.0e+00;
	v1 =	vimm.f32 $1.000000000e+00;
	s7 =	sadd.s32 s31, s9;
	s9 =	simm.s32 $0x2;
	s5 =	sadd.s32 s5, s30  }
.LBB2_1:
0xe: {  	[tilespmem:$0x2C80] =	vst v0  }
0xf: {  	[tilespmem:$0x2C90] =	vst v0  }
0x10: {  	[tilespmem:$0x2CA0] =	vst v0  }
0x11: {  	[tilespmem:$0x2CB0] =	vst v0  }
0x12: {  	[tilespmem:$0x2CC0] =	vst v0  }
0x13: {  	[tilespmem:$0x2CD0] =	vst v0  }
0x14: {  	[tilespmem:$0x2CE0] =	vst v0  }
0x15: {  	[tilespmem:$0x2CF0] =	vst v0  }
0x16: {  	[tilespmem:$0x2D00] =	vst v0  }
0x17: {  	[tilespmem:$0x2D10] =	vst v0  }
0x18: {  	[tilespmem:$0x2D20] =	vst v0  }
0x19: {  	[tilespmem:$0x2D30] =	vst v0  }
0x1a: {  	[tilespmem:$0x2D40] =	vst v0  }
0x1b: {  	[tilespmem:$0x2D50] =	vst v0  }
0x1c: {  	[tilespmem:$0x2D60] =	vst v0  }
0x1d: {  	[tilespmem:$0x2D70] =	vst v0  }
0x1e: {  	[tilespmem:$0x2D80] =	vst v0  }
0x1f: {  	[tilespmem:$0x2D90] =	vst v0  }
0x20: {  	[tilespmem:$0x2DA0] =	vst v0  }
0x21: {  	[tilespmem:$0x2DB0] =	vst v0  }
0x22: {  	[tilespmem:$0x2DC0] =	vst v0  }
0x23: {  	[tilespmem:$0x2DD0] =	vst v0  }
0x24: {  	[tilespmem:$0x2DE0] =	vst v0  }
0x25: {  	[tilespmem:$0x2DF0] =	vst v0  }
0x26: {  	[tilespmem:$0x2E00] =	vst v0  }
0x27: {  	[tilespmem:$0x2E10] =	vst v0  }
0x28: {  	[tilespmem:$0x2E20] =	vst v0  }
0x29: {  	[tilespmem:$0x2E30] =	vst v0  }
0x2a: {  	[tilespmem:$0x2E40] =	vst v0  }
0x2b: {  	[tilespmem:$0x2E50] =	vst v0  }
0x2c: {  	[tilespmem:$0x2E60] =	vst v0  }
0x2d: {  	[tilespmem:$0x2E70] =	vst v0  }
0x2e: {  	[tilespmem:$0x2E80] =	vst v0  }
0x2f: {  	[tilespmem:$0x2E90] =	vst v0  }
0x30: {  	[tilespmem:$0x2EA0] =	vst v0  }
0x31: {  	[tilespmem:$0x2EB0] =	vst v0  }
0x32: {  	[tilespmem:$0x2EC0] =	vst v0  }
0x33: {  	[tilespmem:$0x2ED0] =	vst v0  }
0x34: {  	[tilespmem:$0x2EE0] =	vst v0  }
0x35: {  	[tilespmem:$0x2EF0] =	vst v0  }
0x36: {  	[tilespmem:$0x2C00] =	vst v1  }
0x37: {  	[tilespmem:$0x2C10] =	vst v1  }
0x38: {  	[tilespmem:$0x2C20] =	vst v1  }
0x39: {  	[tilespmem:$0x2C30] =	vst v1  }
0x3a: {  	[tilespmem:$0x2C40] =	vst v1  }
0x3b: {  	[tilespmem:$0x2C50] =	vst v1  }
0x3c: {  	[tilespmem:$0x2C60] =	vst v1  }
0x3d: {  	[tilespmem:$0x2C70] =	vst v1  }
0x3e: {  	[spmem:s4] =	stream.linear.scatter [tilespmem:s8], [sflag:$0x2], $0x278, $0x38;
	[tilespmem:$0x3178] =	vst v63  }
0x3f: {  	_ =	swait.ge [sflag:s9], $0x278  }
0x40: {  	[sflag:s9] =	ssyncset.done $0x0  }
0x41: {  	[sflag:s9] =	ssyncadd.s32 $0xFFFFFD88  }
0x42: {  	[tilespmem:s2], [sflag:$0x2] =	stream.linear.gather [hbm4b:s5+s2], $0x2A00, $0x38;
	[tilespmem:$0x3178] =	vst v63  }
0x43: {  	_ =	swait.ge [sflag:s9], $0x2A00  }
0x44: {  	[sflag:s9] =	ssyncset.done $0x0  }
0x45: {  	[sflag:s9] =	ssyncadd.s32 $0xFFFFD600  }
0x46: {  	s14 =	simm.s32 $0x0;
	[bflag:$0x0] =	sbarrier.arrive $0xFFFF  }
.LBB2_2:
0x47: {  	p0 =	sne.s32 s14, $0xA600  }
.Ltmp0:
0x48: {  	_ = 	snop;
	(pc) =	sbr.rel @p0 .LBB2_2-.Ltmp0, $3  }
0x49: {  	_ =	sdelay $0x1  }
0x4a: {  	s15 =	sshra.s32 s14, $0x2;
	s14 =	sadd.s32 $0x200, s14  }
0x4b: {  	[spmem:s1] =	stream.indirect.scatter.add.f32 [tilespmem:s11], [sflag:$0x1], $0x1, s15, s10, $0xb8;
	[tilespmem:$0x3178] =	vst v63  }
0x4c: {  	_ =	swait.ge [sflag:s12], $0x80  }
0x4d: {  	s14 =	simm.s32 $0x53;
	[sflag:s12] =	ssyncset.done $0x0  }
.LBB2_4:
0x4e: {  	p0 =	sne.s32 s14, $0x1;
	s14 =	sadd.s32 $0xFFFFFFFF, s14;
	[sflag:s12] =	ssyncadd.s32 $0xFFFFFF80  }
.Ltmp1:
0x4f: {  	(pc) =	sbr.rel @p0 .LBB2_4-.Ltmp1, $3  }
0x50: {  	_ =	sdelay $0x1  }
0x51: {  	_ =	swait.ge [sflag:s12], $0x80  }
0x52: {  	[sflag:s12] =	ssyncset.done $0x0  }
0x53: {  	[sflag:s12] =	ssyncadd.s32 $0xFFFFFF80  }
0x54: {  	[bflag:$0x0] =	sbarrier.arrive $0xFFFF  }
0x55: {  	[tilespmem:s8], [sflag:$0x2] =	stream.linear.gather [spmem:s4], $0x278, $0x38;
	[tilespmem:$0x3178] =	vst v63  }
0x56: {  	s13 =	sadd.s32 $0x1, s13;
	_ =	swait.ge [sflag:s9], $0x278  }
0x57: {  	p0 =	sne.s32 s13, s6;
	[sflag:s9] =	ssyncset.done $0x0  }
.Ltmp2:
0x58: {  	[sflag:s9] =	ssyncadd.s32 $0xFFFFFD88;
	(pc) =	sbr.rel @p0 .LBB2_1-.Ltmp2, $4  }
0x59: {  	[hbm4b:s7+s2] =	stream.linear.scatter [tilespmem:s8], [sflag:$0x2], $0x278, $0x38;
	[tilespmem:$0x3178] =	vst v63  }
0x5a: {  	_ =	swait.ge [sflag:s9], $0x278  }
0x5b: {  	[sflag:s9] =	ssyncset.done $0x0  }
0x5c: {  	[sflag:s9] =	ssyncadd.s32 $0xFFFFFD88  }
0x5d: {  	_ =	sfence.sel $0x180000  }
0x5e: {  	[bflag:$0x0] =	sbarrier.arrive $0xFFFF  }
0x5f: {  	p0 =	sne.s32 s3, $0x0;
	_ =	strace $0x90000047  }
0x60: {  	s0 =	sadd.s32 @!p0 $0x100000, s0;
	[bflag:$0x2] =	sbarrier.arrive $0xFFFF  }
0x61: {  	[sflag:s0] =	ssyncadd.tile.s32 @!p0 $0x1;
	_ =	shalt  }
.Lfunc_end2:
_tile_overlayer_lowered:
.L_overlay_start_2:
0x62: {  	(tag) =	ssettag $0x2  }
0x63: {  	s0 =	rddreg [dreg:$0x0];
	s2 =	stileid.u32  }
0x64: {  	s1 =	rddreg [dreg:$0x1];
	p0 =	sne.s32 s2, $0x0  }
0x65: {  	s3 =	rddreg [dreg:$0x2];
	[bflag:$0x3] =	sbarrier.arrive $0xFFFF;
	s2 =	simm.s32 @!p0 $0x1C02  }
0x66: {  	[timem:s3], [sflag:s2] =	dma.local @!p0 [hbm:s0], s1  }
0x67: {  	s0 =	simm.s32 @!p0 $0x2  }
0x68: {  	_ =	swait.ge @!p0 [sflag:s0], s1  }
0x69: {  	s1 =	ssub.s32 @!p0 $0x0, s1;
	[sflag:s0] =	ssyncset.done @!p0 $0x0  }
0x6a: {  	[sflag:s0] =	ssyncadd.s32 @!p0 s1  }
0x6b: {  	[bflag:$0x3] =	sbarrier.arrive $0xFFFF  }
0x6c: {  	_ =	shalt  }

// kernel: kernel.9.cloned.1.call-start
scs
__scs_entry_jumppad:
0x0: {  	(pc) =	sbr.rel $0x88, $3  }
0x1: {  	(tag) =	ssettag $0x0;
	lr =	simm.s32 $0x1  }
0x2: {  	[smem:$0x3F9D] =	sst lr;
	_ =	strace $0xD0000000  }
0x3: {  	_ = 	snop  }
0x4: {  	_ = 	snop  }
0x5: {  	_ = 	snop  }
0x6: {  	_ = 	snop  }
0x7: {  	_ = 	snop  }
__scs_overlays_trampoline_lowered:
0x8: {  	[smem:$0x3FAC] =	sst s0  }
0x9: {  	[smem:$0x3FAD] =	sst s1  }
0xa: {  	[smem:$0x3FAE] =	sst s2  }
0xb: {  	[smem:$0x3FAF] =	sst s3  }
0xc: {  	[smem:$0x3FB0] =	sst s4  }
0xd: {  	[smem:$0x3FB1] =	sst s5  }
0xe: {  	[smem:$0x3FB2] =	sst s6  }
0xf: {  	[smem:$0x3FB3] =	sst s7  }
0x10: {  	[smem:$0x3FB4] =	sst s8  }
0x11: {  	[smem:$0x3FB5] =	sst s9;
	s0 =	simm.s32 @!p0 $0x0  }
0x12: {  	s1 =	sld [smem:$0x3F9B];
	s0 =	simm.s32 @p0 $0x1  }
0x13: {  	[smem:$0x3FB6] =	sst s0;
	s0 =	simm.s32 @!p1 $0x0  }
0x14: {  	s2 =	sld [smem:$0x3F9A];
	s0 =	simm.s32 @p1 $0x1  }
0x15: {  	[smem:$0x3FB7] =	sst s0;
	s0 =	simm.s32 @!p2 $0x0  }
0x16: {  	s3 =	sld [smem:$0x3FDB];
	s0 =	simm.s32 @p2 $0x1  }
0x17: {  	s4 =	simm.s32 $0x1BF5;
	[smem:$0x3FB9] =	sst s0  }
0x18: {  	s0 =	sld [smem:$0x3F9C];
	_ =	swait.ge [sflag:s4], $0x0  }
0x19: {  	s7 =	sld [smem:$0x3F9D]  }
0x1a: {  	s8 =	sadd.s32 $0xFFFFE003, lr  }
0x1b: {  	s9 =	sadd.s32 $0xFFFFFEF7, lr;
	s5 =	simm.s32 $0xFFFFFFFF;
	p2 =	slt.u32 s8, $0xFFFFF086  }
0x1c: {  	p1 =	slt.u32 s9, $0xF7A;
	s5 =	simm.s32 @!p2 $0x0  }
0x1d: {  	s5 =	simm.s32 @p1 $0x1;
	p0 =	seq.s32 s7, s2  }
0x1e: {  	s7 =	smul.u32 @!p0 $0xF7A, s2;
	p2 =	seq.s32 @!p0 s5, $0x0  }
0x1f: {  	s9 =	smul.u32 $0xF7A, s1;
	s8 =	simm.s32 @!p0 $0x1BF5;
	p2 =	por !p2, p0  }
0x20: {  	[sflag:s8] =	ssyncset.s32 @!p0 $0xFFFFF086;
	s6 =	sadd.s32 @!p0 s3, s7;
	s7 =	simm.s32 @!p0 $0x108  }
0x21: {  	s3 =	sadd.s32 s3, s9;
	s6 =	sadd.s32 @!p0 $0x88, s6;
	s7 =	simm.s32 @p2 $0x1082  }
0x22: {  	[simem:s7], [sflag:s8] =	dma.local @!p0 [hbm:s6], $0xF7A  }
0x23: {  	s9 =	sor.u32 $0xD0000000, s2;
	s6 =	simm.s32 $0x108;
	_ =	swait.ge @!p0 [sflag:s8], $0x0  }
0x24: {  	s3 =	sadd.s32 $0x88, s3;
	s6 =	simm.s32 @!p1 $0x1082;
	[sflag:s4] =	ssyncset.s32 $0xFFFFF086  }
0x25: {  	[simem:s6], [sflag:s4] =	dma.local [hbm:s3], $0xF7A  }
0x26: {  	[smem:$0x3F9D] =	sst s1;
	(tag) =	ssettag s2;
	_ =	strace s9  }
0x27: {  	s1 =	sld [smem:$0x3FAD]  }
0x28: {  	s2 =	sld [smem:$0x3FAE]  }
0x29: {  	s4 =	sld [smem:$0x3FB0]  }
0x2a: {  	p0 =	seq.s32 s5, $0x0;
	s5 =	sld [smem:$0x3FB1]  }
0x2b: {  	s6 =	sld [smem:$0x3FB2]  }
0x2c: {  	s7 =	sld [smem:$0x3FB3]  }
0x2d: {  	s3 =	simm.s32 $0x108;
	s8 =	sld [smem:$0x3FB4]  }
0x2e: {  	s3 =	simm.s32 @!p0 $0x1082;
	s9 =	sld [smem:$0x3FB5]  }
0x2f: {  	lr =	sadd.s32 s0, s3;
	s0 =	sld [smem:$0x3FAC]  }
0x30: {  	s3 =	sld [smem:$0x3FAF]  }
0x31: {  	[smem:$0x3FB8] =	sst s10  }
0x32: {  	s10 =	sld [smem:$0x3FB6];
	_ =	sdelay $0x3  }
0x33: {  	p0 =	seq.s32 s10, $0x1;
	s10 =	sld [smem:$0x3FB8];
	_ =	sdelay $0x3  }
0x34: {  	[smem:$0x3FB8] =	sst s10  }
0x35: {  	s10 =	sld [smem:$0x3FB7];
	_ =	sdelay $0x3  }
0x36: {  	p1 =	seq.s32 s10, $0x1;
	s10 =	sld [smem:$0x3FB8];
	_ =	sdelay $0x3  }
0x37: {  	[smem:$0x3FB8] =	sst s10  }
0x38: {  	s10 =	sld [smem:$0x3FB9]  }
0x39: {  	_ = 	snop;
	(pc) =	sbr.ind lr, $3  }
0x3a: {  	_ = 	snop  }
0x3b: {  	_ = 	snop  }
0x3c: {  	p2 =	seq.s32 s10, $0x1;
	s10 =	sld [smem:$0x3FB8]  }
0x3d: {  	_ =	shalt  }
0x3e: {  	_ =	shalt  }
0x3f: {  	_ =	shalt  }
0x40: {  	_ =	shalt  }
0x41: {  	_ =	shalt  }
0x42: {  	_ =	shalt  }
0x43: {  	_ =	shalt  }
0x44: {  	_ =	shalt  }
0x45: {  	_ =	shalt  }
0x46: {  	_ =	shalt  }
0x47: {  	_ =	shalt  }
0x48: {  	_ =	shalt  }
0x49: {  	_ =	shalt  }
0x4a: {  	_ =	shalt  }
0x4b: {  	_ =	shalt  }
0x4c: {  	_ =	shalt  }
0x4d: {  	_ =	shalt  }
0x4e: {  	_ =	shalt  }
0x4f: {  	_ =	shalt  }
0x50: {  	_ =	shalt  }
0x51: {  	_ =	shalt  }
0x52: {  	_ =	shalt  }
0x53: {  	_ =	shalt  }
0x54: {  	_ =	shalt  }
0x55: {  	_ =	shalt  }
0x56: {  	_ =	shalt  }
0x57: {  	_ =	shalt  }
0x58: {  	_ =	shalt  }
0x59: {  	_ =	shalt  }
0x5a: {  	_ =	shalt  }
0x5b: {  	_ =	shalt  }
0x5c: {  	_ =	shalt  }
0x5d: {  	_ =	shalt  }
0x5e: {  	_ =	shalt  }
0x5f: {  	_ =	shalt  }
0x60: {  	_ =	shalt  }
0x61: {  	_ =	shalt  }
0x62: {  	_ =	shalt  }
0x63: {  	_ =	shalt  }
0x64: {  	_ =	shalt  }
0x65: {  	_ =	shalt  }
0x66: {  	_ =	shalt  }
0x67: {  	_ =	shalt  }
0x68: {  	_ =	shalt  }
0x69: {  	_ =	shalt  }
0x6a: {  	_ =	shalt  }
0x6b: {  	_ =	shalt  }
0x6c: {  	_ =	shalt  }
0x6d: {  	_ =	shalt  }
0x6e: {  	_ =	shalt  }
0x6f: {  	_ =	shalt  }
0x70: {  	_ =	shalt  }
0x71: {  	_ =	shalt  }
0x72: {  	_ =	shalt  }
0x73: {  	_ =	shalt  }
0x74: {  	_ =	shalt  }
0x75: {  	_ =	shalt  }
0x76: {  	_ =	shalt  }
0x77: {  	_ =	shalt  }
0x78: {  	_ =	shalt  }
0x79: {  	_ =	shalt  }
0x7a: {  	_ =	shalt  }
0x7b: {  	_ =	shalt  }
0x7c: {  	_ =	shalt  }
0x7d: {  	_ =	shalt  }
0x7e: {  	_ =	shalt  }
0x7f: {  	_ =	shalt  }
0x80: {  	_ =	shalt  }
0x81: {  	_ =	shalt  }
0x82: {  	_ =	shalt  }
0x83: {  	_ =	shalt  }
0x84: {  	_ =	shalt  }
0x85: {  	_ =	shalt  }
0x86: {  	_ =	shalt  }
0x87: {  	_ =	shalt  }
.Lfunc_end0:
.L_simem_size_0:
called_computation.1_lowered:
.L_overlay_start_0:
0x88: {  	s2 =	sld [smem:$0x3FD9]  }
0x89: {  	s3 =	sld [smem:$0x3FFE];
	_ =	sdelay $0x1  }
0x8a: {  	s1 =	srdreg.scid  }
0x8b: {  	s0 =	sand.u32 $0x1, s1  }
0x8c: {  	s17 =	sshll.u32 s0, $0xA;
	s2 =	sadd.s32 s3, s2  }
0x8d: {  	s2 =	sadd.s32 s2, s17  }
0x8e: {  	[smem:$0x3FC4] =	sst s2  }
0x8f: {  	_ = 	snop  }
0x90: {  	s2 =	sld [smem:$0x3FD0];
	(tm) =	ssettm $0x1  }
0x91: {  	s18 =	sld [smem:$0x3FFB];
	_ =	sdelay $0x3  }
0x92: {  	_ =	strace s18  }
0x93: {  	s3 =	sld [smem:$0x3FFC];
	_ =	sdelay $0x3  }
0x94: {  	_ =	strace s3  }
0x95: {  	s3 =	sld [smem:$0x3FFD];
	_ =	sdelay $0x3  }
0x96: {  	_ =	strace s3  }
0x97: {  	_ =	strace $0x8FFFFFFF  }
0x98: {  	s19 =	sld [smem:$0x3FDB];
	_ =	sdelay $0x1  }
0x99: {  	s4 =	simm.s32 $_scs_section_size  }
0x9a: {  	s5 =	simm.s32 $_size__tile_overlayer_lowered;
	s6 =	simm.s32 $_tile_overlayer_lowered  }
0x9b: {  	s22 =	simm.s32 $0x1BFF;
	s21 =	sshll.u32 s6, $0x1;
	s3 =	sadd.s32 s4, s19  }
0x9c: {  	s7 =	simm.s32 $0x0;
	s20 =	sshll.u32 s5, $0x1;
	s5 =	sadd.s32 s21, s3  }
0x9d: {  	[timem:s7], [sflag:s22] =	dma.local [hbm:s5], s20  }
0x9e: {  	_ =	swait.ge [sflag:s22], s20  }
0x9f: {  	s4 =	ssub.s32 $0x0, s20;
	[sflag:s22] =	ssyncset.done $0x0  }
0xa0: {  	[sflag:s22] =	ssyncadd.s32 s4;
	_ =	sdelay $0x1  }
0xa1: {  	s23 =	simm.s32 $0x1B8B  }
0xa2: {  	_ =	swait.ge [sflag:s23], $0x1  }
0xa3: {  	[sflag:s23] =	ssyncset.done $0x0  }
0xa4: {  	s25 =	simm.s32 $0x1B8E;
	s24 =	sld [smem:$0x3FFE];
	[sflag:s23] =	ssyncadd.s32 $0xFFFFFFFF  }
0xa5: {  	s26 =	simm.s32 $execute0_lowered;
	[smem:$0x3FD2] =	sst s25  }
0xa6: {  	s5 =	sshll.u32 s26, $0x1;
	_ =	strace $0x80000049;
	[dreg:$0x1] =	wrdreg $0xFFFFFFFF  }
0xa7: {  	s28 =	simm.s32 $_size_execute0_lowered;
	s3 =	sadd.s32 s3, s5;
	[dreg:$0x0] =	wrdreg $0x0  }
0xa8: {  	s5 =	sshll.u32 s28, $0x1;
	[dreg:$0x2] =	wrdreg s3  }
0xa9: {  	[dreg:$0x3] =	wrdreg s5  }
0xaa: {  	[dreg:$0x4] =	wrdreg $0xC0  }
0xab: {  	_ =	task [dreg:s7], $0x5FFFF  }
0xac: {  	[dreg:$0x1] =	wrdreg $0xFFFFFFFF  }
0xad: {  	[dreg:$0x0] =	wrdreg $0x60  }
0xae: {  	[dreg:$0x2] =	wrdreg s2  }
0xaf: {  	[dreg:$0x3] =	wrdreg s24  }
0xb0: {  	[dreg:$0x4] =	wrdreg $0xC0000  }
0xb1: {  	[dreg:$0x5] =	wrdreg $0x9  }
0xb2: {  	_ =	task.clear_ibuf [dreg:s7], $0x6FFFF;
	_ =	strace $0x90000049  }
0xb3: {  	s29 =	simm.s32 $0x9;
	_ =	strace $0x8000004B  }
0xb4: {  	_ =	swait.ge [sflag:s29], $0x1  }
0xb5: {  	[sflag:s29] =	ssyncadd.s32 $0xFFFFFFFF  }
0xb6: {  	_ =	strace $0x9000004B  }
0xb7: {  	_ =	sfence  }
0xb8: {  	s30 =	sld [smem:$0x0];
	_ =	sdelay $0x2  }
0xb9: {  	s31 =	sshll.u32 s1, $0xD;
	s1 =	sshrl.u32 s1, $0x2  }
0xba: {  	s3 =	sand.u32 $0x4000, s31;
	s1 =	sadd.s32 s1, s30  }
0xbb: {  	s0 =	sor.u32 s3, s0;
	s1 =	sshll.u32 s1, $0x11  }
0xbc: {  	s0 =	sor.u32 s1, s0  }
0xbd: {  	s0 =	sadd.s32 $0x8F2B, s0  }
0xbe: {  	[sflag:s0] =	ssyncadd.remote.s32 $0x1  }
0xbf: {  	_ =	sfence.sel $0xFFFF  }
0xc0: {  	[dreg:$0x0] =	wrdreg $0xFFFFFFFF;
	(pc) =	sbr.abs _section_cstart, $3  }
0xc1: {  	[dreg:$0x1] =	wrdreg $0xFFFFFFFF  }
0xc2: {  	_ =	task.clear_ibuf [dreg:s7], $0x2FFFF;
	_ =	strace $0x9FFFFFFF  }
0xc3: {  	(tm) =	ssettm $0x7FFFFFFF  }
tec
execute0_lowered:
.L_overlay_start_1:
0x0: {  	(tag) =	ssettag $0x1  }
0x1: {  	s0 =	rddreg [dreg:$0x0]  }
0x2: {  	s2 =	rddreg [dreg:$0x1]  }
0x3: {  	s3 =	rddreg [dreg:$0x2];
	s4 =	simm.s32 $0x0  }
0x4: {  	s21 =	simm.s32 $0x80;
	[smem:$0x7FF] =	sst s4  }
0x5: {  	s22 =	simm.s32 $0x100;
	_ =	strace $0x8000004A;
	[dreg:$0x6] =	wrdreg s21  }
0x6: {  	s24 =	simm.s32 $0x180;
	[dreg:$0x7] =	wrdreg s22  }
0x7: {  	s1 =	srdreg.scid;
	s25 =	simm.s32 $0xC80;
	[dreg:$0x8] =	wrdreg s24  }
0x8: {  	s9 =	stileid.u32;
	s26 =	simm.s32 $0x200;
	[dreg:$0x9] =	wrdreg s25  }
0x9: {  	s10 =	simm.s32 $0x280;
	s11 =	simm.s32 $0xD80;
	[dreg:$0xa] =	wrdreg s26  }
0xa: {  	s12 =	simm.s32 $0x300;
	s14 =	simm.s32 $0xE00;
	[dreg:$0xc] =	wrdreg s10  }
0xb: {  	s16 =	simm.s32 $0x380;
	s18 =	simm.s32 $0xE80;
	[dreg:$0xd] =	wrdreg s11  }
0xc: {  	s19 =	simm.s32 $0x400;
	s28 =	simm.s32 $0x6;
	[dreg:$0xe] =	wrdreg s12  }
0xd: {  	s29 =	simm.s32 $0x980;
	s30 =	simm.s32 $0x1480;
	[dreg:$0xf] =	wrdreg s14  }
0xe: {  	s31 =	simm.s32 $0xA00;
	s6 =	smul.u32 $0x600, s9;
	[dreg:$0x10] =	wrdreg s16  }
0xf: {  	s5 =	sand.u32 $0x1, s1;
	s8 =	smul.u32 $0x4F000, s9;
	[dreg:$0x11] =	wrdreg s18  }
0x10: {  	s20 =	smul.u32 $0x13800, s9;
	[dreg:$0x12] =	wrdreg s19;
	s21 =	simm.s32 $0xF00  }
0x11: {  	p0 =	sne.s32 s9, $0x0;
	s22 =	simm.s32 $0x480;
	[dreg:$0x13] =	wrdreg s21  }
0x12: {  	s1 =	smul.u32 $0x6000, s5;
	s24 =	simm.s32 $0x500;
	[dreg:$0x14] =	wrdreg s22  }
0x13: {  	s23 =	ssub.s32 $0x2, s5;
	s26 =	simm.s32 $0x1000;
	[dreg:$0x16] =	wrdreg s24  }
0x14: {  	s5 =	smul.u32 $0x138800, s5;
	s10 =	simm.s32 $0x1080;
	[dreg:$0x17] =	wrdreg s26  }
0x15: {  	s25 =	smul.u32 $0x4E000, s9;
	s11 =	simm.s32 $0x600;
	[dreg:$0x19] =	wrdreg s10  }
0x16: {  	s12 =	simm.s32 $0x1100;
	s14 =	simm.s32 $0x1180;
	[dreg:$0x1a] =	wrdreg s11  }
0x17: {  	s18 =	simm.s32 $0x780;
	s19 =	simm.s32 $0x1280;
	[dreg:$0x1b] =	wrdreg s12  }
0x18: {  	s9 =	simm.s32 $0xB80;
	s7 =	sshrl.u32 s23, $0x1;
	[dreg:$0x1d] =	wrdreg s14  }
0x19: {  	s8 =	sshrl.u32 s8, $0x2;
	s14 =	simm.s32 $0x1800;
	[smem:$0x7F4] =	sst s18  }
0x1a: {  	[smem:$0x7F5] =	sst s19;
	s21 =	simm.s32 $0x1300;
	s18 =	simm.s32 $0x5000  }
0x1b: {  	s22 =	simm.s32 $0x880;
	s19 =	simm.s32 $0x8800;
	[smem:$0x7F7] =	sst s21  }
0x1c: {  	s24 =	simm.s32 $0x900;
	s10 =	simm.s32 $0x1680;
	[smem:$0x7F8] =	sst s22  }
0x1d: {  	s11 =	simm.s32 $0x1700;
	s8 =	sadd.s32 s8, s3;
	[smem:$0x7FA] =	sst s24  }
0x1e: {  	s12 =	simm.s32 $0x1780;
	s13 =	sadd.s32 $0x7000, s8;
	[smem:$0x7EF] =	sst s8  }
0x1f: {  	s1 =	sadd.s32 s1, s2;
	s15 =	sadd.s32 $0xA800, s8;
	[smem:$0x7EC] =	sst s13  }
0x20: {  	s1 =	sadd.s32 s6, s1;
	s17 =	sadd.s32 $0xE000, s8;
	[smem:$0x7ED] =	sst s15  }
0x21: {  	s21 =	simm.s32 $0x4;
	s6 =	sadd.s32 $0xE600, s1;
	[smem:$0x7EE] =	sst s17  }
0x22: {  	s22 =	simm.s32 $0x2;
	s1 =	sadd.s32 $0x1A00, s1;
	[dreg:$0x4] =	wrdreg s6  }
0x23: {  	s24 =	simm.s32 $0x0;
	s13 =	simm.s32 $0x680;
	[dreg:$0x5] =	wrdreg s1  }
0x24: {  	s15 =	simm.s32 $0x700;
	s17 =	simm.s32 $0x1200;
	[dreg:$0x1c] =	wrdreg s13  }
0x25: {  	s1 =	sadd.s32 $0x1A600, s2;
	s6 =	ssub.s32 s23, s7;
	[dreg:$0x1e] =	wrdreg s15  }
0x26: {  	s7 =	simm.s32 $0xD00;
	s23 =	simm.s32 $0xF80;
	[dreg:$0x1f] =	wrdreg s17  }
0x27: {  	s2 =	sadd.s32 $0x138000, s3;
	s15 =	simm.s32 $0x7;
	[dreg:$0xb] =	wrdreg s7  }
0x28: {  	s17 =	simm.s32 $0x70;
	s7 =	sadd.s32 $0x3800, s8;
	[dreg:$0x15] =	wrdreg s23  }
0x29: {  	s8 =	sadd.s32 $0x11800, s8;
	s16 =	smax.u32 s6, $0x1;
	[smem:$0x7EB] =	sst s7  }
0x2a: {  	s23 =	simm.s32 $0x1380;
	s6 =	simm.s32 $0x1580;
	[smem:$0x7F0] =	sst s8  }
0x2b: {  	s7 =	sadd.s32 s20, s5;
	s8 =	sshrl.u32 s25, $0x2;
	[smem:$0x7F3] =	sst s16  }
0x2c: {  	s5 =	sshrl.u32 s5, $0x3;
	s20 =	simm.s32 $0x800;
	[smem:$0x7F9] =	sst s23  }
0x2d: {  	s25 =	simm.s32 $0x1400;
	s7 =	sshrl.u32 s7, $0x3;
	[smem:$0x7F6] =	sst s20  }
0x2e: {  	s16 =	simm.s32 $0xC00;
	[smem:$0x7FB] =	sst s25;
	s7 =	sadd.s32 s1, s7  }
0x2f: {  	s1 =	sadd.s32 s1, s5;
	[smem:$0x7F1] =	sst s7;
	s7 =	simm.s32 $0x580  }
0x30: {  	s23 =	simm.s32 $0x5;
	s1 =	sadd.s32 $0x27000, s1;
	[dreg:$0x18] =	wrdreg s7  }
0x31: {  	s20 =	simm.s32 $0x1;
	s7 =	sadd.s32 s8, s3;
	[smem:$0x7F2] =	sst s1  }
0x32: {  	s1 =	sshrl.u32 @!p0 s2, $0x3;
	s2 =	simm.s32 $0xA80;
	s8 =	simm.s32 $0x1600  }
0x33: {  	s26 =	sshrl.u32 s7, $0x3;
	[smem:$0x7FD] =	sst s1;
	s1 =	simm.s32 $0x1500  }
0x34: {  	v0 =	vimm.f32 $0.0e+00;
	s7 =	simm.s32 $0xB00;
	[smem:$0x7FC] =	sst s26;
	s26 =	simm.s32 $0x3  }
.LBB2_1:
0x35: {  	[smem:$0x7EA] =	sst s24;
	s24 =	simm.s32 $0x0;
	s25 =	simm.s32 $0x200  }
.LBB2_2:
0x36: {  	p1 =	sne.s32 s25, $0xDE00;
	[tilespmem:s24+$0x1870] =	vst v0  }
0x37: {  	[tilespmem:s24+$0x1800] =	vst v0  }
0x38: {  	[tilespmem:s24+$0x1810] =	vst v0  }
.Ltmp0:
0x39: {  	[tilespmem:s24+$0x1820] =	vst v0;
	(pc) =	sbr.rel @p1 .LBB2_2-.Ltmp0, $4  }
0x3a: {  	[tilespmem:s24+$0x1830] =	vst v0  }
0x3b: {  	[tilespmem:s24+$0x1840] =	vst v0  }
0x3c: {  	[tilespmem:s24+$0x1850] =	vst v0  }
0x3d: {  	[tilespmem:s24+$0x1860] =	vst v0;
	s24 =	sshra.s32 s25, $0x2;
	s25 =	sadd.s32 $0x200, s25  }
0x3e: {  	[tilespmem:s24+$0x1870] =	vst v0  }
0x3f: {  	[tilespmem:s24+$0x1800] =	vst v0  }
0x40: {  	[tilespmem:s24+$0x1810] =	vst v0  }
0x41: {  	[tilespmem:s24+$0x1820] =	vst v0  }
0x42: {  	[tilespmem:s24+$0x1830] =	vst v0  }
0x43: {  	[tilespmem:s24+$0x1840] =	vst v0;
	s5 =	sld [smem:$0x7EF]  }
0x44: {  	[tilespmem:s24+$0x1850] =	vst v0  }
0x45: {  	[tilespmem:s24+$0x1860] =	vst v0  }
0x46: {  	[spmem:s5] =	stream.linear.scatter [tilespmem:s14], [sflag:$0x7], $0x3800, $0x38;
	[tilespmem:$0x1FC00] =	vst v63  }
0x47: {  	_ =	swait.ge [sflag:s15], $0x3800  }
0x48: {  	s24 =	sld [smem:$0x7EB]  }
0x49: {  	[sflag:s15] =	ssyncset.done $0x0  }
0x4a: {  	[sflag:s15] =	ssyncadd.s32 $0xFFFFC800  }
0x4b: {  	[spmem:s24] =	stream.linear.scatter [tilespmem:s14], [sflag:$0x7], $0x3800, $0x38;
	[tilespmem:$0x1FC00] =	vst v63  }
0x4c: {  	_ =	swait.ge [sflag:s15], $0x3800  }
0x4d: {  	s25 =	sld [smem:$0x7EC]  }
0x4e: {  	[sflag:s15] =	ssyncset.done $0x0  }
0x4f: {  	[sflag:s15] =	ssyncadd.s32 $0xFFFFC800  }
0x50: {  	[spmem:s25] =	stream.linear.scatter [tilespmem:s14], [sflag:$0x7], $0x3800, $0x38;
	[tilespmem:$0x1FC00] =	vst v63  }
0x51: {  	_ =	swait.ge [sflag:s15], $0x3800  }
0x52: {  	s13 =	sld [smem:$0x7ED]  }
0x53: {  	[sflag:s15] =	ssyncset.done $0x0  }
0x54: {  	[sflag:s15] =	ssyncadd.s32 $0xFFFFC800  }
0x55: {  	[spmem:s13] =	stream.linear.scatter [tilespmem:s14], [sflag:$0x7], $0x3800, $0x38;
	[tilespmem:$0x1FC00] =	vst v63  }
0x56: {  	_ =	swait.ge [sflag:s15], $0x3800  }
0x57: {  	s24 =	sld [smem:$0x7EE]  }
0x58: {  	[sflag:s15] =	ssyncset.done $0x0  }
0x59: {  	[sflag:s15] =	ssyncadd.s32 $0xFFFFC800  }
0x5a: {  	[spmem:s24] =	stream.linear.scatter [tilespmem:s14], [sflag:$0x7], $0x3800, $0x38;
	[tilespmem:$0x1FC00] =	vst v63  }
0x5b: {  	_ =	swait.ge [sflag:s15], $0x3800  }
0x5c: {  	s25 =	sld [smem:$0x7F0]  }
0x5d: {  	[sflag:s15] =	ssyncset.done $0x0  }
0x5e: {  	[sflag:s15] =	ssyncadd.s32 $0xFFFFC800  }
0x5f: {  	[spmem:s25] =	stream.linear.scatter [tilespmem:s14], [sflag:$0x7], $0x2400, $0x38;
	[tilespmem:$0x1FC00] =	vst v63  }
0x60: {  	_ =	swait.ge [sflag:s15], $0x2400  }
0x61: {  	[sflag:s15] =	ssyncset.done $0x0  }
0x62: {  	[sflag:s15] =	ssyncadd.s32 $0xFFFFDC00  }
0x63: {  	[bflag:$0x0] =	sbarrier.arrive $0xFFFF  }
0x64: {  	s13 =	rddreg [dreg:$0x4]  }
0x65: {  	s5 =	sadd.s32 $0x0, s13  }
0x66: {  	[tilespmem:s4], [sflag:$0x7] =	stream.linear.gather [hbm4b:s5+s4], $0xC00, $0x38;
	[tilespmem:$0x1FC00] =	vst v63  }
0x67: {  	_ =	swait.ge [sflag:s15], $0xC00  }
0x68: {  	s24 =	rddreg [dreg:$0x5];
	[sflag:s15] =	ssyncset.done $0x0  }
0x69: {  	[sflag:s15] =	ssyncadd.s32 $0xFFFFF400;
	s5 =	sadd.s32 $0x0, s24  }
0x6a: {  	[tilespmem:s16], [sflag:$0x7] =	stream.linear.gather [hbm4b:s5+s4], $0xC00, $0x38;
	[tilespmem:$0x1FC00] =	vst v63  }
0x6b: {  	_ =	swait.ge [sflag:s15], $0xC00  }
0x6c: {  	[sflag:s15] =	ssyncset.done $0x0  }
0x6d: {  	[sflag:s15] =	ssyncadd.s32 $0xFFFFF400  }
0x6e: {  	[tilespmem:s14], [sflag:$0x1] =	stream.indirect.gather [hbm4b:s0+s17], $0x80, s4, s17, $0xb8;
	[tilespmem:$0x1FC00] =	vst v63  }
0x6f: {  	s25 =	rddreg [dreg:$0x6]  }
0x70: {  	[tilespmem:s18], [sflag:$0x2] =	stream.indirect.gather [hbm4b:s0+s17], $0x80, s25, s17, $0xb8;
	[tilespmem:$0x1FC00] =	vst v63  }
0x71: {  	s13 =	rddreg [dreg:$0x7]  }
0x72: {  	[tilespmem:s19], [sflag:$0x3] =	stream.indirect.gather [hbm4b:s0+s17], $0x80, s13, s17, $0xb8;
	[tilespmem:$0x1FC00] =	vst v63  }
0x73: {  	_ =	swait.ge [sflag:s20], $0x3800  }
0x74: {  	[sflag:s20] =	ssyncset.done $0x0  }
0x75: {  	[sflag:s20] =	ssyncadd.s32 $0xFFFFC800  }
0x76: {  	[spmem:s3] =	stream.indirect.scatter.add.f32 [tilespmem:s14], [sflag:$0x4], $0x80, s16, s17, $0xb8;
	[tilespmem:$0x1FC00] =	vst v63  }
0x77: {  	_ =	swait.ge [sflag:s21], $0x3800  }
0x78: {  	[sflag:s21] =	ssyncset.done $0x0  }
0x79: {  	s24 =	rddreg [dreg:$0x8];
	[sflag:s21] =	ssyncadd.s32 $0xFFFFC800  }
0x7a: {  	[tilespmem:s14], [sflag:$0x1] =	stream.indirect.gather [hbm4b:s0+s17], $0x80, s24, s17, $0xb8;
	[tilespmem:$0x1FC00] =	vst v63  }
0x7b: {  	_ =	swait.ge [sflag:s22], $0x3800  }
0x7c: {  	[sflag:s22] =	ssyncset.done $0x0  }
0x7d: {  	s25 =	rddreg [dreg:$0x9];
	[sflag:s22] =	ssyncadd.s32 $0xFFFFC800  }
0x7e: {  	[spmem:s3] =	stream.indirect.scatter.add.f32 [tilespmem:s18], [sflag:$0x5], $0x80, s25, s17, $0xb8;
	[tilespmem:$0x1FC00] =	vst v63  }
0x7f: {  	_ =	swait.ge [sflag:s23], $0x3800  }
0x80: {  	[sflag:s23] =	ssyncset.done $0x0  }
0x81: {  	s13 =	rddreg [dreg:$0xa];
	[sflag:s23] =	ssyncadd.s32 $0xFFFFC800  }
0x82: {  	[tilespmem:s18], [sflag:$0x2] =	stream.indirect.gather [hbm4b:s0+s17], $0x80, s13, s17, $0xb8;
	[tilespmem:$0x1FC00] =	vst v63  }
0x83: {  	_ =	swait.ge [sflag:s26], $0x3800  }
0x84: {  	[sflag:s26] =	ssyncset.done $0x0  }
0x85: {  	s24 =	rddreg [dreg:$0xb];
	[sflag:s26] =	ssyncadd.s32 $0xFFFFC800  }
0x86: {  	[spmem:s3] =	stream.indirect.scatter.add.f32 [tilespmem:s19], [sflag:$0x6], $0x80, s24, s17, $0xb8;
	[tilespmem:$0x1FC00] =	vst v63  }
0x87: {  	_ =	swait.ge [sflag:s28], $0x3800  }
0x88: {  	[sflag:s28] =	ssyncset.done $0x0  }
0x89: {  	s25 =	rddreg [dreg:$0xc];
	[sflag:s28] =	ssyncadd.s32 $0xFFFFC800  }
0x8a: {  	[tilespmem:s19], [sflag:$0x3] =	stream.indirect.gather [hbm4b:s0+s17], $0x80, s25, s17, $0xb8;
	[tilespmem:$0x1FC00] =	vst v63  }
0x8b: {  	_ =	swait.ge [sflag:s20], $0x3800  }
0x8c: {  	[sflag:s20] =	ssyncset.done $0x0  }
0x8d: {  	s13 =	rddreg [dreg:$0xd];
	[sflag:s20] =	ssyncadd.s32 $0xFFFFC800  }
0x8e: {  	[spmem:s3] =	stream.indirect.scatter.add.f32 [tilespmem:s14], [sflag:$0x4], $0x80, s13, s17, $0xb8;
	[tilespmem:$0x1FC00] =	vst v63  }
0x8f: {  	_ =	swait.ge [sflag:s21], $0x3800  }
0x90: {  	[sflag:s21] =	ssyncset.done $0x0  }
0x91: {  	s24 =	rddreg [dreg:$0xe];
	[sflag:s21] =	ssyncadd.s32 $0xFFFFC800  }
0x92: {  	[tilespmem:s14], [sflag:$0x1] =	stream.indirect.gather [hbm4b:s0+s17], $0x80, s24, s17, $0xb8;
	[tilespmem:$0x1FC00] =	vst v63  }
0x93: {  	_ =	swait.ge [sflag:s22], $0x3800  }
0x94: {  	[sflag:s22] =	ssyncset.done $0x0  }
0x95: {  	s25 =	rddreg [dreg:$0xf];
	[sflag:s22] =	ssyncadd.s32 $0xFFFFC800  }
0x96: {  	[spmem:s3] =	stream.indirect.scatter.add.f32 [tilespmem:s18], [sflag:$0x5], $0x80, s25, s17, $0xb8;
	[tilespmem:$0x1FC00] =	vst v63  }
0x97: {  	_ =	swait.ge [sflag:s23], $0x3800  }
0x98: {  	[sflag:s23] =	ssyncset.done $0x0  }
0x99: {  	s13 =	rddreg [dreg:$0x10];
	[sflag:s23] =	ssyncadd.s32 $0xFFFFC800  }
0x9a: {  	[tilespmem:s18], [sflag:$0x2] =	stream.indirect.gather [hbm4b:s0+s17], $0x80, s13, s17, $0xb8;
	[tilespmem:$0x1FC00] =	vst v63  }
0x9b: {  	_ =	swait.ge [sflag:s26], $0x3800  }
0x9c: {  	[sflag:s26] =	ssyncset.done $0x0  }
0x9d: {  	s24 =	rddreg [dreg:$0x11];
	[sflag:s26] =	ssyncadd.s32 $0xFFFFC800  }
0x9e: {  	[spmem:s3] =	stream.indirect.scatter.add.f32 [tilespmem:s19], [sflag:$0x6], $0x80, s24, s17, $0xb8;
	[tilespmem:$0x1FC00] =	vst v63  }
0x9f: {  	_ =	swait.ge [sflag:s28], $0x3800  }
0xa0: {  	[sflag:s28] =	ssyncset.done $0x0  }
0xa1: {  	s25 =	rddreg [dreg:$0x12];
	[sflag:s28] =	ssyncadd.s32 $0xFFFFC800  }
0xa2: {  	[tilespmem:s19], [sflag:$0x3] =	stream.indirect.gather [hbm4b:s0+s17], $0x80, s25, s17, $0xb8;
	[tilespmem:$0x1FC00] =	vst v63  }
0xa3: {  	_ =	swait.ge [sflag:s20], $0x3800  }
0xa4: {  	[sflag:s20] =	ssyncset.done $0x0  }
0xa5: {  	s13 =	rddreg [dreg:$0x13];
	[sflag:s20] =	ssyncadd.s32 $0xFFFFC800  }
0xa6: {  	[spmem:s3] =	stream.indirect.scatter.add.f32 [tilespmem:s14], [sflag:$0x4], $0x80, s13, s17, $0xb8;
	[tilespmem:$0x1FC00] =	vst v63  }
0xa7: {  	_ =	swait.ge [sflag:s21], $0x3800  }
0xa8: {  	[sflag:s21] =	ssyncset.done $0x0  }
0xa9: {  	s24 =	rddreg [dreg:$0x14];
	[sflag:s21] =	ssyncadd.s32 $0xFFFFC800  }
0xaa: {  	[tilespmem:s14], [sflag:$0x1] =	stream.indirect.gather [hbm4b:s0+s17], $0x80, s24, s17, $0xb8;
	[tilespmem:$0x1FC00] =	vst v63  }
0xab: {  	_ =	swait.ge [sflag:s22], $0x3800  }
0xac: {  	[sflag:s22] =	ssyncset.done $0x0  }
0xad: {  	s25 =	rddreg [dreg:$0x15];
	[sflag:s22] =	ssyncadd.s32 $0xFFFFC800  }
0xae: {  	[spmem:s3] =	stream.indirect.scatter.add.f32 [tilespmem:s18], [sflag:$0x5], $0x80, s25, s17, $0xb8;
	[tilespmem:$0x1FC00] =	vst v63  }
0xaf: {  	_ =	swait.ge [sflag:s23], $0x3800  }
0xb0: {  	[sflag:s23] =	ssyncset.done $0x0  }
0xb1: {  	s13 =	rddreg [dreg:$0x16];
	[sflag:s23] =	ssyncadd.s32 $0xFFFFC800  }
0xb2: {  	[tilespmem:s18], [sflag:$0x2] =	stream.indirect.gather [hbm4b:s0+s17], $0x80, s13, s17, $0xb8;
	[tilespmem:$0x1FC00] =	vst v63  }
0xb3: {  	_ =	swait.ge [sflag:s26], $0x3800  }
0xb4: {  	[sflag:s26] =	ssyncset.done $0x0  }
0xb5: {  	s24 =	rddreg [dreg:$0x17];
	[sflag:s26] =	ssyncadd.s32 $0xFFFFC800  }
0xb6: {  	[spmem:s3] =	stream.indirect.scatter.add.f32 [tilespmem:s19], [sflag:$0x6], $0x80, s24, s17, $0xb8;
	[tilespmem:$0x1FC00] =	vst v63  }
0xb7: {  	_ =	swait.ge [sflag:s28], $0x3800  }
0xb8: {  	[sflag:s28] =	ssyncset.done $0x0  }
0xb9: {  	s25 =	rddreg [dreg:$0x18];
	[sflag:s28] =	ssyncadd.s32 $0xFFFFC800  }
0xba: {  	[tilespmem:s19], [sflag:$0x3] =	stream.indirect.gather [hbm4b:s0+s17], $0x80, s25, s17, $0xb8;
	[tilespmem:$0x1FC00] =	vst v63  }
0xbb: {  	_ =	swait.ge [sflag:s20], $0x3800  }
0xbc: {  	[sflag:s20] =	ssyncset.done $0x0  }
0xbd: {  	s13 =	rddreg [dreg:$0x19];
	[sflag:s20] =	ssyncadd.s32 $0xFFFFC800  }
0xbe: {  	[spmem:s3] =	stream.indirect.scatter.add.f32 [tilespmem:s14], [sflag:$0x4], $0x80, s13, s17, $0xb8;
	[tilespmem:$0x1FC00] =	vst v63  }
0xbf: {  	_ =	swait.ge [sflag:s21], $0x3800  }
0xc0: {  	[sflag:s21] =	ssyncset.done $0x0  }
0xc1: {  	s24 =	rddreg [dreg:$0x1a];
	[sflag:s21] =	ssyncadd.s32 $0xFFFFC800  }
0xc2: {  	[tilespmem:s14], [sflag:$0x1] =	stream.indirect.gather [hbm4b:s0+s17], $0x80, s24, s17, $0xb8;
	[tilespmem:$0x1FC00] =	vst v63  }
0xc3: {  	_ =	swait.ge [sflag:s22], $0x3800  }
0xc4: {  	[sflag:s22] =	ssyncset.done $0x0  }
0xc5: {  	s25 =	rddreg [dreg:$0x1b];
	[sflag:s22] =	ssyncadd.s32 $0xFFFFC800  }
0xc6: {  	[spmem:s3] =	stream.indirect.scatter.add.f32 [tilespmem:s18], [sflag:$0x5], $0x80, s25, s17, $0xb8;
	[tilespmem:$0x1FC00] =	vst v63  }
0xc7: {  	_ =	swait.ge [sflag:s23], $0x3800  }
0xc8: {  	[sflag:s23] =	ssyncset.done $0x0  }
0xc9: {  	s13 =	rddreg [dreg:$0x1c];
	[sflag:s23] =	ssyncadd.s32 $0xFFFFC800  }
0xca: {  	[tilespmem:s18], [sflag:$0x2] =	stream.indirect.gather [hbm4b:s0+s17], $0x80, s13, s17, $0xb8;
	[tilespmem:$0x1FC00] =	vst v63  }
0xcb: {  	_ =	swait.ge [sflag:s26], $0x3800  }
0xcc: {  	[sflag:s26] =	ssyncset.done $0x0  }
0xcd: {  	s24 =	rddreg [dreg:$0x1d];
	[sflag:s26] =	ssyncadd.s32 $0xFFFFC800  }
0xce: {  	[spmem:s3] =	stream.indirect.scatter.add.f32 [tilespmem:s19], [sflag:$0x6], $0x80, s24, s17, $0xb8;
	[tilespmem:$0x1FC00] =	vst v63  }
0xcf: {  	_ =	swait.ge [sflag:s28], $0x3800  }
0xd0: {  	[sflag:s28] =	ssyncset.done $0x0  }
0xd1: {  	s25 =	rddreg [dreg:$0x1e];
	[sflag:s28] =	ssyncadd.s32 $0xFFFFC800  }
0xd2: {  	[tilespmem:s19], [sflag:$0x3] =	stream.indirect.gather [hbm4b:s0+s17], $0x80, s25, s17, $0xb8;
	[tilespmem:$0x1FC00] =	vst v63  }
0xd3: {  	_ =	swait.ge [sflag:s20], $0x3800  }
0xd4: {  	[sflag:s20] =	ssyncset.done $0x0  }
0xd5: {  	s13 =	rddreg [dreg:$0x1f];
	[sflag:s20] =	ssyncadd.s32 $0xFFFFC800  }
0xd6: {  	[spmem:s3] =	stream.indirect.scatter.add.f32 [tilespmem:s14], [sflag:$0x4], $0x80, s13, s17, $0xb8;
	[tilespmem:$0x1FC00] =	vst v63  }
0xd7: {  	_ =	swait.ge [sflag:s21], $0x3800  }
0xd8: {  	s24 =	sld [smem:$0x7F4]  }
0xd9: {  	[sflag:s21] =	ssyncset.done $0x0  }
0xda: {  	[sflag:s21] =	ssyncadd.s32 $0xFFFFC800  }
0xdb: {  	[tilespmem:s14], [sflag:$0x1] =	stream.indirect.gather [hbm4b:s0+s17], $0x80, s24, s17, $0xb8;
	[tilespmem:$0x1FC00] =	vst v63  }
0xdc: {  	_ =	swait.ge [sflag:s22], $0x3800  }
0xdd: {  	s25 =	sld [smem:$0x7F5]  }
0xde: {  	[sflag:s22] =	ssyncset.done $0x0  }
0xdf: {  	[sflag:s22] =	ssyncadd.s32 $0xFFFFC800  }
0xe0: {  	[spmem:s3] =	stream.indirect.scatter.add.f32 [tilespmem:s18], [sflag:$0x5], $0x80, s25, s17, $0xb8;
	[tilespmem:$0x1FC00] =	vst v63  }
0xe1: {  	_ =	swait.ge [sflag:s23], $0x3800  }
0xe2: {  	s13 =	sld [smem:$0x7F6]  }
0xe3: {  	[sflag:s23] =	ssyncset.done $0x0  }
0xe4: {  	[sflag:s23] =	ssyncadd.s32 $0xFFFFC800  }
0xe5: {  	[tilespmem:s18], [sflag:$0x2] =	stream.indirect.gather [hbm4b:s0+s17], $0x80, s13, s17, $0xb8;
	[tilespmem:$0x1FC00] =	vst v63  }
0xe6: {  	_ =	swait.ge [sflag:s26], $0x3800  }
0xe7: {  	s24 =	sld [smem:$0x7F7]  }
0xe8: {  	[sflag:s26] =	ssyncset.done $0x0  }
0xe9: {  	[sflag:s26] =	ssyncadd.s32 $0xFFFFC800  }
0xea: {  	[spmem:s3] =	stream.indirect.scatter.add.f32 [tilespmem:s19], [sflag:$0x6], $0x80, s24, s17, $0xb8;
	[tilespmem:$0x1FC00] =	vst v63  }
0xeb: {  	_ =	swait.ge [sflag:s28], $0x3800  }
0xec: {  	s25 =	sld [smem:$0x7F8]  }
0xed: {  	[sflag:s28] =	ssyncset.done $0x0  }
0xee: {  	[sflag:s28] =	ssyncadd.s32 $0xFFFFC800  }
0xef: {  	[tilespmem:s19], [sflag:$0x3] =	stream.indirect.gather [hbm4b:s0+s17], $0x80, s25, s17, $0xb8;
	[tilespmem:$0x1FC00] =	vst v63  }
0xf0: {  	_ =	swait.ge [sflag:s20], $0x3800  }
0xf1: {  	s13 =	sld [smem:$0x7F9]  }
0xf2: {  	[sflag:s20] =	ssyncset.done $0x0  }
0xf3: {  	[sflag:s20] =	ssyncadd.s32 $0xFFFFC800  }
0xf4: {  	[spmem:s3] =	stream.indirect.scatter.add.f32 [tilespmem:s14], [sflag:$0x4], $0x80, s13, s17, $0xb8;
	[tilespmem:$0x1FC00] =	vst v63  }
0xf5: {  	_ =	swait.ge [sflag:s21], $0x3800  }
0xf6: {  	s24 =	sld [smem:$0x7FA]  }
0xf7: {  	[sflag:s21] =	ssyncset.done $0x0  }
0xf8: {  	[sflag:s21] =	ssyncadd.s32 $0xFFFFC800  }
0xf9: {  	[tilespmem:s14], [sflag:$0x1] =	stream.indirect.gather [hbm4b:s0+s17], $0x80, s24, s17, $0xb8;
	[tilespmem:$0x1FC00] =	vst v63  }
0xfa: {  	_ =	swait.ge [sflag:s22], $0x3800  }
0xfb: {  	s25 =	sld [smem:$0x7FB]  }
0xfc: {  	[sflag:s22] =	ssyncset.done $0x0  }
0xfd: {  	[sflag:s22] =	ssyncadd.s32 $0xFFFFC800  }
0xfe: {  	[spmem:s3] =	stream.indirect.scatter.add.f32 [tilespmem:s18], [sflag:$0x5], $0x80, s25, s17, $0xb8;
	[tilespmem:$0x1FC00] =	vst v63  }
0xff: {  	_ =	swait.ge [sflag:s23], $0x3800  }
0x100: {  	[sflag:s23] =	ssyncset.done $0x0  }
0x101: {  	[sflag:s23] =	ssyncadd.s32 $0xFFFFC800  }
0x102: {  	[tilespmem:s18], [sflag:$0x2] =	stream.indirect.gather [hbm4b:s0+s17], $0x80, s29, s17, $0xb8;
	[tilespmem:$0x1FC00] =	vst v63  }
0x103: {  	_ =	swait.ge [sflag:s26], $0x3800  }
0x104: {  	[sflag:s26] =	ssyncset.done $0x0  }
0x105: {  	[sflag:s26] =	ssyncadd.s32 $0xFFFFC800  }
0x106: {  	[spmem:s3] =	stream.indirect.scatter.add.f32 [tilespmem:s19], [sflag:$0x6], $0x80, s30, s17, $0xb8;
	[tilespmem:$0x1FC00] =	vst v63  }
0x107: {  	_ =	swait.ge [sflag:s28], $0x3800  }
0x108: {  	[sflag:s28] =	ssyncset.done $0x0  }
0x109: {  	[sflag:s28] =	ssyncadd.s32 $0xFFFFC800  }
0x10a: {  	[tilespmem:s19], [sflag:$0x3] =	stream.indirect.gather [hbm4b:s0+s17], $0x80, s31, s17, $0xb8;
	[tilespmem:$0x1FC00] =	vst v63  }
0x10b: {  	_ =	swait.ge [sflag:s20], $0x3800  }
0x10c: {  	[sflag:s20] =	ssyncset.done $0x0  }
0x10d: {  	[sflag:s20] =	ssyncadd.s32 $0xFFFFC800  }
0x10e: {  	[spmem:s3] =	stream.indirect.scatter.add.f32 [tilespmem:s14], [sflag:$0x4], $0x80, s1, s17, $0xb8;
	[tilespmem:$0x1FC00] =	vst v63  }
0x10f: {  	_ =	swait.ge [sflag:s21], $0x3800  }
0x110: {  	[sflag:s21] =	ssyncset.done $0x0  }
0x111: {  	[sflag:s21] =	ssyncadd.s32 $0xFFFFC800  }
0x112: {  	[tilespmem:s14], [sflag:$0x1] =	stream.indirect.gather [hbm4b:s0+s17], $0x80, s2, s17, $0xb8;
	[tilespmem:$0x1FC00] =	vst v63  }
0x113: {  	_ =	swait.ge [sflag:s22], $0x3800  }
0x114: {  	[sflag:s22] =	ssyncset.done $0x0  }
0x115: {  	[sflag:s22] =	ssyncadd.s32 $0xFFFFC800  }
0x116: {  	[spmem:s3] =	stream.indirect.scatter.add.f32 [tilespmem:s18], [sflag:$0x5], $0x80, s6, s17, $0xb8;
	[tilespmem:$0x1FC00] =	vst v63  }
0x117: {  	_ =	swait.ge [sflag:s23], $0x3800  }
0x118: {  	[sflag:s23] =	ssyncset.done $0x0  }
0x119: {  	[sflag:s23] =	ssyncadd.s32 $0xFFFFC800  }
0x11a: {  	[tilespmem:s18], [sflag:$0x2] =	stream.indirect.gather [hbm4b:s0+s17], $0x80, s7, s17, $0xb8;
	[tilespmem:$0x1FC00] =	vst v63  }
0x11b: {  	_ =	swait.ge [sflag:s26], $0x3800  }
0x11c: {  	[sflag:s26] =	ssyncset.done $0x0  }
0x11d: {  	[sflag:s26] =	ssyncadd.s32 $0xFFFFC800  }
0x11e: {  	[spmem:s3] =	stream.indirect.scatter.add.f32 [tilespmem:s19], [sflag:$0x6], $0x80, s8, s17, $0xb8;
	[tilespmem:$0x1FC00] =	vst v63  }
0x11f: {  	_ =	swait.ge [sflag:s28], $0x3800  }
0x120: {  	[sflag:s28] =	ssyncset.done $0x0  }
0x121: {  	[sflag:s28] =	ssyncadd.s32 $0xFFFFC800  }
0x122: {  	[tilespmem:s19], [sflag:$0x3] =	stream.indirect.gather [hbm4b:s0+s17], $0x80, s9, s17, $0xb8;
	[tilespmem:$0x1FC00] =	vst v63  }
0x123: {  	_ =	swait.ge [sflag:s20], $0x3800  }
0x124: {  	[sflag:s20] =	ssyncset.done $0x0  }
0x125: {  	[sflag:s20] =	ssyncadd.s32 $0xFFFFC800  }
0x126: {  	[spmem:s3] =	stream.indirect.scatter.add.f32 [tilespmem:s14], [sflag:$0x4], $0x80, s10, s17, $0xb8;
	[tilespmem:$0x1FC00] =	vst v63  }
0x127: {  	_ =	swait.ge [sflag:s22], $0x3800  }
0x128: {  	[sflag:s22] =	ssyncset.done $0x0  }
0x129: {  	[sflag:s22] =	ssyncadd.s32 $0xFFFFC800  }
0x12a: {  	[spmem:s3] =	stream.indirect.scatter.add.f32 [tilespmem:s18], [sflag:$0x5], $0x80, s11, s17, $0xb8;
	[tilespmem:$0x1FC00] =	vst v63  }
0x12b: {  	_ =	swait.ge [sflag:s26], $0x3800  }
0x12c: {  	[sflag:s26] =	ssyncset.done $0x0  }
0x12d: {  	[sflag:s26] =	ssyncadd.s32 $0xFFFFC800  }
0x12e: {  	[spmem:s3] =	stream.indirect.scatter.add.f32 [tilespmem:s19], [sflag:$0x6], $0x80, s12, s17, $0xb8;
	[tilespmem:$0x1FC00] =	vst v63  }
0x12f: {  	_ =	swait.ge [sflag:s21], $0x3800  }
0x130: {  	[sflag:s21] =	ssyncset.done $0x0  }
0x131: {  	[sflag:s21] =	ssyncadd.s32 $0xFFFFC800  }
0x132: {  	_ =	swait.ge [sflag:s23], $0x3800  }
0x133: {  	[sflag:s23] =	ssyncset.done $0x0  }
0x134: {  	[sflag:s23] =	ssyncadd.s32 $0xFFFFC800  }
0x135: {  	s24 =	simm.s32 $0x180;
	_ =	swait.ge [sflag:s28], $0x3800  }
0x136: {  	s25 =	simm.s32 $0x300;
	s5 =	rddreg [dreg:$0x4];
	[sflag:s28] =	ssyncset.done $0x0  }
.LBB2_4:
0x137: {  	[sflag:s28] =	ssyncadd.s32 $0xFFFFC800;
	s5 =	sadd.s32 s24, s5  }
0x138: {  	[tilespmem:s4], [sflag:$0x7] =	stream.linear.gather [hbm4b:s5+s4], $0xC00, $0x38;
	[tilespmem:$0x1FC00] =	vst v63  }
0x139: {  	_ =	swait.ge [sflag:s15], $0xC00  }
0x13a: {  	s5 =	rddreg [dreg:$0x5];
	[sflag:s15] =	ssyncset.done $0x0  }
0x13b: {  	[sflag:s15] =	ssyncadd.s32 $0xFFFFF400;
	s5 =	sadd.s32 s24, s5  }
0x13c: {  	[tilespmem:s16], [sflag:$0x7] =	stream.linear.gather [hbm4b:s5+s4], $0xC00, $0x38;
	[tilespmem:$0x1FC00] =	vst v63  }
0x13d: {  	_ =	swait.ge [sflag:s15], $0xC00  }
0x13e: {  	[sflag:s15] =	ssyncset.done $0x0  }
0x13f: {  	[sflag:s15] =	ssyncadd.s32 $0xFFFFF400  }
0x140: {  	[tilespmem:s14], [sflag:$0x1] =	stream.indirect.gather [hbm4b:s0+s17], $0x80, s4, s17, $0xb8;
	[tilespmem:$0x1FC00] =	vst v63  }
0x141: {  	s13 =	smov.u32 s25;
	s5 =	rddreg [dreg:$0x6]  }
0x142: {  	[tilespmem:s18], [sflag:$0x2] =	stream.indirect.gather [hbm4b:s0+s17], $0x80, s5, s17, $0xb8;
	[tilespmem:$0x1FC00] =	vst v63  }
0x143: {  	s24 =	smov.u32 s13;
	s13 =	rddreg [dreg:$0x7]  }
0x144: {  	[tilespmem:s19], [sflag:$0x3] =	stream.indirect.gather [hbm4b:s0+s17], $0x80, s13, s17, $0xb8;
	[tilespmem:$0x1FC00] =	vst v63  }
0x145: {  	_ =	swait.ge [sflag:s20], $0x3800  }
0x146: {  	[sflag:s20] =	ssyncset.done $0x0  }
0x147: {  	[sflag:s20] =	ssyncadd.s32 $0xFFFFC800  }
0x148: {  	[spmem:s3] =	stream.indirect.scatter.add.f32 [tilespmem:s14], [sflag:$0x4], $0x80, s16, s17, $0xb8;
	[tilespmem:$0x1FC00] =	vst v63  }
0x149: {  	_ =	swait.ge [sflag:s21], $0x3800  }
0x14a: {  	[sflag:s21] =	ssyncset.done $0x0  }
0x14b: {  	s13 =	rddreg [dreg:$0x8];
	[sflag:s21] =	ssyncadd.s32 $0xFFFFC800  }
0x14c: {  	[tilespmem:s14], [sflag:$0x1] =	stream.indirect.gather [hbm4b:s0+s17], $0x80, s13, s17, $0xb8;
	[tilespmem:$0x1FC00] =	vst v63  }
0x14d: {  	_ =	swait.ge [sflag:s22], $0x3800  }
0x14e: {  	[sflag:s22] =	ssyncset.done $0x0  }
0x14f: {  	s13 =	rddreg [dreg:$0x9];
	[sflag:s22] =	ssyncadd.s32 $0xFFFFC800  }
0x150: {  	[spmem:s3] =	stream.indirect.scatter.add.f32 [tilespmem:s18], [sflag:$0x5], $0x80, s13, s17, $0xb8;
	[tilespmem:$0x1FC00] =	vst v63  }
0x151: {  	_ =	swait.ge [sflag:s23], $0x3800  }
0x152: {  	[sflag:s23] =	ssyncset.done $0x0  }
0x153: {  	s13 =	rddreg [dreg:$0xa];
	[sflag:s23] =	ssyncadd.s32 $0xFFFFC800  }
0x154: {  	[tilespmem:s18], [sflag:$0x2] =	stream.indirect.gather [hbm4b:s0+s17], $0x80, s13, s17, $0xb8;
	[tilespmem:$0x1FC00] =	vst v63  }
0x155: {  	_ =	swait.ge [sflag:s26], $0x3800  }
0x156: {  	[sflag:s26] =	ssyncset.done $0x0  }
0x157: {  	s13 =	rddreg [dreg:$0xb];
	[sflag:s26] =	ssyncadd.s32 $0xFFFFC800  }
0x158: {  	[spmem:s3] =	stream.indirect.scatter.add.f32 [tilespmem:s19], [sflag:$0x6], $0x80, s13, s17, $0xb8;
	[tilespmem:$0x1FC00] =	vst v63  }
0x159: {  	_ =	swait.ge [sflag:s28], $0x3800  }
0x15a: {  	[sflag:s28] =	ssyncset.done $0x0  }
0x15b: {  	s13 =	rddreg [dreg:$0xc];
	[sflag:s28] =	ssyncadd.s32 $0xFFFFC800  }
0x15c: {  	[tilespmem:s19], [sflag:$0x3] =	stream.indirect.gather [hbm4b:s0+s17], $0x80, s13, s17, $0xb8;
	[tilespmem:$0x1FC00] =	vst v63  }
0x15d: {  	_ =	swait.ge [sflag:s20], $0x3800  }
0x15e: {  	[sflag:s20] =	ssyncset.done $0x0  }
0x15f: {  	s13 =	rddreg [dreg:$0xd];
	[sflag:s20] =	ssyncadd.s32 $0xFFFFC800  }
0x160: {  	[spmem:s3] =	stream.indirect.scatter.add.f32 [tilespmem:s14], [sflag:$0x4], $0x80, s13, s17, $0xb8;
	[tilespmem:$0x1FC00] =	vst v63  }
0x161: {  	_ =	swait.ge [sflag:s21], $0x3800  }
0x162: {  	[sflag:s21] =	ssyncset.done $0x0  }
0x163: {  	s13 =	rddreg [dreg:$0xe];
	[sflag:s21] =	ssyncadd.s32 $0xFFFFC800  }
0x164: {  	[tilespmem:s14], [sflag:$0x1] =	stream.indirect.gather [hbm4b:s0+s17], $0x80, s13, s17, $0xb8;
	[tilespmem:$0x1FC00] =	vst v63  }
0x165: {  	_ =	swait.ge [sflag:s22], $0x3800  }
0x166: {  	[sflag:s22] =	ssyncset.done $0x0  }
0x167: {  	s13 =	rddreg [dreg:$0xf];
	[sflag:s22] =	ssyncadd.s32 $0xFFFFC800  }
0x168: {  	[spmem:s3] =	stream.indirect.scatter.add.f32 [tilespmem:s18], [sflag:$0x5], $0x80, s13, s17, $0xb8;
	[tilespmem:$0x1FC00] =	vst v63  }
0x169: {  	_ =	swait.ge [sflag:s23], $0x3800  }
0x16a: {  	[sflag:s23] =	ssyncset.done $0x0  }
0x16b: {  	s13 =	rddreg [dreg:$0x10];
	[sflag:s23] =	ssyncadd.s32 $0xFFFFC800  }
0x16c: {  	[tilespmem:s18], [sflag:$0x2] =	stream.indirect.gather [hbm4b:s0+s17], $0x80, s13, s17, $0xb8;
	[tilespmem:$0x1FC00] =	vst v63  }
0x16d: {  	_ =	swait.ge [sflag:s26], $0x3800  }
0x16e: {  	[sflag:s26] =	ssyncset.done $0x0  }
0x16f: {  	s13 =	rddreg [dreg:$0x11];
	[sflag:s26] =	ssyncadd.s32 $0xFFFFC800  }
0x170: {  	[spmem:s3] =	stream.indirect.scatter.add.f32 [tilespmem:s19], [sflag:$0x6], $0x80, s13, s17, $0xb8;
	[tilespmem:$0x1FC00] =	vst v63  }
0x171: {  	_ =	swait.ge [sflag:s28], $0x3800  }
0x172: {  	[sflag:s28] =	ssyncset.done $0x0  }
0x173: {  	s13 =	rddreg [dreg:$0x12];
	[sflag:s28] =	ssyncadd.s32 $0xFFFFC800  }
0x174: {  	[tilespmem:s19], [sflag:$0x3] =	stream.indirect.gather [hbm4b:s0+s17], $0x80, s13, s17, $0xb8;
	[tilespmem:$0x1FC00] =	vst v63  }
0x175: {  	_ =	swait.ge [sflag:s20], $0x3800  }
0x176: {  	[sflag:s20] =	ssyncset.done $0x0  }
0x177: {  	s13 =	rddreg [dreg:$0x13];
	[sflag:s20] =	ssyncadd.s32 $0xFFFFC800  }
0x178: {  	[spmem:s3] =	stream.indirect.scatter.add.f32 [tilespmem:s14], [sflag:$0x4], $0x80, s13, s17, $0xb8;
	[tilespmem:$0x1FC00] =	vst v63  }
0x179: {  	_ =	swait.ge [sflag:s21], $0x3800  }
0x17a: {  	[sflag:s21] =	ssyncset.done $0x0  }
0x17b: {  	s13 =	rddreg [dreg:$0x14];
	[sflag:s21] =	ssyncadd.s32 $0xFFFFC800  }
0x17c: {  	[tilespmem:s14], [sflag:$0x1] =	stream.indirect.gather [hbm4b:s0+s17], $0x80, s13, s17, $0xb8;
	[tilespmem:$0x1FC00] =	vst v63  }
0x17d: {  	_ =	swait.ge [sflag:s22], $0x3800  }
0x17e: {  	[sflag:s22] =	ssyncset.done $0x0  }
0x17f: {  	s13 =	rddreg [dreg:$0x15];
	[sflag:s22] =	ssyncadd.s32 $0xFFFFC800  }
0x180: {  	[spmem:s3] =	stream.indirect.scatter.add.f32 [tilespmem:s18], [sflag:$0x5], $0x80, s13, s17, $0xb8;
	[tilespmem:$0x1FC00] =	vst v63  }
0x181: {  	_ =	swait.ge [sflag:s23], $0x3800  }
0x182: {  	[sflag:s23] =	ssyncset.done $0x0  }
0x183: {  	s13 =	rddreg [dreg:$0x16];
	[sflag:s23] =	ssyncadd.s32 $0xFFFFC800  }
0x184: {  	[tilespmem:s18], [sflag:$0x2] =	stream.indirect.gather [hbm4b:s0+s17], $0x80, s13, s17, $0xb8;
	[tilespmem:$0x1FC00] =	vst v63  }
0x185: {  	_ =	swait.ge [sflag:s26], $0x3800  }
0x186: {  	[sflag:s26] =	ssyncset.done $0x0  }
0x187: {  	s13 =	rddreg [dreg:$0x17];
	[sflag:s26] =	ssyncadd.s32 $0xFFFFC800  }
0x188: {  	[spmem:s3] =	stream.indirect.scatter.add.f32 [tilespmem:s19], [sflag:$0x6], $0x80, s13, s17, $0xb8;
	[tilespmem:$0x1FC00] =	vst v63  }
0x189: {  	_ =	swait.ge [sflag:s28], $0x3800  }
0x18a: {  	[sflag:s28] =	ssyncset.done $0x0  }
0x18b: {  	s13 =	rddreg [dreg:$0x18];
	[sflag:s28] =	ssyncadd.s32 $0xFFFFC800  }
0x18c: {  	[tilespmem:s19], [sflag:$0x3] =	stream.indirect.gather [hbm4b:s0+s17], $0x80, s13, s17, $0xb8;
	[tilespmem:$0x1FC00] =	vst v63  }
0x18d: {  	_ =	swait.ge [sflag:s20], $0x3800  }
0x18e: {  	[sflag:s20] =	ssyncset.done $0x0  }
0x18f: {  	s13 =	rddreg [dreg:$0x19];
	[sflag:s20] =	ssyncadd.s32 $0xFFFFC800  }
0x190: {  	[spmem:s3] =	stream.indirect.scatter.add.f32 [tilespmem:s14], [sflag:$0x4], $0x80, s13, s17, $0xb8;
	[tilespmem:$0x1FC00] =	vst v63  }
0x191: {  	_ =	swait.ge [sflag:s21], $0x3800  }
0x192: {  	[sflag:s21] =	ssyncset.done $0x0  }
0x193: {  	s13 =	rddreg [dreg:$0x1a];
	[sflag:s21] =	ssyncadd.s32 $0xFFFFC800  }
0x194: {  	[tilespmem:s14], [sflag:$0x1] =	stream.indirect.gather [hbm4b:s0+s17], $0x80, s13, s17, $0xb8;
	[tilespmem:$0x1FC00] =	vst v63  }
0x195: {  	_ =	swait.ge [sflag:s22], $0x3800  }
0x196: {  	[sflag:s22] =	ssyncset.done $0x0  }
0x197: {  	s13 =	rddreg [dreg:$0x1b];
	[sflag:s22] =	ssyncadd.s32 $0xFFFFC800  }
0x198: {  	[spmem:s3] =	stream.indirect.scatter.add.f32 [tilespmem:s18], [sflag:$0x5], $0x80, s13, s17, $0xb8;
	[tilespmem:$0x1FC00] =	vst v63  }
0x199: {  	_ =	swait.ge [sflag:s23], $0x3800  }
0x19a: {  	[sflag:s23] =	ssyncset.done $0x0  }
0x19b: {  	s13 =	rddreg [dreg:$0x1c];
	[sflag:s23] =	ssyncadd.s32 $0xFFFFC800  }
0x19c: {  	[tilespmem:s18], [sflag:$0x2] =	stream.indirect.gather [hbm4b:s0+s17], $0x80, s13, s17, $0xb8;
	[tilespmem:$0x1FC00] =	vst v63  }
0x19d: {  	_ =	swait.ge [sflag:s26], $0x3800  }
0x19e: {  	[sflag:s26] =	ssyncset.done $0x0  }
0x19f: {  	s13 =	rddreg [dreg:$0x1d];
	[sflag:s26] =	ssyncadd.s32 $0xFFFFC800  }
0x1a0: {  	[spmem:s3] =	stream.indirect.scatter.add.f32 [tilespmem:s19], [sflag:$0x6], $0x80, s13, s17, $0xb8;
	[tilespmem:$0x1FC00] =	vst v63  }
0x1a1: {  	_ =	swait.ge [sflag:s28], $0x3800  }
0x1a2: {  	[sflag:s28] =	ssyncset.done $0x0  }
0x1a3: {  	s13 =	rddreg [dreg:$0x1e];
	[sflag:s28] =	ssyncadd.s32 $0xFFFFC800  }
0x1a4: {  	[tilespmem:s19], [sflag:$0x3] =	stream.indirect.gather [hbm4b:s0+s17], $0x80, s13, s17, $0xb8;
	[tilespmem:$0x1FC00] =	vst v63  }
0x1a5: {  	_ =	swait.ge [sflag:s20], $0x3800  }
0x1a6: {  	[sflag:s20] =	ssyncset.done $0x0  }
0x1a7: {  	s13 =	rddreg [dreg:$0x1f];
	[sflag:s20] =	ssyncadd.s32 $0xFFFFC800  }
0x1a8: {  	[spmem:s3] =	stream.indirect.scatter.add.f32 [tilespmem:s14], [sflag:$0x4], $0x80, s13, s17, $0xb8;
	[tilespmem:$0x1FC00] =	vst v63  }
0x1a9: {  	_ =	swait.ge [sflag:s21], $0x3800  }
0x1aa: {  	s13 =	sld [smem:$0x7F4]  }
0x1ab: {  	[sflag:s21] =	ssyncset.done $0x0  }
0x1ac: {  	[sflag:s21] =	ssyncadd.s32 $0xFFFFC800  }
0x1ad: {  	[tilespmem:s14], [sflag:$0x1] =	stream.indirect.gather [hbm4b:s0+s17], $0x80, s13, s17, $0xb8;
	[tilespmem:$0x1FC00] =	vst v63  }
0x1ae: {  	_ =	swait.ge [sflag:s22], $0x3800  }
0x1af: {  	s13 =	sld [smem:$0x7F5]  }
0x1b0: {  	[sflag:s22] =	ssyncset.done $0x0  }
0x1b1: {  	[sflag:s22] =	ssyncadd.s32 $0xFFFFC800  }
0x1b2: {  	[spmem:s3] =	stream.indirect.scatter.add.f32 [tilespmem:s18], [sflag:$0x5], $0x80, s13, s17, $0xb8;
	[tilespmem:$0x1FC00] =	vst v63  }
0x1b3: {  	_ =	swait.ge [sflag:s23], $0x3800  }
0x1b4: {  	s13 =	sld [smem:$0x7F6]  }
0x1b5: {  	[sflag:s23] =	ssyncset.done $0x0  }
0x1b6: {  	[sflag:s23] =	ssyncadd.s32 $0xFFFFC800  }
0x1b7: {  	[tilespmem:s18], [sflag:$0x2] =	stream.indirect.gather [hbm4b:s0+s17], $0x80, s13, s17, $0xb8;
	[tilespmem:$0x1FC00] =	vst v63  }
0x1b8: {  	_ =	swait.ge [sflag:s26], $0x3800  }
0x1b9: {  	s13 =	sld [smem:$0x7F7]  }
0x1ba: {  	[sflag:s26] =	ssyncset.done $0x0  }
0x1bb: {  	[sflag:s26] =	ssyncadd.s32 $0xFFFFC800  }
0x1bc: {  	[spmem:s3] =	stream.indirect.scatter.add.f32 [tilespmem:s19], [sflag:$0x6], $0x80, s13, s17, $0xb8;
	[tilespmem:$0x1FC00] =	vst v63  }
0x1bd: {  	_ =	swait.ge [sflag:s28], $0x3800  }
0x1be: {  	s13 =	sld [smem:$0x7F8]  }
0x1bf: {  	[sflag:s28] =	ssyncset.done $0x0  }
0x1c0: {  	[sflag:s28] =	ssyncadd.s32 $0xFFFFC800  }
0x1c1: {  	[tilespmem:s19], [sflag:$0x3] =	stream.indirect.gather [hbm4b:s0+s17], $0x80, s13, s17, $0xb8;
	[tilespmem:$0x1FC00] =	vst v63  }
0x1c2: {  	_ =	swait.ge [sflag:s20], $0x3800  }
0x1c3: {  	s13 =	sld [smem:$0x7F9]  }
0x1c4: {  	[sflag:s20] =	ssyncset.done $0x0  }
0x1c5: {  	[sflag:s20] =	ssyncadd.s32 $0xFFFFC800  }
0x1c6: {  	[spmem:s3] =	stream.indirect.scatter.add.f32 [tilespmem:s14], [sflag:$0x4], $0x80, s13, s17, $0xb8;
	[tilespmem:$0x1FC00] =	vst v63  }
0x1c7: {  	_ =	swait.ge [sflag:s21], $0x3800  }
0x1c8: {  	s13 =	sld [smem:$0x7FA]  }
0x1c9: {  	[sflag:s21] =	ssyncset.done $0x0  }
0x1ca: {  	[sflag:s21] =	ssyncadd.s32 $0xFFFFC800  }
0x1cb: {  	[tilespmem:s14], [sflag:$0x1] =	stream.indirect.gather [hbm4b:s0+s17], $0x80, s13, s17, $0xb8;
	[tilespmem:$0x1FC00] =	vst v63  }
0x1cc: {  	_ =	swait.ge [sflag:s22], $0x3800  }
0x1cd: {  	s13 =	sld [smem:$0x7FB]  }
0x1ce: {  	[sflag:s22] =	ssyncset.done $0x0  }
0x1cf: {  	[sflag:s22] =	ssyncadd.s32 $0xFFFFC800  }
0x1d0: {  	[spmem:s3] =	stream.indirect.scatter.add.f32 [tilespmem:s18], [sflag:$0x5], $0x80, s13, s17, $0xb8;
	[tilespmem:$0x1FC00] =	vst v63  }
0x1d1: {  	_ =	swait.ge [sflag:s23], $0x3800  }
0x1d2: {  	[sflag:s23] =	ssyncset.done $0x0  }
0x1d3: {  	[sflag:s23] =	ssyncadd.s32 $0xFFFFC800  }
0x1d4: {  	[tilespmem:s18], [sflag:$0x2] =	stream.indirect.gather [hbm4b:s0+s17], $0x80, s29, s17, $0xb8;
	[tilespmem:$0x1FC00] =	vst v63  }
0x1d5: {  	_ =	swait.ge [sflag:s26], $0x3800  }
0x1d6: {  	[sflag:s26] =	ssyncset.done $0x0  }
0x1d7: {  	[sflag:s26] =	ssyncadd.s32 $0xFFFFC800  }
0x1d8: {  	[spmem:s3] =	stream.indirect.scatter.add.f32 [tilespmem:s19], [sflag:$0x6], $0x80, s30, s17, $0xb8;
	[tilespmem:$0x1FC00] =	vst v63  }
0x1d9: {  	_ =	swait.ge [sflag:s28], $0x3800  }
0x1da: {  	[sflag:s28] =	ssyncset.done $0x0  }
0x1db: {  	[sflag:s28] =	ssyncadd.s32 $0xFFFFC800  }
0x1dc: {  	[tilespmem:s19], [sflag:$0x3] =	stream.indirect.gather [hbm4b:s0+s17], $0x80, s31, s17, $0xb8;
	[tilespmem:$0x1FC00] =	vst v63  }
0x1dd: {  	_ =	swait.ge [sflag:s20], $0x3800  }
0x1de: {  	[sflag:s20] =	ssyncset.done $0x0  }
0x1df: {  	[sflag:s20] =	ssyncadd.s32 $0xFFFFC800  }
0x1e0: {  	[spmem:s3] =	stream.indirect.scatter.add.f32 [tilespmem:s14], [sflag:$0x4], $0x80, s1, s17, $0xb8;
	[tilespmem:$0x1FC00] =	vst v63  }
0x1e1: {  	_ =	swait.ge [sflag:s21], $0x3800  }
0x1e2: {  	[sflag:s21] =	ssyncset.done $0x0  }
0x1e3: {  	[sflag:s21] =	ssyncadd.s32 $0xFFFFC800  }
0x1e4: {  	[tilespmem:s14], [sflag:$0x1] =	stream.indirect.gather [hbm4b:s0+s17], $0x80, s2, s17, $0xb8;
	[tilespmem:$0x1FC00] =	vst v63  }
0x1e5: {  	_ =	swait.ge [sflag:s22], $0x3800  }
0x1e6: {  	[sflag:s22] =	ssyncset.done $0x0  }
0x1e7: {  	[sflag:s22] =	ssyncadd.s32 $0xFFFFC800  }
0x1e8: {  	[spmem:s3] =	stream.indirect.scatter.add.f32 [tilespmem:s18], [sflag:$0x5], $0x80, s6, s17, $0xb8;
	[tilespmem:$0x1FC00] =	vst v63  }
0x1e9: {  	_ =	swait.ge [sflag:s23], $0x3800  }
0x1ea: {  	[sflag:s23] =	ssyncset.done $0x0  }
0x1eb: {  	[sflag:s23] =	ssyncadd.s32 $0xFFFFC800  }
0x1ec: {  	[tilespmem:s18], [sflag:$0x2] =	stream.indirect.gather [hbm4b:s0+s17], $0x80, s7, s17, $0xb8;
	[tilespmem:$0x1FC00] =	vst v63  }
0x1ed: {  	_ =	swait.ge [sflag:s26], $0x3800  }
0x1ee: {  	[sflag:s26] =	ssyncset.done $0x0  }
0x1ef: {  	[sflag:s26] =	ssyncadd.s32 $0xFFFFC800  }
0x1f0: {  	[spmem:s3] =	stream.indirect.scatter.add.f32 [tilespmem:s19], [sflag:$0x6], $0x80, s8, s17, $0xb8;
	[tilespmem:$0x1FC00] =	vst v63  }
0x1f1: {  	_ =	swait.ge [sflag:s28], $0x3800  }
0x1f2: {  	[sflag:s28] =	ssyncset.done $0x0  }
0x1f3: {  	[sflag:s28] =	ssyncadd.s32 $0xFFFFC800  }
0x1f4: {  	[tilespmem:s19], [sflag:$0x3] =	stream.indirect.gather [hbm4b:s0+s17], $0x80, s9, s17, $0xb8;
	[tilespmem:$0x1FC00] =	vst v63  }
0x1f5: {  	_ =	swait.ge [sflag:s20], $0x3800  }
0x1f6: {  	[sflag:s20] =	ssyncset.done $0x0  }
0x1f7: {  	[sflag:s20] =	ssyncadd.s32 $0xFFFFC800  }
0x1f8: {  	[spmem:s3] =	stream.indirect.scatter.add.f32 [tilespmem:s14], [sflag:$0x4], $0x80, s10, s17, $0xb8;
	[tilespmem:$0x1FC00] =	vst v63  }
0x1f9: {  	_ =	swait.ge [sflag:s22], $0x3800  }
0x1fa: {  	[sflag:s22] =	ssyncset.done $0x0  }
0x1fb: {  	[sflag:s22] =	ssyncadd.s32 $0xFFFFC800  }
0x1fc: {  	[spmem:s3] =	stream.indirect.scatter.add.f32 [tilespmem:s18], [sflag:$0x5], $0x80, s11, s17, $0xb8;
	[tilespmem:$0x1FC00] =	vst v63  }
0x1fd: {  	_ =	swait.ge [sflag:s26], $0x3800  }
0x1fe: {  	[sflag:s26] =	ssyncset.done $0x0  }
0x1ff: {  	[sflag:s26] =	ssyncadd.s32 $0xFFFFC800  }
0x200: {  	[spmem:s3] =	stream.indirect.scatter.add.f32 [tilespmem:s19], [sflag:$0x6], $0x80, s12, s17, $0xb8;
	[tilespmem:$0x1FC00] =	vst v63  }
0x201: {  	_ =	swait.ge [sflag:s21], $0x3800  }
0x202: {  	[sflag:s21] =	ssyncset.done $0x0  }
0x203: {  	p1 =	sne.s32 s25, $0x480;
	[sflag:s21] =	ssyncadd.s32 $0xFFFFC800  }
.Ltmp1:
0x204: {  	_ =	swait.ge [sflag:s23], $0x3800;
	(pc) =	sbr.rel @p1 .LBB2_4-.Ltmp1, $4  }
0x205: {  	[sflag:s23] =	ssyncset.done $0x0  }
0x206: {  	[sflag:s23] =	ssyncadd.s32 $0xFFFFC800  }
0x207: {  	_ =	swait.ge [sflag:s28], $0x3800  }
0x208: {  	s25 =	sadd.s32 $0x180, s25;
	s5 =	rddreg [dreg:$0x4];
	[sflag:s28] =	ssyncset.done $0x0  }
0x209: {  	[sflag:s28] =	ssyncadd.s32 $0xFFFFC800;
	s5 =	sadd.s32 s24, s5  }
0x20a: {  	[tilespmem:s4], [sflag:$0x7] =	stream.linear.gather [hbm4b:s5+s4], $0xC00, $0x38;
	[tilespmem:$0x1FC00] =	vst v63  }
0x20b: {  	_ =	swait.ge [sflag:s15], $0xC00  }
0x20c: {  	s13 =	rddreg [dreg:$0x5];
	[sflag:s15] =	ssyncset.done $0x0  }
0x20d: {  	[sflag:s15] =	ssyncadd.s32 $0xFFFFF400;
	s5 =	sadd.s32 s24, s13  }
0x20e: {  	[tilespmem:s16], [sflag:$0x7] =	stream.linear.gather [hbm4b:s5+s4], $0xC00, $0x38;
	[tilespmem:$0x1FC00] =	vst v63  }
0x20f: {  	_ =	swait.ge [sflag:s15], $0xC00  }
0x210: {  	[sflag:s15] =	ssyncset.done $0x0  }
0x211: {  	[sflag:s15] =	ssyncadd.s32 $0xFFFFF400  }
0x212: {  	[tilespmem:s14], [sflag:$0x1] =	stream.indirect.gather [hbm4b:s0+s17], $0x80, s4, s17, $0xb8;
	[tilespmem:$0x1FC00] =	vst v63  }
0x213: {  	s25 =	rddreg [dreg:$0x6]  }
0x214: {  	[tilespmem:s18], [sflag:$0x2] =	stream.indirect.gather [hbm4b:s0+s17], $0x80, s25, s17, $0xb8;
	[tilespmem:$0x1FC00] =	vst v63  }
0x215: {  	s13 =	rddreg [dreg:$0x7]  }
0x216: {  	[tilespmem:s19], [sflag:$0x3] =	stream.indirect.gather [hbm4b:s0+s17], $0x80, s13, s17, $0xb8;
	[tilespmem:$0x1FC00] =	vst v63  }
0x217: {  	_ =	swait.ge [sflag:s20], $0x3800  }
0x218: {  	[sflag:s20] =	ssyncset.done $0x0  }
0x219: {  	[sflag:s20] =	ssyncadd.s32 $0xFFFFC800  }
0x21a: {  	[spmem:s3] =	stream.indirect.scatter.add.f32 [tilespmem:s14], [sflag:$0x4], $0x80, s16, s17, $0xb8;
	[tilespmem:$0x1FC00] =	vst v63  }
0x21b: {  	_ =	swait.ge [sflag:s21], $0x3800  }
0x21c: {  	[sflag:s21] =	ssyncset.done $0x0  }
0x21d: {  	s24 =	rddreg [dreg:$0x8];
	[sflag:s21] =	ssyncadd.s32 $0xFFFFC800  }
0x21e: {  	[tilespmem:s14], [sflag:$0x1] =	stream.indirect.gather [hbm4b:s0+s17], $0x80, s24, s17, $0xb8;
	[tilespmem:$0x1FC00] =	vst v63  }
0x21f: {  	_ =	swait.ge [sflag:s22], $0x3800  }
0x220: {  	[sflag:s22] =	ssyncset.done $0x0  }
0x221: {  	s25 =	rddreg [dreg:$0x9];
	[sflag:s22] =	ssyncadd.s32 $0xFFFFC800  }
0x222: {  	[spmem:s3] =	stream.indirect.scatter.add.f32 [tilespmem:s18], [sflag:$0x5], $0x80, s25, s17, $0xb8;
	[tilespmem:$0x1FC00] =	vst v63  }
0x223: {  	_ =	swait.ge [sflag:s23], $0x3800  }
0x224: {  	[sflag:s23] =	ssyncset.done $0x0  }
0x225: {  	s13 =	rddreg [dreg:$0xa];
	[sflag:s23] =	ssyncadd.s32 $0xFFFFC800  }
0x226: {  	[tilespmem:s18], [sflag:$0x2] =	stream.indirect.gather [hbm4b:s0+s17], $0x80, s13, s17, $0xb8;
	[tilespmem:$0x1FC00] =	vst v63  }
0x227: {  	_ =	swait.ge [sflag:s26], $0x3800  }
0x228: {  	[sflag:s26] =	ssyncset.done $0x0  }
0x229: {  	s24 =	rddreg [dreg:$0xb];
	[sflag:s26] =	ssyncadd.s32 $0xFFFFC800  }
0x22a: {  	[spmem:s3] =	stream.indirect.scatter.add.f32 [tilespmem:s19], [sflag:$0x6], $0x80, s24, s17, $0xb8;
	[tilespmem:$0x1FC00] =	vst v63  }
0x22b: {  	_ =	swait.ge [sflag:s28], $0x3800  }
0x22c: {  	[sflag:s28] =	ssyncset.done $0x0  }
0x22d: {  	s25 =	rddreg [dreg:$0xc];
	[sflag:s28] =	ssyncadd.s32 $0xFFFFC800  }
0x22e: {  	[tilespmem:s19], [sflag:$0x3] =	stream.indirect.gather [hbm4b:s0+s17], $0x80, s25, s17, $0xb8;
	[tilespmem:$0x1FC00] =	vst v63  }
0x22f: {  	_ =	swait.ge [sflag:s20], $0x3800  }
0x230: {  	[sflag:s20] =	ssyncset.done $0x0  }
0x231: {  	s13 =	rddreg [dreg:$0xd];
	[sflag:s20] =	ssyncadd.s32 $0xFFFFC800  }
0x232: {  	[spmem:s3] =	stream.indirect.scatter.add.f32 [tilespmem:s14], [sflag:$0x4], $0x80, s13, s17, $0xb8;
	[tilespmem:$0x1FC00] =	vst v63  }
0x233: {  	_ =	swait.ge [sflag:s21], $0x3800  }
0x234: {  	[sflag:s21] =	ssyncset.done $0x0  }
0x235: {  	s24 =	rddreg [dreg:$0xe];
	[sflag:s21] =	ssyncadd.s32 $0xFFFFC800  }
0x236: {  	[tilespmem:s14], [sflag:$0x1] =	stream.indirect.gather [hbm4b:s0+s17], $0x80, s24, s17, $0xb8;
	[tilespmem:$0x1FC00] =	vst v63  }
0x237: {  	_ =	swait.ge [sflag:s22], $0x3800  }
0x238: {  	[sflag:s22] =	ssyncset.done $0x0  }
0x239: {  	s25 =	rddreg [dreg:$0xf];
	[sflag:s22] =	ssyncadd.s32 $0xFFFFC800  }
0x23a: {  	[spmem:s3] =	stream.indirect.scatter.add.f32 [tilespmem:s18], [sflag:$0x5], $0x80, s25, s17, $0xb8;
	[tilespmem:$0x1FC00] =	vst v63  }
0x23b: {  	_ =	swait.ge [sflag:s23], $0x3800  }
0x23c: {  	[sflag:s23] =	ssyncset.done $0x0  }
0x23d: {  	s13 =	rddreg [dreg:$0x10];
	[sflag:s23] =	ssyncadd.s32 $0xFFFFC800  }
0x23e: {  	[tilespmem:s18], [sflag:$0x2] =	stream.indirect.gather [hbm4b:s0+s17], $0x80, s13, s17, $0xb8;
	[tilespmem:$0x1FC00] =	vst v63  }
0x23f: {  	_ =	swait.ge [sflag:s26], $0x3800  }
0x240: {  	[sflag:s26] =	ssyncset.done $0x0  }
0x241: {  	s24 =	rddreg [dreg:$0x11];
	[sflag:s26] =	ssyncadd.s32 $0xFFFFC800  }
0x242: {  	[spmem:s3] =	stream.indirect.scatter.add.f32 [tilespmem:s19], [sflag:$0x6], $0x80, s24, s17, $0xb8;
	[tilespmem:$0x1FC00] =	vst v63  }
0x243: {  	_ =	swait.ge [sflag:s28], $0x3800  }
0x244: {  	[sflag:s28] =	ssyncset.done $0x0  }
0x245: {  	s25 =	rddreg [dreg:$0x12];
	[sflag:s28] =	ssyncadd.s32 $0xFFFFC800  }
0x246: {  	[tilespmem:s19], [sflag:$0x3] =	stream.indirect.gather [hbm4b:s0+s17], $0x80, s25, s17, $0xb8;
	[tilespmem:$0x1FC00] =	vst v63  }
0x247: {  	_ =	swait.ge [sflag:s20], $0x3800  }
0x248: {  	[sflag:s20] =	ssyncset.done $0x0  }
0x249: {  	s13 =	rddreg [dreg:$0x13];
	[sflag:s20] =	ssyncadd.s32 $0xFFFFC800  }
0x24a: {  	[spmem:s3] =	stream.indirect.scatter.add.f32 [tilespmem:s14], [sflag:$0x4], $0x80, s13, s17, $0xb8;
	[tilespmem:$0x1FC00] =	vst v63  }
0x24b: {  	_ =	swait.ge [sflag:s21], $0x3800  }
0x24c: {  	[sflag:s21] =	ssyncset.done $0x0  }
0x24d: {  	s24 =	rddreg [dreg:$0x14];
	[sflag:s21] =	ssyncadd.s32 $0xFFFFC800  }
0x24e: {  	[tilespmem:s14], [sflag:$0x1] =	stream.indirect.gather [hbm4b:s0+s17], $0x80, s24, s17, $0xb8;
	[tilespmem:$0x1FC00] =	vst v63  }
0x24f: {  	_ =	swait.ge [sflag:s22], $0x3800  }
0x250: {  	[sflag:s22] =	ssyncset.done $0x0  }
0x251: {  	s25 =	rddreg [dreg:$0x15];
	[sflag:s22] =	ssyncadd.s32 $0xFFFFC800  }
0x252: {  	[spmem:s3] =	stream.indirect.scatter.add.f32 [tilespmem:s18], [sflag:$0x5], $0x80, s25, s17, $0xb8;
	[tilespmem:$0x1FC00] =	vst v63  }
0x253: {  	_ =	swait.ge [sflag:s23], $0x3800  }
0x254: {  	[sflag:s23] =	ssyncset.done $0x0  }
0x255: {  	s13 =	rddreg [dreg:$0x16];
	[sflag:s23] =	ssyncadd.s32 $0xFFFFC800  }
0x256: {  	[tilespmem:s18], [sflag:$0x2] =	stream.indirect.gather [hbm4b:s0+s17], $0x80, s13, s17, $0xb8;
	[tilespmem:$0x1FC00] =	vst v63  }
0x257: {  	_ =	swait.ge [sflag:s26], $0x3800  }
0x258: {  	[sflag:s26] =	ssyncset.done $0x0  }
0x259: {  	s24 =	rddreg [dreg:$0x17];
	[sflag:s26] =	ssyncadd.s32 $0xFFFFC800  }
0x25a: {  	[spmem:s3] =	stream.indirect.scatter.add.f32 [tilespmem:s19], [sflag:$0x6], $0x80, s24, s17, $0xb8;
	[tilespmem:$0x1FC00] =	vst v63  }
0x25b: {  	_ =	swait.ge [sflag:s28], $0x3800  }
0x25c: {  	[sflag:s28] =	ssyncset.done $0x0  }
0x25d: {  	s25 =	rddreg [dreg:$0x18];
	[sflag:s28] =	ssyncadd.s32 $0xFFFFC800  }
0x25e: {  	[tilespmem:s19], [sflag:$0x3] =	stream.indirect.gather [hbm4b:s0+s17], $0x80, s25, s17, $0xb8;
	[tilespmem:$0x1FC00] =	vst v63  }
0x25f: {  	_ =	swait.ge [sflag:s20], $0x3800  }
0x260: {  	[sflag:s20] =	ssyncset.done $0x0  }
0x261: {  	s13 =	rddreg [dreg:$0x19];
	[sflag:s20] =	ssyncadd.s32 $0xFFFFC800  }
0x262: {  	[spmem:s3] =	stream.indirect.scatter.add.f32 [tilespmem:s14], [sflag:$0x4], $0x80, s13, s17, $0xb8;
	[tilespmem:$0x1FC00] =	vst v63  }
0x263: {  	_ =	swait.ge [sflag:s21], $0x3800  }
0x264: {  	[sflag:s21] =	ssyncset.done $0x0  }
0x265: {  	s24 =	rddreg [dreg:$0x1a];
	[sflag:s21] =	ssyncadd.s32 $0xFFFFC800  }
0x266: {  	[tilespmem:s14], [sflag:$0x1] =	stream.indirect.gather [hbm4b:s0+s17], $0x80, s24, s17, $0xb8;
	[tilespmem:$0x1FC00] =	vst v63  }
0x267: {  	_ =	swait.ge [sflag:s22], $0x3800  }
0x268: {  	[sflag:s22] =	ssyncset.done $0x0  }
0x269: {  	s25 =	rddreg [dreg:$0x1b];
	[sflag:s22] =	ssyncadd.s32 $0xFFFFC800  }
0x26a: {  	[spmem:s3] =	stream.indirect.scatter.add.f32 [tilespmem:s18], [sflag:$0x5], $0x80, s25, s17, $0xb8;
	[tilespmem:$0x1FC00] =	vst v63  }
0x26b: {  	_ =	swait.ge [sflag:s23], $0x3800  }
0x26c: {  	[sflag:s23] =	ssyncset.done $0x0  }
0x26d: {  	s13 =	rddreg [dreg:$0x1c];
	[sflag:s23] =	ssyncadd.s32 $0xFFFFC800  }
0x26e: {  	[tilespmem:s18], [sflag:$0x2] =	stream.indirect.gather [hbm4b:s0+s17], $0x80, s13, s17, $0xb8;
	[tilespmem:$0x1FC00] =	vst v63  }
0x26f: {  	_ =	swait.ge [sflag:s26], $0x3800  }
0x270: {  	[sflag:s26] =	ssyncset.done $0x0  }
0x271: {  	s24 =	rddreg [dreg:$0x1d];
	[sflag:s26] =	ssyncadd.s32 $0xFFFFC800  }
0x272: {  	[spmem:s3] =	stream.indirect.scatter.add.f32 [tilespmem:s19], [sflag:$0x6], $0x80, s24, s17, $0xb8;
	[tilespmem:$0x1FC00] =	vst v63  }
0x273: {  	_ =	swait.ge [sflag:s28], $0x3800  }
0x274: {  	[sflag:s28] =	ssyncset.done $0x0  }
0x275: {  	s25 =	rddreg [dreg:$0x1e];
	[sflag:s28] =	ssyncadd.s32 $0xFFFFC800  }
0x276: {  	[tilespmem:s19], [sflag:$0x3] =	stream.indirect.gather [hbm4b:s0+s17], $0x80, s25, s17, $0xb8;
	[tilespmem:$0x1FC00] =	vst v63  }
0x277: {  	_ =	swait.ge [sflag:s20], $0x3800  }
0x278: {  	[sflag:s20] =	ssyncset.done $0x0  }
0x279: {  	s13 =	rddreg [dreg:$0x1f];
	[sflag:s20] =	ssyncadd.s32 $0xFFFFC800  }
0x27a: {  	[spmem:s3] =	stream.indirect.scatter.add.f32 [tilespmem:s14], [sflag:$0x4], $0x80, s13, s17, $0xb8;
	[tilespmem:$0x1FC00] =	vst v63  }
0x27b: {  	_ =	swait.ge [sflag:s21], $0x3800  }
0x27c: {  	s24 =	sld [smem:$0x7F4]  }
0x27d: {  	[sflag:s21] =	ssyncset.done $0x0  }
0x27e: {  	[sflag:s21] =	ssyncadd.s32 $0xFFFFC800  }
0x27f: {  	[tilespmem:s14], [sflag:$0x1] =	stream.indirect.gather [hbm4b:s0+s17], $0x80, s24, s17, $0xb8;
	[tilespmem:$0x1FC00] =	vst v63  }
0x280: {  	_ =	swait.ge [sflag:s22], $0x3800  }
0x281: {  	s25 =	sld [smem:$0x7F5]  }
0x282: {  	[sflag:s22] =	ssyncset.done $0x0  }
0x283: {  	[sflag:s22] =	ssyncadd.s32 $0xFFFFC800  }
0x284: {  	[spmem:s3] =	stream.indirect.scatter.add.f32 [tilespmem:s18], [sflag:$0x5], $0x80, s25, s17, $0xb8;
	[tilespmem:$0x1FC00] =	vst v63  }
0x285: {  	_ =	swait.ge [sflag:s23], $0x3800  }
0x286: {  	s13 =	sld [smem:$0x7F6]  }
0x287: {  	[sflag:s23] =	ssyncset.done $0x0  }
0x288: {  	[sflag:s23] =	ssyncadd.s32 $0xFFFFC800  }
0x289: {  	[tilespmem:s18], [sflag:$0x2] =	stream.indirect.gather [hbm4b:s0+s17], $0x80, s13, s17, $0xb8;
	[tilespmem:$0x1FC00] =	vst v63  }
0x28a: {  	_ =	swait.ge [sflag:s26], $0x3800  }
0x28b: {  	s24 =	sld [smem:$0x7F7]  }
0x28c: {  	[sflag:s26] =	ssyncset.done $0x0  }
0x28d: {  	[sflag:s26] =	ssyncadd.s32 $0xFFFFC800  }
0x28e: {  	[spmem:s3] =	stream.indirect.scatter.add.f32 [tilespmem:s19], [sflag:$0x6], $0x80, s24, s17, $0xb8;
	[tilespmem:$0x1FC00] =	vst v63  }
0x28f: {  	_ =	swait.ge [sflag:s28], $0x3800  }
0x290: {  	s25 =	sld [smem:$0x7F8]  }
0x291: {  	[sflag:s28] =	ssyncset.done $0x0  }
0x292: {  	[sflag:s28] =	ssyncadd.s32 $0xFFFFC800  }
0x293: {  	[tilespmem:s19], [sflag:$0x3] =	stream.indirect.gather [hbm4b:s0+s17], $0x80, s25, s17, $0xb8;
	[tilespmem:$0x1FC00] =	vst v63  }
0x294: {  	_ =	swait.ge [sflag:s20], $0x3800  }
0x295: {  	s13 =	sld [smem:$0x7F9]  }
0x296: {  	[sflag:s20] =	ssyncset.done $0x0  }
0x297: {  	[sflag:s20] =	ssyncadd.s32 $0xFFFFC800  }
0x298: {  	[spmem:s3] =	stream.indirect.scatter.add.f32 [tilespmem:s14], [sflag:$0x4], $0x80, s13, s17, $0xb8;
	[tilespmem:$0x1FC00] =	vst v63  }
0x299: {  	_ =	swait.ge [sflag:s21], $0x3800  }
0x29a: {  	s24 =	sld [smem:$0x7FA]  }
0x29b: {  	[sflag:s21] =	ssyncset.done $0x0  }
0x29c: {  	[sflag:s21] =	ssyncadd.s32 $0xFFFFC800  }
0x29d: {  	[tilespmem:s14], [sflag:$0x1] =	stream.indirect.gather [hbm4b:s0+s17], $0x80, s24, s17, $0xb8;
	[tilespmem:$0x1FC00] =	vst v63  }
0x29e: {  	_ =	swait.ge [sflag:s22], $0x3800  }
0x29f: {  	s25 =	sld [smem:$0x7FB]  }
0x2a0: {  	[sflag:s22] =	ssyncset.done $0x0  }
0x2a1: {  	[sflag:s22] =	ssyncadd.s32 $0xFFFFC800  }
0x2a2: {  	[spmem:s3] =	stream.indirect.scatter.add.f32 [tilespmem:s18], [sflag:$0x5], $0x80, s25, s17, $0xb8;
	[tilespmem:$0x1FC00] =	vst v63  }
0x2a3: {  	_ =	swait.ge [sflag:s23], $0x3800  }
0x2a4: {  	[sflag:s23] =	ssyncset.done $0x0  }
0x2a5: {  	[sflag:s23] =	ssyncadd.s32 $0xFFFFC800  }
0x2a6: {  	[tilespmem:s18], [sflag:$0x2] =	stream.indirect.gather [hbm4b:s0+s17], $0x80, s29, s17, $0xb8;
	[tilespmem:$0x1FC00] =	vst v63  }
0x2a7: {  	_ =	swait.ge [sflag:s26], $0x3800  }
0x2a8: {  	[sflag:s26] =	ssyncset.done $0x0  }
0x2a9: {  	[sflag:s26] =	ssyncadd.s32 $0xFFFFC800  }
0x2aa: {  	[spmem:s3] =	stream.indirect.scatter.add.f32 [tilespmem:s19], [sflag:$0x6], $0x80, s30, s17, $0xb8;
	[tilespmem:$0x1FC00] =	vst v63  }
0x2ab: {  	_ =	swait.ge [sflag:s28], $0x3800  }
0x2ac: {  	[sflag:s28] =	ssyncset.done $0x0  }
0x2ad: {  	[sflag:s28] =	ssyncadd.s32 $0xFFFFC800  }
0x2ae: {  	[tilespmem:s19], [sflag:$0x3] =	stream.indirect.gather [hbm4b:s0+s17], $0x80, s31, s17, $0xb8;
	[tilespmem:$0x1FC00] =	vst v63  }
0x2af: {  	_ =	swait.ge [sflag:s20], $0x3800  }
0x2b0: {  	[sflag:s20] =	ssyncset.done $0x0  }
0x2b1: {  	[sflag:s20] =	ssyncadd.s32 $0xFFFFC800  }
0x2b2: {  	[spmem:s3] =	stream.indirect.scatter.add.f32 [tilespmem:s14], [sflag:$0x4], $0x80, s1, s17, $0xb8;
	[tilespmem:$0x1FC00] =	vst v63  }
0x2b3: {  	_ =	swait.ge [sflag:s21], $0x3800  }
0x2b4: {  	[sflag:s21] =	ssyncset.done $0x0  }
0x2b5: {  	[sflag:s21] =	ssyncadd.s32 $0xFFFFC800  }
0x2b6: {  	[tilespmem:s14], [sflag:$0x1] =	stream.indirect.gather [hbm4b:s0+s17], $0x80, s2, s17, $0xb8;
	[tilespmem:$0x1FC00] =	vst v63  }
0x2b7: {  	_ =	swait.ge [sflag:s22], $0x3800  }
0x2b8: {  	[sflag:s22] =	ssyncset.done $0x0  }
0x2b9: {  	[sflag:s22] =	ssyncadd.s32 $0xFFFFC800  }
0x2ba: {  	[spmem:s3] =	stream.indirect.scatter.add.f32 [tilespmem:s18], [sflag:$0x5], $0x80, s6, s17, $0xb8;
	[tilespmem:$0x1FC00] =	vst v63  }
0x2bb: {  	_ =	swait.ge [sflag:s23], $0x3800  }
0x2bc: {  	[sflag:s23] =	ssyncset.done $0x0  }
0x2bd: {  	[sflag:s23] =	ssyncadd.s32 $0xFFFFC800  }
0x2be: {  	[tilespmem:s18], [sflag:$0x2] =	stream.indirect.gather [hbm4b:s0+s17], $0x80, s7, s17, $0xb8;
	[tilespmem:$0x1FC00] =	vst v63  }
0x2bf: {  	_ =	swait.ge [sflag:s26], $0x3800  }
0x2c0: {  	[sflag:s26] =	ssyncset.done $0x0  }
0x2c1: {  	[sflag:s26] =	ssyncadd.s32 $0xFFFFC800  }
0x2c2: {  	[spmem:s3] =	stream.indirect.scatter.add.f32 [tilespmem:s19], [sflag:$0x6], $0x80, s8, s17, $0xb8;
	[tilespmem:$0x1FC00] =	vst v63  }
0x2c3: {  	_ =	swait.ge [sflag:s28], $0x3800  }
0x2c4: {  	[sflag:s28] =	ssyncset.done $0x0  }
0x2c5: {  	[sflag:s28] =	ssyncadd.s32 $0xFFFFC800  }
0x2c6: {  	[tilespmem:s19], [sflag:$0x3] =	stream.indirect.gather [hbm4b:s0+s17], $0x80, s9, s17, $0xb8;
	[tilespmem:$0x1FC00] =	vst v63  }
0x2c7: {  	_ =	swait.ge [sflag:s20], $0x3800  }
0x2c8: {  	[sflag:s20] =	ssyncset.done $0x0  }
0x2c9: {  	[sflag:s20] =	ssyncadd.s32 $0xFFFFC800  }
0x2ca: {  	[spmem:s3] =	stream.indirect.scatter.add.f32 [tilespmem:s14], [sflag:$0x4], $0x80, s10, s17, $0xb8;
	[tilespmem:$0x1FC00] =	vst v63  }
0x2cb: {  	_ =	swait.ge [sflag:s22], $0x3800  }
0x2cc: {  	[sflag:s22] =	ssyncset.done $0x0  }
0x2cd: {  	[sflag:s22] =	ssyncadd.s32 $0xFFFFC800  }
0x2ce: {  	[spmem:s3] =	stream.indirect.scatter.add.f32 [tilespmem:s18], [sflag:$0x5], $0x80, s11, s17, $0xb8;
	[tilespmem:$0x1FC00] =	vst v63  }
0x2cf: {  	_ =	swait.ge [sflag:s26], $0x3800  }
0x2d0: {  	[sflag:s26] =	ssyncset.done $0x0  }
0x2d1: {  	[sflag:s26] =	ssyncadd.s32 $0xFFFFC800  }
0x2d2: {  	[spmem:s3] =	stream.indirect.scatter.add.f32 [tilespmem:s19], [sflag:$0x6], $0x80, s12, s17, $0xb8;
	[tilespmem:$0x1FC00] =	vst v63  }
0x2d3: {  	_ =	swait.ge [sflag:s21], $0x3800  }
0x2d4: {  	[sflag:s21] =	ssyncset.done $0x0  }
0x2d5: {  	[sflag:s21] =	ssyncadd.s32 $0xFFFFC800  }
0x2d6: {  	_ =	swait.ge [sflag:s23], $0x3800  }
0x2d7: {  	[sflag:s23] =	ssyncset.done $0x0  }
0x2d8: {  	[sflag:s23] =	ssyncadd.s32 $0xFFFFC800  }
0x2d9: {  	_ =	swait.ge [sflag:s28], $0x3800  }
0x2da: {  	[sflag:s28] =	ssyncset.done $0x0  }
0x2db: {  	[sflag:s28] =	ssyncadd.s32 $0xFFFFC800  }
0x2dc: {  	[bflag:$0x0] =	sbarrier.arrive $0xFFFF  }
0x2dd: {  	s24 =	sld [smem:$0x7F1]  }
0x2de: {  	s13 =	stileid.u32;
	s25 =	sld [smem:$0x7FC]  }
0x2df: {  	s5 =	sshll.u32 s13, $0x6  }
0x2e0: {  	s5 =	sor.u32 $0x1C07, s5  }
0x2e1: {  	[hbm:s24], [sflag:s5] =	dma.local [spmem:s25], $0x2700  }
0x2e2: {  	_ =	swait.ge [sflag:s15], $0x2700  }
0x2e3: {  	s13 =	sld [smem:$0x7F2]  }
0x2e4: {  	s24 =	sld [smem:$0x7FD]  }
0x2e5: {  	[sflag:s15] =	ssyncset.done $0x0  }
0x2e6: {  	[sflag:s15] =	ssyncadd.s32 $0xFFFFD900  }
0x2e7: {  	[hbm:s13], [sflag:s5] =	dma.local @!p0 [spmem:s24], $0x100  }
0x2e8: {  	s5 =	simm.s32 @!p0 $0x7  }
0x2e9: {  	_ =	swait.ge @!p0 [sflag:s5], $0x100  }
0x2ea: {  	s13 =	sld [smem:$0x7EA]  }
0x2eb: {  	s25 =	sld [smem:$0x7F3];
	_ =	sdelay $0x1  }
0x2ec: {  	s24 =	sadd.s32 $0x1, s13  }
0x2ed: {  	p1 =	sne.s32 s24, s25  }
.Ltmp2:
0x2ee: {  	_ = 	snop;
	(pc) =	sbr.rel @p1 .LBB2_1-.Ltmp2, $3  }
0x2ef: {  	_ =	sdelay $0x1  }
0x2f0: {  	[sflag:s5] =	ssyncset.done @!p0 $0x0  }
0x2f1: {  	[sflag:s5] =	ssyncadd.s32 @!p0 $0xFFFFFF00  }
0x2f2: {  	_ =	sfence.sel $0x180000  }
0x2f3: {  	[bflag:$0x0] =	sbarrier.arrive $0xFFFF  }
0x2f4: {  	_ =	strace $0x9000004A  }
0x2f5: {  	[bflag:$0x2] =	sbarrier.arrive $0xFFFF  }
0x2f6: {  	s0 =	rddreg [dreg:$0x3]  }
0x2f7: {  	s0 =	sadd.s32 @!p0 $0x100000, s0  }
0x2f8: {  	[sflag:s0] =	ssyncadd.tile.s32 @!p0 $0x1;
	_ =	shalt  }
.Lfunc_end2:
_tile_overlayer_lowered:
.L_overlay_start_2:
0x2f9: {  	(tag) =	ssettag $0x2  }
0x2fa: {  	s0 =	rddreg [dreg:$0x0];
	s2 =	stileid.u32  }
0x2fb: {  	s1 =	rddreg [dreg:$0x1];
	p0 =	sne.s32 s2, $0x0  }
0x2fc: {  	s3 =	rddreg [dreg:$0x2];
	[bflag:$0x3] =	sbarrier.arrive $0xFFFF;
	s2 =	simm.s32 @!p0 $0x1C07  }
0x2fd: {  	[timem:s3], [sflag:s2] =	dma.local @!p0 [hbm:s0], s1  }
0x2fe: {  	s0 =	simm.s32 @!p0 $0x7  }
0x2ff: {  	_ =	swait.ge @!p0 [sflag:s0], s1  }
0x300: {  	s1 =	ssub.s32 @!p0 $0x0, s1;
	[sflag:s0] =	ssyncset.done @!p0 $0x0  }
0x301: {  	[sflag:s0] =	ssyncadd.s32 @!p0 s1  }
0x302: {  	[bflag:$0x3] =	sbarrier.arrive $0xFFFF  }
0x303: {  	_ =	shalt  }

</sc_bundles>
